<compile_context>
chip_gen: v7x
topology: tpu7x:2x2x1
jax: 0.10.2.dev20260603
libtpu: 0.0.44.dev20260713+nightly
codegen_flags: <defaults>
</compile_context>

<pallas_src>
import jax
import jax.numpy as jnp
from jax import lax
from jax.experimental import pallas as pl
from jax.experimental.pallas import tpu as pltpu
from jax.experimental.pallas import tpu_sc as plsc

N = 10000
E = 320000
D = 128

NC = 2
NS = 16
NW = NC * NS
EPW = E // NW
EK = 125
ENCH = EPW // EK
ENCH2 = ENCH // 2

ZROWS = 624
ZTAIL0 = NS * ZROWS
ZTAIL = N - ZTAIL0


def _sc_aggregate(table, ed2, zD):
    mesh = plsc.VectorSubcoreMesh(core_axis_name="c", subcore_axis_name="s")

    def body(table_r, e_r, zD_r, pacc_r, acc_sh,
             e_a, rows_a, isem_a, gsem_a,
             e_b, rows_b, isem_b, gsem_b):
        c = lax.axis_index("c")
        s = lax.axis_index("s")
        wid = c * NS + s

        z0 = s * ZROWS
        pltpu.sync_copy(zD_r.at[pl.ds(z0, ZROWS)], acc_sh.at[pl.ds(z0, ZROWS)])

        @pl.when(s == 0)
        def _zero_tail():
            pltpu.sync_copy(zD_r.at[pl.ds(ZTAIL0, ZTAIL)],
                            acc_sh.at[pl.ds(ZTAIL0, ZTAIL)])

        def start_idx(j, ebuf, sem):
            pltpu.async_copy(e_r.at[wid, j], ebuf, sem)

        def wait_idx(ebuf, sem):
            pltpu.make_async_copy(e_r.at[wid, 0], ebuf, sem).wait()

        plsc.subcore_barrier()

        start_idx(0, e_a, isem_a)
        wait_idx(e_a, isem_a)
        pltpu.async_copy(table_r.at[e_a.at[0]], rows_a, gsem_a)
        start_idx(1, e_b, isem_b)

        def body2(jj, carry):
            not_last = jj < ENCH2 - 1
            pltpu.make_async_copy(table_r.at[e_a.at[0]], rows_a, gsem_a).wait()
            wait_idx(e_b, isem_b)
            pltpu.async_copy(table_r.at[e_b.at[0]], rows_b, gsem_b)
            pltpu.sync_copy(rows_a, acc_sh.at[e_a.at[1]], add=True)

            @pl.when(not_last)
            def _pf_a():
                start_idx(2 * jj + 2, e_a, isem_a)

            pltpu.make_async_copy(table_r.at[e_b.at[0]], rows_b, gsem_b).wait()

            @pl.when(not_last)
            def _g_a():
                wait_idx(e_a, isem_a)
                pltpu.async_copy(table_r.at[e_a.at[0]], rows_a, gsem_a)

            pltpu.sync_copy(rows_b, acc_sh.at[e_b.at[1]], add=True)

            @pl.when(not_last)
            def _pf_b():
                start_idx(2 * jj + 3, e_b, isem_b)

            return carry

        lax.fori_loop(0, ENCH2, body2, 0)
        plsc.subcore_barrier()

        pltpu.sync_copy(acc_sh.at[pl.ds(z0, ZROWS)],
                        pacc_r.at[c, pl.ds(z0, ZROWS)])

        @pl.when(s == 0)
        def _out_tail():
            pltpu.sync_copy(acc_sh.at[pl.ds(ZTAIL0, ZTAIL)],
                            pacc_r.at[c, pl.ds(ZTAIL0, ZTAIL)])

    return pl.kernel(
        body,
        out_type=jax.ShapeDtypeStruct((NC, N, D), jnp.float32),
        mesh=mesh,
        scratch_types=[
            pltpu.VMEM_SHARED((N, D), jnp.float32),
            pltpu.VMEM((2, EK), jnp.int32),
            pltpu.VMEM((EK, D), jnp.float32),
            pltpu.SemaphoreType.DMA,
            pltpu.SemaphoreType.DMA,
            pltpu.VMEM((2, EK), jnp.int32),
            pltpu.VMEM((EK, D), jnp.float32),
            pltpu.SemaphoreType.DMA,
            pltpu.SemaphoreType.DMA,
        ],
    )(table, ed2, zD)


def _sc_counts(dst2, zD):
    mesh = plsc.VectorSubcoreMesh(core_axis_name="c", subcore_axis_name="s")

    def body(dst_r, zD_r, pcnt_r, cnt_sh, dst_a, dst_b, ones_v,
             isem_a, isem_b):
        c = lax.axis_index("c")
        s = lax.axis_index("s")
        wid = c * NS + s

        z0 = s * ZROWS
        pltpu.sync_copy(zD_r.at[pl.ds(z0, ZROWS)], cnt_sh.at[pl.ds(z0, ZROWS)])

        @pl.when(s == 0)
        def _zero_tail():
            pltpu.sync_copy(zD_r.at[pl.ds(ZTAIL0, ZTAIL)],
                            cnt_sh.at[pl.ds(ZTAIL0, ZTAIL)])

        def ones_row(i, carry):
            for k in range(D // 16):
                ones_v[i, pl.ds(k * 16, 16)] = jnp.ones((16,), jnp.float32)
            return carry

        lax.fori_loop(0, EK, ones_row, 0)
        plsc.subcore_barrier()

        pltpu.async_copy(dst_r.at[wid, 0], dst_a, isem_a)

        def body2(jj, carry):
            not_last = jj < ENCH2 - 1
            pltpu.make_async_copy(dst_r.at[wid, 0], dst_a, isem_a).wait()
            pltpu.async_copy(dst_r.at[wid, 2 * jj + 1], dst_b, isem_b)
            pltpu.sync_copy(ones_v, cnt_sh.at[dst_a], add=True)
            pltpu.make_async_copy(dst_r.at[wid, 0], dst_b, isem_b).wait()

            @pl.when(not_last)
            def _pf():
                pltpu.async_copy(dst_r.at[wid, 2 * jj + 2], dst_a, isem_a)

            pltpu.sync_copy(ones_v, cnt_sh.at[dst_b], add=True)
            return carry

        lax.fori_loop(0, ENCH2, body2, 0)
        plsc.subcore_barrier()

        pltpu.sync_copy(cnt_sh.at[pl.ds(z0, ZROWS)],
                        pcnt_r.at[c, pl.ds(z0, ZROWS)])

        @pl.when(s == 0)
        def _out_tail():
            pltpu.sync_copy(cnt_sh.at[pl.ds(ZTAIL0, ZTAIL)],
                            pcnt_r.at[c, pl.ds(ZTAIL0, ZTAIL)])

    return pl.kernel(
        body,
        out_type=jax.ShapeDtypeStruct((NC, N, D), jnp.float32),
        mesh=mesh,
        scratch_types=[
            pltpu.VMEM_SHARED((N, D), jnp.float32),
            pltpu.VMEM((EK,), jnp.int32),
            pltpu.VMEM((EK,), jnp.int32),
            pltpu.VMEM((EK, D), jnp.float32),
            pltpu.SemaphoreType.DMA,
            pltpu.SemaphoreType.DMA,
        ],
    )(dst2, zD)


def _tc_dense1_body(pacc, pcnt, x, wl, bl, wr, h_out, inv_out):
    cnt = pcnt[0, :, 0:1] + pcnt[1, :, 0:1]
    inv = 1.0 / jnp.maximum(cnt, 1.0)
    agg = (pacc[0] + pacc[1]) * inv
    pre = (
        lax.dot_general(agg, wl[...], (((1,), (1,)), ((), ())),
                        preferred_element_type=jnp.float32)
        + bl[...]
        + lax.dot_general(x[...], wr[...], (((1,), (1,)), ((), ())),
                          preferred_element_type=jnp.float32)
    )
    h_out[...] = jnp.maximum(pre, 0.0)
    inv_out[...] = inv


def _tc_dense2_body(pacc, inv, h, wl, bl, wr, h2_out):
    agg = (pacc[0] + pacc[1]) * inv[...]
    h2_out[...] = (
        lax.dot_general(agg, wl[...], (((1,), (1,)), ((), ())),
                        preferred_element_type=jnp.float32)
        + bl[...]
        + lax.dot_general(h[...], wr[...], (((1,), (1,)), ((), ())),
                          preferred_element_type=jnp.float32)
    )


RPW = 312
RK = 104
RNCH = RPW // RK
RTAIL = N - NW * RPW


def _sc_scores(h2, mention):
    mesh = plsc.VectorSubcoreMesh(core_axis_name="c", subcore_axis_name="s")

    def body(h2_r, m_r, sc_r, midx_v, grows_v, hrows_v, scores_v, gsem):
        c = lax.axis_index("c")
        s = lax.axis_index("s")
        wid = c * NS + s
        base = wid * RPW

        def row_dot(g_ref, h_ref, r):
            acc = jnp.zeros((16,), jnp.float32)
            for k in range(D // 16):
                acc = acc + g_ref[r, pl.ds(k * 16, 16)] * h_ref[r, pl.ds(k * 16, 16)]
            return acc

        def do_chunk(off, nrows):
            pltpu.sync_copy(m_r.at[pl.ds(off, nrows)],
                            midx_v.at[pl.ds(0, nrows)])
            pltpu.async_copy(h2_r.at[midx_v.at[pl.ds(0, nrows)]],
                             grows_v.at[pl.ds(0, nrows)], gsem).wait()
            pltpu.sync_copy(h2_r.at[pl.ds(off, nrows)],
                            hrows_v.at[pl.ds(0, nrows)])

            def row(r, carry2):
                scores_v[r] = row_dot(grows_v, hrows_v, r)
                return carry2

            lax.fori_loop(0, nrows, row, 0)
            pltpu.sync_copy(scores_v.at[pl.ds(0, nrows)],
                            sc_r.at[pl.ds(off, nrows)])

        def chunk(j, carry):
            do_chunk(base + j * RK, RK)
            return carry

        lax.fori_loop(0, RNCH, chunk, 0)

        @pl.when(wid == 0)
        def _tail():
            do_chunk(NW * RPW, RTAIL)

    return pl.kernel(
        body,
        out_type=jax.ShapeDtypeStruct((N, 16), jnp.float32),
        mesh=mesh,
        scratch_types=[
            pltpu.VMEM((RK,), jnp.int32),
            pltpu.VMEM((RK, D), jnp.float32),
            pltpu.VMEM((RK, D), jnp.float32),
            pltpu.VMEM((RK, 16), jnp.float32),
            pltpu.SemaphoreType.DMA,
        ],
    )(h2, mention)


def _tc_softmax_body(s_ref, z_ref):
    s = jnp.sum(s_ref[...], axis=1)
    m = jnp.max(s)
    e = jnp.exp(s - m)
    z_ref[...] = e / jnp.sum(e)


def kernel(x, edge_index, mention_index, W1l, b1l, W1r, W2l, b2l, W2r):
    ei = edge_index.astype(jnp.int32)
    ed2 = ei.reshape(2, NW, ENCH, EK).transpose(1, 2, 0, 3)
    dst2 = ei[1].reshape(NW, ENCH, EK)
    mention = mention_index.astype(jnp.int32)
    zD = jnp.zeros((N, D), jnp.float32)
    bl1 = b1l.reshape(1, D)
    bl2 = b2l.reshape(1, D)

    pcnt = _sc_counts(dst2, zD)

    pacc1 = _sc_aggregate(x, ed2, zD)
    h, inv = pl.pallas_call(
        _tc_dense1_body,
        out_shape=[
            jax.ShapeDtypeStruct((N, D), jnp.float32),
            jax.ShapeDtypeStruct((N, 1), jnp.float32),
        ],
    )(pacc1, pcnt, x, W1l, bl1, W1r)

    pacc2 = _sc_aggregate(h, ed2, zD)
    h2 = pl.pallas_call(
        _tc_dense2_body,
        out_shape=jax.ShapeDtypeStruct((N, D), jnp.float32),
    )(pacc2, inv, h, W2l, bl2, W2r)

    scores16 = _sc_scores(h2, mention)
    z = pl.pallas_call(
        _tc_softmax_body,
        out_shape=jax.ShapeDtypeStruct((N,), jnp.float32),
    )(scores16)
    return z

# --- scband reference (transcript-rebuilt; emitter-appended) ---
"""Pipeline reference for scband-gnn-85134841741882 (READ-ONLY COPY).

The authoritative reference and input builder live on the scoring server;
editing this copy changes nothing except your own understanding.
"""

import jax, jax.numpy as jnp
import numpy as np

N = 10000
E = 320000
D = 128
H = 128
O = 128


def _sage_conv(x, edge_index, Wl, bl, Wr):
    # PyG SAGEConv with mean aggregation:
    # out = lin_l(mean_{j in N(i)} x_j) + lin_r(x_i)
    src = edge_index[0]
    dst = edge_index[1]
    msg = x[src]  # gather source node features per edge
    agg_sum = jax.ops.segment_sum(msg, dst, num_segments=N)
    cnt = jax.ops.segment_sum(jnp.ones((edge_index.shape[1],), dtype=x.dtype), dst, num_segments=N)
    agg = agg_sum / jnp.clip(cnt, 1.0)[:, None]
    return agg @ Wl.T + bl + x @ Wr.T


def setup_inputs(seed: int = 0) -> dict:
    key = jax.random.key(seed)
    ks = jax.random.split(key, 10)
    x = jax.random.normal(ks[0], (N, D), dtype=jnp.float32)
    edge_index = jax.random.randint(ks[1], (2, E), 0, N)
    mention_index = jax.random.randint(ks[2], (N,), 0, N)
    W1l = jax.random.normal(ks[3], (H, D), dtype=jnp.float32) * 0.05
    b1l = jnp.zeros((H,), dtype=jnp.float32)
    W1r = jax.random.normal(ks[4], (H, D), dtype=jnp.float32) * 0.05
    W2l = jax.random.normal(ks[5], (O, H), dtype=jnp.float32) * 0.05
    b2l = jnp.zeros((O,), dtype=jnp.float32)
    W2r = jax.random.normal(ks[6], (O, H), dtype=jnp.float32) * 0.05
    return {"x": x, "edge_index": edge_index, "mention_index": mention_index,
            "W1l": W1l, "b1l": b1l, "W1r": W1r, "W2l": W2l, "b2l": b2l, "W2r": W2r}


def reference(x, edge_index, mention_index, W1l, b1l, W1r, W2l, b2l, W2r):
    h = jax.nn.relu(_sage_conv(x, edge_index, W1l, b1l, W1r))
    h2 = _sage_conv(h, edge_index, W2l, b2l, W2r)
    # F.dropout in eval mode (and unassigned result) is a no-op
    scores = (h2[mention_index] * h2).sum(axis=1)
    z = jax.nn.softmax(scores, axis=0)
    return z

if __name__ == "__main__":
    import jax
    _d = setup_inputs()
    print(jax.jit(kernel)(*tuple(_d.values())))

</pallas_src>

<mosaic_0001>
#map = affine_map<(d0, d1) -> (0, 0)>
#map1 = affine_map<(d0, d1) -> (0, 0, 0, 0)>
#map2 = affine_map<(d0, d1) -> (0, 0, 0)>
module attributes {stable_mosaic.version = 14 : i64} {
  func.func @body(%arg0: i32, %arg1: i32, %arg2: memref<10000x128xf32, #tpu.memory_space<hbm>>, %arg3: memref<32x80x2x125xi32, #tpu.memory_space<hbm>>, %arg4: memref<10000x128xf32, #tpu.memory_space<hbm>>, %arg5: memref<2x10000x128xf32, #tpu.memory_space<hbm>>, %arg6: memref<10000x128xf32, #tpu.memory_space<vmem_shared>>, %arg7: memref<2x125xi32, #tpu.memory_space<vmem>>, %arg8: memref<125x128xf32, #tpu.memory_space<vmem>>, %arg9: memref<!tpu.dma_semaphore, #tpu.memory_space<semaphore_mem>>, %arg10: memref<!tpu.dma_semaphore, #tpu.memory_space<semaphore_mem>>, %arg11: memref<2x125xi32, #tpu.memory_space<vmem>>, %arg12: memref<125x128xf32, #tpu.memory_space<vmem>>, %arg13: memref<!tpu.dma_semaphore, #tpu.memory_space<semaphore_mem>>, %arg14: memref<!tpu.dma_semaphore, #tpu.memory_space<semaphore_mem>>) attributes {dimension_semantics = [#tpu.dimension_semantics<core_parallel>, #tpu.dimension_semantics<subcore_parallel>], iteration_bounds = array<i64: 2, 16>, scalar_prefetch = 0 : i64, scratch_operands = 9 : i64, tpu.core_type = #tpu.core_type<sc_vector_subcore>, window_params = [{transform_indices = #map}, {transform_indices = #map1}, {transform_indices = #map}, {transform_indices = #map2}]} {
    %mul3A = arith.constant 16 : i32
    %mul3A_0 = arith.muli %arg0, %mul3A : i32
    %add3A = arith.addi %mul3A_0, %arg1 : i32
    %mul3A_1 = arith.constant 624 : i32
    %mul3A_2 = arith.muli %arg1, %mul3A_1 : i32
    "tpu.region"() ({
      %run_scoped3A = tpu.sem_alloc : memref<!tpu.dma_semaphore, #tpu.memory_space<semaphore_mem>>
      %dma_start3A_48 = arith.constant 0 : i32
      %dma_start3A_49 = tpu.memref_slice %arg6[%mul3A_2, %dma_start3A_48] : memref<10000x128xf32, #tpu.memory_space<vmem_shared>> -> memref<624x128xf32, #tpu.memory_space<vmem_shared>>
      %dma_start3A_50 = arith.constant 0 : i32
      %dma_start3A_51 = tpu.memref_slice %arg4[%mul3A_2, %dma_start3A_50] : memref<10000x128xf32, #tpu.memory_space<hbm>> -> memref<624x128xf32, #tpu.memory_space<hbm>>
      tpu.enqueue_dma source(%dma_start3A_51 : memref<624x128xf32, #tpu.memory_space<hbm>>) target(%dma_start3A_49 : memref<624x128xf32, #tpu.memory_space<vmem_shared>>) target_semaphore(%run_scoped3A : memref<!tpu.dma_semaphore, #tpu.memory_space<semaphore_mem>>)
      %dma_wait3A_52 = arith.constant 0 : i32
      %dma_wait3A_53 = tpu.memref_slice %arg6[%mul3A_2, %dma_wait3A_52] : memref<10000x128xf32, #tpu.memory_space<vmem_shared>> -> memref<624x128xf32, #tpu.memory_space<vmem_shared>>
      %dma_wait3A_54 = arith.constant 0 : i32
      %dma_wait3A_55 = tpu.memref_slice %arg4[%mul3A_2, %dma_wait3A_54] : memref<10000x128xf32, #tpu.memory_space<hbm>> -> memref<624x128xf32, #tpu.memory_space<hbm>>
      tpu.wait_dma2 semaphore(%run_scoped3A : memref<!tpu.dma_semaphore, #tpu.memory_space<semaphore_mem>>) src(%dma_wait3A_55 : memref<624x128xf32, #tpu.memory_space<hbm>>) dst(%dma_wait3A_53 : memref<624x128xf32, #tpu.memory_space<vmem_shared>>)
      tpu.yield
    }) : () -> ()
    %eq3A = arith.constant 0 : i32
    %eq3A_3 = arith.cmpi eq, %arg1, %eq3A : i32
    %convert_element_type3A = arith.extui %eq3A_3 : i1 to i32
    %cond3A = arith.constant 0 : i32
    %cond3A_4 = arith.cmpi ne, %convert_element_type3A, %cond3A : i32
    scf.if %cond3A_4 {
      "tpu.region"() ({
        %run_scoped3A = tpu.sem_alloc : memref<!tpu.dma_semaphore, #tpu.memory_space<semaphore_mem>>
        %dma_start3A_48 = arith.constant 9984 : i32
        %dma_start3A_49 = arith.constant 0 : i32
        %dma_start3A_50 = tpu.memref_slice %arg6[%dma_start3A_48, %dma_start3A_49] : memref<10000x128xf32, #tpu.memory_space<vmem_shared>> -> memref<16x128xf32, #tpu.memory_space<vmem_shared>>
        %dma_start3A_51 = arith.constant 9984 : i32
        %dma_start3A_52 = arith.constant 0 : i32
        %dma_start3A_53 = tpu.memref_slice %arg4[%dma_start3A_51, %dma_start3A_52] : memref<10000x128xf32, #tpu.memory_space<hbm>> -> memref<16x128xf32, #tpu.memory_space<hbm>>
        tpu.enqueue_dma source(%dma_start3A_53 : memref<16x128xf32, #tpu.memory_space<hbm>>) target(%dma_start3A_50 : memref<16x128xf32, #tpu.memory_space<vmem_shared>>) target_semaphore(%run_scoped3A : memref<!tpu.dma_semaphore, #tpu.memory_space<semaphore_mem>>)
        %dma_wait3A_54 = arith.constant 9984 : i32
        %dma_wait3A_55 = arith.constant 0 : i32
        %dma_wait3A_56 = tpu.memref_slice %arg6[%dma_wait3A_54, %dma_wait3A_55] : memref<10000x128xf32, #tpu.memory_space<vmem_shared>> -> memref<16x128xf32, #tpu.memory_space<vmem_shared>>
        %dma_wait3A_57 = arith.constant 9984 : i32
        %dma_wait3A_58 = arith.constant 0 : i32
        %dma_wait3A_59 = tpu.memref_slice %arg4[%dma_wait3A_57, %dma_wait3A_58] : memref<10000x128xf32, #tpu.memory_space<hbm>> -> memref<16x128xf32, #tpu.memory_space<hbm>>
        tpu.wait_dma2 semaphore(%run_scoped3A : memref<!tpu.dma_semaphore, #tpu.memory_space<semaphore_mem>>) src(%dma_wait3A_59 : memref<16x128xf32, #tpu.memory_space<hbm>>) dst(%dma_wait3A_56 : memref<16x128xf32, #tpu.memory_space<vmem_shared>>)
        tpu.yield
      }) : () -> ()
    } else {
    }
    %barrier3A = arith.constant 0 : index
    tpu.barrier barrier_id(%barrier3A)
    %dma_start3A = arith.constant 0 : i32
    %dma_start3A_5 = arith.constant 0 : i32
    %dma_start3A_6 = arith.constant 0 : i32
    %dma_start3A_7 = tpu.memref_slice %arg3[%add3A, %dma_start3A, %dma_start3A_5, %dma_start3A_6] : memref<32x80x2x125xi32, #tpu.memory_space<hbm>> -> memref<1x1x2x125xi32, #tpu.memory_space<hbm>>
    %dma_start3A_8 = tpu.memref_squeeze %dma_start3A_7 : memref<1x1x2x125xi32, #tpu.memory_space<hbm>> -> memref<2x125xi32, #tpu.memory_space<hbm>>
    %dma_start3A_9 = arith.constant 0 : i32
    %dma_start3A_10 = arith.constant 0 : i32
    %dma_start3A_11 = tpu.memref_slice %arg3[%add3A, %dma_start3A, %dma_start3A_9, %dma_start3A_10] : memref<32x80x2x125xi32, #tpu.memory_space<hbm>> -> memref<1x1x2x125xi32, #tpu.memory_space<hbm>>
    %dma_start3A_12 = tpu.memref_squeeze %dma_start3A_11 : memref<1x1x2x125xi32, #tpu.memory_space<hbm>> -> memref<2x125xi32, #tpu.memory_space<hbm>>
    tpu.enqueue_dma source(%dma_start3A_12 : memref<2x125xi32, #tpu.memory_space<hbm>>) target(%arg7 : memref<2x125xi32, #tpu.memory_space<vmem>>) target_semaphore(%arg9 : memref<!tpu.dma_semaphore, #tpu.memory_space<semaphore_mem>>)
    %dma_wait3A = arith.constant 0 : i32
    %dma_wait3A_13 = arith.constant 0 : i32
    %dma_wait3A_14 = arith.constant 0 : i32
    %dma_wait3A_15 = tpu.memref_slice %arg3[%add3A, %dma_wait3A, %dma_wait3A_13, %dma_wait3A_14] : memref<32x80x2x125xi32, #tpu.memory_space<hbm>> -> memref<1x1x2x125xi32, #tpu.memory_space<hbm>>
    %dma_wait3A_16 = tpu.memref_squeeze %dma_wait3A_15 : memref<1x1x2x125xi32, #tpu.memory_space<hbm>> -> memref<2x125xi32, #tpu.memory_space<hbm>>
    %dma_wait3A_17 = arith.constant 0 : i32
    %dma_wait3A_18 = arith.constant 0 : i32
    %dma_wait3A_19 = tpu.memref_slice %arg3[%add3A, %dma_wait3A, %dma_wait3A_17, %dma_wait3A_18] : memref<32x80x2x125xi32, #tpu.memory_space<hbm>> -> memref<1x1x2x125xi32, #tpu.memory_space<hbm>>
    %dma_wait3A_20 = tpu.memref_squeeze %dma_wait3A_19 : memref<1x1x2x125xi32, #tpu.memory_space<hbm>> -> memref<2x125xi32, #tpu.memory_space<hbm>>
    tpu.wait_dma2 semaphore(%arg9 : memref<!tpu.dma_semaphore, #tpu.memory_space<semaphore_mem>>) src(%dma_wait3A_20 : memref<2x125xi32, #tpu.memory_space<hbm>>) dst(%arg7 : memref<2x125xi32, #tpu.memory_space<vmem>>)
    %dma_start3A_21 = arith.constant 0 : i32
    %dma_start3A_22 = arith.constant 0 : i32
    %dma_start3A_23 = tpu.memref_slice %arg7[%dma_start3A_21, %dma_start3A_22] : memref<2x125xi32, #tpu.memory_space<vmem>> -> memref<1x125xi32, #tpu.memory_space<vmem>>
    %dma_start3A_24 = tpu.memref_squeeze %dma_start3A_23 : memref<1x125xi32, #tpu.memory_space<vmem>> -> memref<125xi32, #tpu.memory_space<vmem>>
    %dma_start3A_25 = arith.constant 0 : i32
    %dma_start3A_26 = arith.constant 0 : i32
    %dma_start3A_27 = tpu.memref_slice %arg2[%dma_start3A_25, %dma_start3A_26] : memref<10000x128xf32, #tpu.memory_space<hbm>> -> memref<10000x128xf32, #tpu.memory_space<hbm>>
    tpu.enqueue_indirect_dma source(%dma_start3A_27 : memref<10000x128xf32, #tpu.memory_space<hbm>>) target(%arg8 : memref<125x128xf32, #tpu.memory_space<vmem>>) offsets(%dma_start3A_24 : memref<125xi32, #tpu.memory_space<vmem>>) semaphore(%arg10 : memref<!tpu.dma_semaphore, #tpu.memory_space<semaphore_mem>>)
    %dma_start3A_28 = arith.constant 1 : i32
    %dma_start3A_29 = arith.constant 0 : i32
    %dma_start3A_30 = arith.constant 0 : i32
    %dma_start3A_31 = tpu.memref_slice %arg3[%add3A, %dma_start3A_28, %dma_start3A_29, %dma_start3A_30] : memref<32x80x2x125xi32, #tpu.memory_space<hbm>> -> memref<1x1x2x125xi32, #tpu.memory_space<hbm>>
    %dma_start3A_32 = tpu.memref_squeeze %dma_start3A_31 : memref<1x1x2x125xi32, #tpu.memory_space<hbm>> -> memref<2x125xi32, #tpu.memory_space<hbm>>
    %dma_start3A_33 = arith.constant 0 : i32
    %dma_start3A_34 = arith.constant 0 : i32
    %dma_start3A_35 = tpu.memref_slice %arg3[%add3A, %dma_start3A_28, %dma_start3A_33, %dma_start3A_34] : memref<32x80x2x125xi32, #tpu.memory_space<hbm>> -> memref<1x1x2x125xi32, #tpu.memory_space<hbm>>
    %dma_start3A_36 = tpu.memref_squeeze %dma_start3A_35 : memref<1x1x2x125xi32, #tpu.memory_space<hbm>> -> memref<2x125xi32, #tpu.memory_space<hbm>>
    tpu.enqueue_dma source(%dma_start3A_36 : memref<2x125xi32, #tpu.memory_space<hbm>>) target(%arg11 : memref<2x125xi32, #tpu.memory_space<vmem>>) target_semaphore(%arg13 : memref<!tpu.dma_semaphore, #tpu.memory_space<semaphore_mem>>)
    %scan3A = arith.constant 0 : i32
    %scan3A_37 = arith.constant 0 : i32
    %scan3A_38 = arith.constant 40 : i32
    %scan3A_39 = arith.addi %scan3A_37, %scan3A_38 : i32
    %scan3A_40 = arith.constant 1 : i32
    scf.for %scan3A_48 = %scan3A_37 to %scan3A_39 step %scan3A_40  : i32 {
      %lt3A = arith.constant 39 : i32
      %lt3A_49 = arith.cmpi slt, %scan3A_48, %lt3A : i32
      %dma_wait3A_50 = arith.constant 0 : i32
      %dma_wait3A_51 = arith.constant 0 : i32
      %dma_wait3A_52 = tpu.memref_slice %arg7[%dma_wait3A_50, %dma_wait3A_51] : memref<2x125xi32, #tpu.memory_space<vmem>> -> memref<1x125xi32, #tpu.memory_space<vmem>>
      %dma_wait3A_53 = tpu.memref_squeeze %dma_wait3A_52 : memref<1x125xi32, #tpu.memory_space<vmem>> -> memref<125xi32, #tpu.memory_space<vmem>>
      %dma_wait3A_54 = arith.constant 0 : i32
      %dma_wait3A_55 = arith.constant 0 : i32
      %dma_wait3A_56 = tpu.memref_slice %arg2[%dma_wait3A_54, %dma_wait3A_55] : memref<10000x128xf32, #tpu.memory_space<hbm>> -> memref<10000x128xf32, #tpu.memory_space<hbm>>
      tpu.wait_indirect_dma semaphore(%arg10 : memref<!tpu.dma_semaphore, #tpu.memory_space<semaphore_mem>>) src(%dma_wait3A_56 : memref<10000x128xf32, #tpu.memory_space<hbm>>) dst(%arg8 : memref<125x128xf32, #tpu.memory_space<vmem>>)
      %dma_wait3A_57 = arith.constant 0 : i32
      %dma_wait3A_58 = arith.constant 0 : i32
      %dma_wait3A_59 = arith.constant 0 : i32
      %dma_wait3A_60 = tpu.memref_slice %arg3[%add3A, %dma_wait3A_57, %dma_wait3A_58, %dma_wait3A_59] : memref<32x80x2x125xi32, #tpu.memory_space<hbm>> -> memref<1x1x2x125xi32, #tpu.memory_space<hbm>>
      %dma_wait3A_61 = tpu.memref_squeeze %dma_wait3A_60 : memref<1x1x2x125xi32, #tpu.memory_space<hbm>> -> memref<2x125xi32, #tpu.memory_space<hbm>>
      %dma_wait3A_62 = arith.constant 0 : i32
      %dma_wait3A_63 = arith.constant 0 : i32
      %dma_wait3A_64 = tpu.memref_slice %arg3[%add3A, %dma_wait3A_57, %dma_wait3A_62, %dma_wait3A_63] : memref<32x80x2x125xi32, #tpu.memory_space<hbm>> -> memref<1x1x2x125xi32, #tpu.memory_space<hbm>>
      %dma_wait3A_65 = tpu.memref_squeeze %dma_wait3A_64 : memref<1x1x2x125xi32, #tpu.memory_space<hbm>> -> memref<2x125xi32, #tpu.memory_space<hbm>>
      tpu.wait_dma2 semaphore(%arg13 : memref<!tpu.dma_semaphore, #tpu.memory_space<semaphore_mem>>) src(%dma_wait3A_65 : memref<2x125xi32, #tpu.memory_space<hbm>>) dst(%arg11 : memref<2x125xi32, #tpu.memory_space<vmem>>)
      %dma_start3A_66 = arith.constant 0 : i32
      %dma_start3A_67 = arith.constant 0 : i32
      %dma_start3A_68 = tpu.memref_slice %arg11[%dma_start3A_66, %dma_start3A_67] : memref<2x125xi32, #tpu.memory_space<vmem>> -> memref<1x125xi32, #tpu.memory_space<vmem>>
      %dma_start3A_69 = tpu.memref_squeeze %dma_start3A_68 : memref<1x125xi32, #tpu.memory_space<vmem>> -> memref<125xi32, #tpu.memory_space<vmem>>
      %dma_start3A_70 = arith.constant 0 : i32
      %dma_start3A_71 = arith.constant 0 : i32
      %dma_start3A_72 = tpu.memref_slice %arg2[%dma_start3A_70, %dma_start3A_71] : memref<10000x128xf32, #tpu.memory_space<hbm>> -> memref<10000x128xf32, #tpu.memory_space<hbm>>
      tpu.enqueue_indirect_dma source(%dma_start3A_72 : memref<10000x128xf32, #tpu.memory_space<hbm>>) target(%arg12 : memref<125x128xf32, #tpu.memory_space<vmem>>) offsets(%dma_start3A_69 : memref<125xi32, #tpu.memory_space<vmem>>) semaphore(%arg14 : memref<!tpu.dma_semaphore, #tpu.memory_space<semaphore_mem>>)
      %run_scoped3A = arith.constant 1 : i32
      "tpu.region"() ({
        %run_scoped3A_90 = tpu.sem_alloc : memref<!tpu.dma_semaphore, #tpu.memory_space<semaphore_mem>>
        %dma_start3A_91 = arith.constant 0 : i32
        %dma_start3A_92 = tpu.memref_slice %arg7[%run_scoped3A, %dma_start3A_91] : memref<2x125xi32, #tpu.memory_space<vmem>> -> memref<1x125xi32, #tpu.memory_space<vmem>>
        %dma_start3A_93 = tpu.memref_squeeze %dma_start3A_92 : memref<1x125xi32, #tpu.memory_space<vmem>> -> memref<125xi32, #tpu.memory_space<vmem>>
        %dma_start3A_94 = arith.constant 0 : i32
        %dma_start3A_95 = arith.constant 0 : i32
        %dma_start3A_96 = tpu.memref_slice %arg6[%dma_start3A_94, %dma_start3A_95] : memref<10000x128xf32, #tpu.memory_space<vmem_shared>> -> memref<10000x128xf32, #tpu.memory_space<vmem_shared>>
        tpu.enqueue_indirect_dma source(%arg8 : memref<125x128xf32, #tpu.memory_space<vmem>>) target(%dma_start3A_96 : memref<10000x128xf32, #tpu.memory_space<vmem_shared>>) offsets(%dma_start3A_93 : memref<125xi32, #tpu.memory_space<vmem>>) semaphore(%run_scoped3A_90 : memref<!tpu.dma_semaphore, #tpu.memory_space<semaphore_mem>>) {add = true}
        %dma_wait3A_97 = arith.constant 0 : i32
        %dma_wait3A_98 = tpu.memref_slice %arg7[%run_scoped3A, %dma_wait3A_97] : memref<2x125xi32, #tpu.memory_space<vmem>> -> memref<1x125xi32, #tpu.memory_space<vmem>>
        %dma_wait3A_99 = tpu.memref_squeeze %dma_wait3A_98 : memref<1x125xi32, #tpu.memory_space<vmem>> -> memref<125xi32, #tpu.memory_space<vmem>>
        %dma_wait3A_100 = arith.constant 0 : i32
        %dma_wait3A_101 = arith.constant 0 : i32
        %dma_wait3A_102 = tpu.memref_slice %arg6[%dma_wait3A_100, %dma_wait3A_101] : memref<10000x128xf32, #tpu.memory_space<vmem_shared>> -> memref<10000x128xf32, #tpu.memory_space<vmem_shared>>
        tpu.wait_indirect_dma semaphore(%run_scoped3A_90 : memref<!tpu.dma_semaphore, #tpu.memory_space<semaphore_mem>>) src(%arg8 : memref<125x128xf32, #tpu.memory_space<vmem>>) dst(%dma_wait3A_102 : memref<10000x128xf32, #tpu.memory_space<vmem_shared>>)
        tpu.yield
      }) : () -> ()
      %convert_element_type3A_73 = arith.extui %lt3A_49 : i1 to i32
      %cond3A_74 = arith.constant 0 : i32
      %cond3A_75 = arith.cmpi ne, %convert_element_type3A_73, %cond3A_74 : i32
      scf.if %cond3A_75 {
        %mul3A_90 = arith.constant 2 : i32
        %mul3A_91 = arith.muli %mul3A_90, %scan3A_48 : i32
        %add3A_92 = arith.constant 2 : i32
        %add3A_93 = arith.addi %mul3A_91, %add3A_92 : i32
        %dma_start3A_94 = arith.constant 0 : i32
        %dma_start3A_95 = arith.constant 0 : i32
        %dma_start3A_96 = tpu.memref_slice %arg3[%add3A, %add3A_93, %dma_start3A_94, %dma_start3A_95] : memref<32x80x2x125xi32, #tpu.memory_space<hbm>> -> memref<1x1x2x125xi32, #tpu.memory_space<hbm>>
        %dma_start3A_97 = tpu.memref_squeeze %dma_start3A_96 : memref<1x1x2x125xi32, #tpu.memory_space<hbm>> -> memref<2x125xi32, #tpu.memory_space<hbm>>
        %dma_start3A_98 = arith.constant 0 : i32
        %dma_start3A_99 = arith.constant 0 : i32
        %dma_start3A_100 = tpu.memref_slice %arg3[%add3A, %add3A_93, %dma_start3A_98, %dma_start3A_99] : memref<32x80x2x125xi32, #tpu.memory_space<hbm>> -> memref<1x1x2x125xi32, #tpu.memory_space<hbm>>
        %dma_start3A_101 = tpu.memref_squeeze %dma_start3A_100 : memref<1x1x2x125xi32, #tpu.memory_space<hbm>> -> memref<2x125xi32, #tpu.memory_space<hbm>>
        tpu.enqueue_dma source(%dma_start3A_101 : memref<2x125xi32, #tpu.memory_space<hbm>>) target(%arg7 : memref<2x125xi32, #tpu.memory_space<vmem>>) target_semaphore(%arg9 : memref<!tpu.dma_semaphore, #tpu.memory_space<semaphore_mem>>)
      } else {
      }
      %dma_wait3A_76 = arith.constant 0 : i32
      %dma_wait3A_77 = arith.constant 0 : i32
      %dma_wait3A_78 = tpu.memref_slice %arg11[%dma_wait3A_76, %dma_wait3A_77] : memref<2x125xi32, #tpu.memory_space<vmem>> -> memref<1x125xi32, #tpu.memory_space<vmem>>
      %dma_wait3A_79 = tpu.memref_squeeze %dma_wait3A_78 : memref<1x125xi32, #tpu.memory_space<vmem>> -> memref<125xi32, #tpu.memory_space<vmem>>
      %dma_wait3A_80 = arith.constant 0 : i32
      %dma_wait3A_81 = arith.constant 0 : i32
      %dma_wait3A_82 = tpu.memref_slice %arg2[%dma_wait3A_80, %dma_wait3A_81] : memref<10000x128xf32, #tpu.memory_space<hbm>> -> memref<10000x128xf32, #tpu.memory_space<hbm>>
      tpu.wait_indirect_dma semaphore(%arg14 : memref<!tpu.dma_semaphore, #tpu.memory_space<semaphore_mem>>) src(%dma_wait3A_82 : memref<10000x128xf32, #tpu.memory_space<hbm>>) dst(%arg12 : memref<125x128xf32, #tpu.memory_space<vmem>>)
      %convert_element_type3A_83 = arith.extui %lt3A_49 : i1 to i32
      %cond3A_84 = arith.constant 0 : i32
      %cond3A_85 = arith.cmpi ne, %convert_element_type3A_83, %cond3A_84 : i32
      scf.if %cond3A_85 {
        %dma_wait3A_90 = arith.constant 0 : i32
        %dma_wait3A_91 = arith.constant 0 : i32
        %dma_wait3A_92 = arith.constant 0 : i32
        %dma_wait3A_93 = tpu.memref_slice %arg3[%add3A, %dma_wait3A_90, %dma_wait3A_91, %dma_wait3A_92] : memref<32x80x2x125xi32, #tpu.memory_space<hbm>> -> memref<1x1x2x125xi32, #tpu.memory_space<hbm>>
        %dma_wait3A_94 = tpu.memref_squeeze %dma_wait3A_93 : memref<1x1x2x125xi32, #tpu.memory_space<hbm>> -> memref<2x125xi32, #tpu.memory_space<hbm>>
        %dma_wait3A_95 = arith.constant 0 : i32
        %dma_wait3A_96 = arith.constant 0 : i32
        %dma_wait3A_97 = tpu.memref_slice %arg3[%add3A, %dma_wait3A_90, %dma_wait3A_95, %dma_wait3A_96] : memref<32x80x2x125xi32, #tpu.memory_space<hbm>> -> memref<1x1x2x125xi32, #tpu.memory_space<hbm>>
        %dma_wait3A_98 = tpu.memref_squeeze %dma_wait3A_97 : memref<1x1x2x125xi32, #tpu.memory_space<hbm>> -> memref<2x125xi32, #tpu.memory_space<hbm>>
        tpu.wait_dma2 semaphore(%arg9 : memref<!tpu.dma_semaphore, #tpu.memory_space<semaphore_mem>>) src(%dma_wait3A_98 : memref<2x125xi32, #tpu.memory_space<hbm>>) dst(%arg7 : memref<2x125xi32, #tpu.memory_space<vmem>>)
        %dma_start3A_99 = arith.constant 0 : i32
        %dma_start3A_100 = arith.constant 0 : i32
        %dma_start3A_101 = tpu.memref_slice %arg7[%dma_start3A_99, %dma_start3A_100] : memref<2x125xi32, #tpu.memory_space<vmem>> -> memref<1x125xi32, #tpu.memory_space<vmem>>
        %dma_start3A_102 = tpu.memref_squeeze %dma_start3A_101 : memref<1x125xi32, #tpu.memory_space<vmem>> -> memref<125xi32, #tpu.memory_space<vmem>>
        %dma_start3A_103 = arith.constant 0 : i32
        %dma_start3A_104 = arith.constant 0 : i32
        %dma_start3A_105 = tpu.memref_slice %arg2[%dma_start3A_103, %dma_start3A_104] : memref<10000x128xf32, #tpu.memory_space<hbm>> -> memref<10000x128xf32, #tpu.memory_space<hbm>>
        tpu.enqueue_indirect_dma source(%dma_start3A_105 : memref<10000x128xf32, #tpu.memory_space<hbm>>) target(%arg8 : memref<125x128xf32, #tpu.memory_space<vmem>>) offsets(%dma_start3A_102 : memref<125xi32, #tpu.memory_space<vmem>>) semaphore(%arg10 : memref<!tpu.dma_semaphore, #tpu.memory_space<semaphore_mem>>)
      } else {
      }
      %run_scoped3A_86 = arith.constant 1 : i32
      "tpu.region"() ({
        %run_scoped3A_90 = tpu.sem_alloc : memref<!tpu.dma_semaphore, #tpu.memory_space<semaphore_mem>>
        %dma_start3A_91 = arith.constant 0 : i32
        %dma_start3A_92 = tpu.memref_slice %arg11[%run_scoped3A_86, %dma_start3A_91] : memref<2x125xi32, #tpu.memory_space<vmem>> -> memref<1x125xi32, #tpu.memory_space<vmem>>
        %dma_start3A_93 = tpu.memref_squeeze %dma_start3A_92 : memref<1x125xi32, #tpu.memory_space<vmem>> -> memref<125xi32, #tpu.memory_space<vmem>>
        %dma_start3A_94 = arith.constant 0 : i32
        %dma_start3A_95 = arith.constant 0 : i32
        %dma_start3A_96 = tpu.memref_slice %arg6[%dma_start3A_94, %dma_start3A_95] : memref<10000x128xf32, #tpu.memory_space<vmem_shared>> -> memref<10000x128xf32, #tpu.memory_space<vmem_shared>>
        tpu.enqueue_indirect_dma source(%arg12 : memref<125x128xf32, #tpu.memory_space<vmem>>) target(%dma_start3A_96 : memref<10000x128xf32, #tpu.memory_space<vmem_shared>>) offsets(%dma_start3A_93 : memref<125xi32, #tpu.memory_space<vmem>>) semaphore(%run_scoped3A_90 : memref<!tpu.dma_semaphore, #tpu.memory_space<semaphore_mem>>) {add = true}
        %dma_wait3A_97 = arith.constant 0 : i32
        %dma_wait3A_98 = tpu.memref_slice %arg11[%run_scoped3A_86, %dma_wait3A_97] : memref<2x125xi32, #tpu.memory_space<vmem>> -> memref<1x125xi32, #tpu.memory_space<vmem>>
        %dma_wait3A_99 = tpu.memref_squeeze %dma_wait3A_98 : memref<1x125xi32, #tpu.memory_space<vmem>> -> memref<125xi32, #tpu.memory_space<vmem>>
        %dma_wait3A_100 = arith.constant 0 : i32
        %dma_wait3A_101 = arith.constant 0 : i32
        %dma_wait3A_102 = tpu.memref_slice %arg6[%dma_wait3A_100, %dma_wait3A_101] : memref<10000x128xf32, #tpu.memory_space<vmem_shared>> -> memref<10000x128xf32, #tpu.memory_space<vmem_shared>>
        tpu.wait_indirect_dma semaphore(%run_scoped3A_90 : memref<!tpu.dma_semaphore, #tpu.memory_space<semaphore_mem>>) src(%arg12 : memref<125x128xf32, #tpu.memory_space<vmem>>) dst(%dma_wait3A_102 : memref<10000x128xf32, #tpu.memory_space<vmem_shared>>)
        tpu.yield
      }) : () -> ()
      %convert_element_type3A_87 = arith.extui %lt3A_49 : i1 to i32
      %cond3A_88 = arith.constant 0 : i32
      %cond3A_89 = arith.cmpi ne, %convert_element_type3A_87, %cond3A_88 : i32
      scf.if %cond3A_89 {
        %mul3A_90 = arith.constant 2 : i32
        %mul3A_91 = arith.muli %mul3A_90, %scan3A_48 : i32
        %add3A_92 = arith.constant 3 : i32
        %add3A_93 = arith.addi %mul3A_91, %add3A_92 : i32
        %dma_start3A_94 = arith.constant 0 : i32
        %dma_start3A_95 = arith.constant 0 : i32
        %dma_start3A_96 = tpu.memref_slice %arg3[%add3A, %add3A_93, %dma_start3A_94, %dma_start3A_95] : memref<32x80x2x125xi32, #tpu.memory_space<hbm>> -> memref<1x1x2x125xi32, #tpu.memory_space<hbm>>
        %dma_start3A_97 = tpu.memref_squeeze %dma_start3A_96 : memref<1x1x2x125xi32, #tpu.memory_space<hbm>> -> memref<2x125xi32, #tpu.memory_space<hbm>>
        %dma_start3A_98 = arith.constant 0 : i32
        %dma_start3A_99 = arith.constant 0 : i32
        %dma_start3A_100 = tpu.memref_slice %arg3[%add3A, %add3A_93, %dma_start3A_98, %dma_start3A_99] : memref<32x80x2x125xi32, #tpu.memory_space<hbm>> -> memref<1x1x2x125xi32, #tpu.memory_space<hbm>>
        %dma_start3A_101 = tpu.memref_squeeze %dma_start3A_100 : memref<1x1x2x125xi32, #tpu.memory_space<hbm>> -> memref<2x125xi32, #tpu.memory_space<hbm>>
        tpu.enqueue_dma source(%dma_start3A_101 : memref<2x125xi32, #tpu.memory_space<hbm>>) target(%arg11 : memref<2x125xi32, #tpu.memory_space<vmem>>) target_semaphore(%arg13 : memref<!tpu.dma_semaphore, #tpu.memory_space<semaphore_mem>>)
      } else {
      }
    }
    %scan3A_41 = arith.constant 40 : i32
    %barrier3A_42 = arith.constant 0 : index
    tpu.barrier barrier_id(%barrier3A_42)
    "tpu.region"() ({
      %run_scoped3A = tpu.sem_alloc : memref<!tpu.dma_semaphore, #tpu.memory_space<semaphore_mem>>
      %dma_start3A_48 = arith.constant 0 : i32
      %dma_start3A_49 = tpu.memref_slice %arg5[%arg0, %mul3A_2, %dma_start3A_48] : memref<2x10000x128xf32, #tpu.memory_space<hbm>> -> memref<1x624x128xf32, #tpu.memory_space<hbm>>
      %dma_start3A_50 = tpu.memref_squeeze %dma_start3A_49 : memref<1x624x128xf32, #tpu.memory_space<hbm>> -> memref<624x128xf32, #tpu.memory_space<hbm>>
      %dma_start3A_51 = arith.constant 0 : i32
      %dma_start3A_52 = tpu.memref_slice %arg6[%mul3A_2, %dma_start3A_51] : memref<10000x128xf32, #tpu.memory_space<vmem_shared>> -> memref<624x128xf32, #tpu.memory_space<vmem_shared>>
      tpu.enqueue_dma source(%dma_start3A_52 : memref<624x128xf32, #tpu.memory_space<vmem_shared>>) target(%dma_start3A_50 : memref<624x128xf32, #tpu.memory_space<hbm>>) target_semaphore(%run_scoped3A : memref<!tpu.dma_semaphore, #tpu.memory_space<semaphore_mem>>)
      %dma_wait3A_53 = arith.constant 0 : i32
      %dma_wait3A_54 = tpu.memref_slice %arg5[%arg0, %mul3A_2, %dma_wait3A_53] : memref<2x10000x128xf32, #tpu.memory_space<hbm>> -> memref<1x624x128xf32, #tpu.memory_space<hbm>>
      %dma_wait3A_55 = tpu.memref_squeeze %dma_wait3A_54 : memref<1x624x128xf32, #tpu.memory_space<hbm>> -> memref<624x128xf32, #tpu.memory_space<hbm>>
      %dma_wait3A_56 = arith.constant 0 : i32
      %dma_wait3A_57 = tpu.memref_slice %arg6[%mul3A_2, %dma_wait3A_56] : memref<10000x128xf32, #tpu.memory_space<vmem_shared>> -> memref<624x128xf32, #tpu.memory_space<vmem_shared>>
      tpu.wait_dma2 semaphore(%run_scoped3A : memref<!tpu.dma_semaphore, #tpu.memory_space<semaphore_mem>>) src(%dma_wait3A_57 : memref<624x128xf32, #tpu.memory_space<vmem_shared>>) dst(%dma_wait3A_55 : memref<624x128xf32, #tpu.memory_space<hbm>>)
      tpu.yield
    }) : () -> ()
    %eq3A_43 = arith.constant 0 : i32
    %eq3A_44 = arith.cmpi eq, %arg1, %eq3A_43 : i32
    %convert_element_type3A_45 = arith.extui %eq3A_44 : i1 to i32
    %cond3A_46 = arith.constant 0 : i32
    %cond3A_47 = arith.cmpi ne, %convert_element_type3A_45, %cond3A_46 : i32
    scf.if %cond3A_47 {
      "tpu.region"() ({
        %run_scoped3A = tpu.sem_alloc : memref<!tpu.dma_semaphore, #tpu.memory_space<semaphore_mem>>
        %dma_start3A_48 = arith.constant 9984 : i32
        %dma_start3A_49 = arith.constant 0 : i32
        %dma_start3A_50 = tpu.memref_slice %arg5[%arg0, %dma_start3A_48, %dma_start3A_49] : memref<2x10000x128xf32, #tpu.memory_space<hbm>> -> memref<1x16x128xf32, #tpu.memory_space<hbm>>
        %dma_start3A_51 = tpu.memref_squeeze %dma_start3A_50 : memref<1x16x128xf32, #tpu.memory_space<hbm>> -> memref<16x128xf32, #tpu.memory_space<hbm>>
        %dma_start3A_52 = arith.constant 9984 : i32
        %dma_start3A_53 = arith.constant 0 : i32
        %dma_start3A_54 = tpu.memref_slice %arg6[%dma_start3A_52, %dma_start3A_53] : memref<10000x128xf32, #tpu.memory_space<vmem_shared>> -> memref<16x128xf32, #tpu.memory_space<vmem_shared>>
        tpu.enqueue_dma source(%dma_start3A_54 : memref<16x128xf32, #tpu.memory_space<vmem_shared>>) target(%dma_start3A_51 : memref<16x128xf32, #tpu.memory_space<hbm>>) target_semaphore(%run_scoped3A : memref<!tpu.dma_semaphore, #tpu.memory_space<semaphore_mem>>)
        %dma_wait3A_55 = arith.constant 9984 : i32
        %dma_wait3A_56 = arith.constant 0 : i32
        %dma_wait3A_57 = tpu.memref_slice %arg5[%arg0, %dma_wait3A_55, %dma_wait3A_56] : memref<2x10000x128xf32, #tpu.memory_space<hbm>> -> memref<1x16x128xf32, #tpu.memory_space<hbm>>
        %dma_wait3A_58 = tpu.memref_squeeze %dma_wait3A_57 : memref<1x16x128xf32, #tpu.memory_space<hbm>> -> memref<16x128xf32, #tpu.memory_space<hbm>>
        %dma_wait3A_59 = arith.constant 9984 : i32
        %dma_wait3A_60 = arith.constant 0 : i32
        %dma_wait3A_61 = tpu.memref_slice %arg6[%dma_wait3A_59, %dma_wait3A_60] : memref<10000x128xf32, #tpu.memory_space<vmem_shared>> -> memref<16x128xf32, #tpu.memory_space<vmem_shared>>
        tpu.wait_dma2 semaphore(%run_scoped3A : memref<!tpu.dma_semaphore, #tpu.memory_space<semaphore_mem>>) src(%dma_wait3A_61 : memref<16x128xf32, #tpu.memory_space<vmem_shared>>) dst(%dma_wait3A_58 : memref<16x128xf32, #tpu.memory_space<hbm>>)
        tpu.yield
      }) : () -> ()
    } else {
    }
    return
  }
}

#map = affine_map<(d0, d1) -> (0, 0, 0)>
#map1 = affine_map<(d0, d1) -> (0, 0)>
module attributes {stable_mosaic.version = 14 : i64} {
  func.func @body(%arg0: i32, %arg1: i32, %arg2: memref<32x80x125xi32, #tpu.memory_space<hbm>>, %arg3: memref<10000x128xf32, #tpu.memory_space<hbm>>, %arg4: memref<2x10000x128xf32, #tpu.memory_space<hbm>>, %arg5: memref<10000x128xf32, #tpu.memory_space<vmem_shared>>, %arg6: memref<125xi32, #tpu.memory_space<vmem>>, %arg7: memref<125xi32, #tpu.memory_space<vmem>>, %arg8: memref<125x128xf32, #tpu.memory_space<vmem>>, %arg9: memref<!tpu.dma_semaphore, #tpu.memory_space<semaphore_mem>>, %arg10: memref<!tpu.dma_semaphore, #tpu.memory_space<semaphore_mem>>) attributes {dimension_semantics = [#tpu.dimension_semantics<core_parallel>, #tpu.dimension_semantics<subcore_parallel>], iteration_bounds = array<i64: 2, 16>, scalar_prefetch = 0 : i64, scratch_operands = 6 : i64, tpu.core_type = #tpu.core_type<sc_vector_subcore>, window_params = [{transform_indices = #map}, {transform_indices = #map1}, {transform_indices = #map}]} {
    %mul3A = arith.constant 16 : i32
    %mul3A_0 = arith.muli %arg0, %mul3A : i32
    %add3A = arith.addi %mul3A_0, %arg1 : i32
    %mul3A_1 = arith.constant 624 : i32
    %mul3A_2 = arith.muli %arg1, %mul3A_1 : i32
    "tpu.region"() ({
      %run_scoped3A = tpu.sem_alloc : memref<!tpu.dma_semaphore, #tpu.memory_space<semaphore_mem>>
      %dma_start3A_28 = arith.constant 0 : i32
      %dma_start3A_29 = tpu.memref_slice %arg5[%mul3A_2, %dma_start3A_28] : memref<10000x128xf32, #tpu.memory_space<vmem_shared>> -> memref<624x128xf32, #tpu.memory_space<vmem_shared>>
      %dma_start3A_30 = arith.constant 0 : i32
      %dma_start3A_31 = tpu.memref_slice %arg3[%mul3A_2, %dma_start3A_30] : memref<10000x128xf32, #tpu.memory_space<hbm>> -> memref<624x128xf32, #tpu.memory_space<hbm>>
      tpu.enqueue_dma source(%dma_start3A_31 : memref<624x128xf32, #tpu.memory_space<hbm>>) target(%dma_start3A_29 : memref<624x128xf32, #tpu.memory_space<vmem_shared>>) target_semaphore(%run_scoped3A : memref<!tpu.dma_semaphore, #tpu.memory_space<semaphore_mem>>)
      %dma_wait3A = arith.constant 0 : i32
      %dma_wait3A_32 = tpu.memref_slice %arg5[%mul3A_2, %dma_wait3A] : memref<10000x128xf32, #tpu.memory_space<vmem_shared>> -> memref<624x128xf32, #tpu.memory_space<vmem_shared>>
      %dma_wait3A_33 = arith.constant 0 : i32
      %dma_wait3A_34 = tpu.memref_slice %arg3[%mul3A_2, %dma_wait3A_33] : memref<10000x128xf32, #tpu.memory_space<hbm>> -> memref<624x128xf32, #tpu.memory_space<hbm>>
      tpu.wait_dma2 semaphore(%run_scoped3A : memref<!tpu.dma_semaphore, #tpu.memory_space<semaphore_mem>>) src(%dma_wait3A_34 : memref<624x128xf32, #tpu.memory_space<hbm>>) dst(%dma_wait3A_32 : memref<624x128xf32, #tpu.memory_space<vmem_shared>>)
      tpu.yield
    }) : () -> ()
    %eq3A = arith.constant 0 : i32
    %eq3A_3 = arith.cmpi eq, %arg1, %eq3A : i32
    %convert_element_type3A = arith.extui %eq3A_3 : i1 to i32
    %cond3A = arith.constant 0 : i32
    %cond3A_4 = arith.cmpi ne, %convert_element_type3A, %cond3A : i32
    scf.if %cond3A_4 {
      "tpu.region"() ({
        %run_scoped3A = tpu.sem_alloc : memref<!tpu.dma_semaphore, #tpu.memory_space<semaphore_mem>>
        %dma_start3A_28 = arith.constant 9984 : i32
        %dma_start3A_29 = arith.constant 0 : i32
        %dma_start3A_30 = tpu.memref_slice %arg5[%dma_start3A_28, %dma_start3A_29] : memref<10000x128xf32, #tpu.memory_space<vmem_shared>> -> memref<16x128xf32, #tpu.memory_space<vmem_shared>>
        %dma_start3A_31 = arith.constant 9984 : i32
        %dma_start3A_32 = arith.constant 0 : i32
        %dma_start3A_33 = tpu.memref_slice %arg3[%dma_start3A_31, %dma_start3A_32] : memref<10000x128xf32, #tpu.memory_space<hbm>> -> memref<16x128xf32, #tpu.memory_space<hbm>>
        tpu.enqueue_dma source(%dma_start3A_33 : memref<16x128xf32, #tpu.memory_space<hbm>>) target(%dma_start3A_30 : memref<16x128xf32, #tpu.memory_space<vmem_shared>>) target_semaphore(%run_scoped3A : memref<!tpu.dma_semaphore, #tpu.memory_space<semaphore_mem>>)
        %dma_wait3A = arith.constant 9984 : i32
        %dma_wait3A_34 = arith.constant 0 : i32
        %dma_wait3A_35 = tpu.memref_slice %arg5[%dma_wait3A, %dma_wait3A_34] : memref<10000x128xf32, #tpu.memory_space<vmem_shared>> -> memref<16x128xf32, #tpu.memory_space<vmem_shared>>
        %dma_wait3A_36 = arith.constant 9984 : i32
        %dma_wait3A_37 = arith.constant 0 : i32
        %dma_wait3A_38 = tpu.memref_slice %arg3[%dma_wait3A_36, %dma_wait3A_37] : memref<10000x128xf32, #tpu.memory_space<hbm>> -> memref<16x128xf32, #tpu.memory_space<hbm>>
        tpu.wait_dma2 semaphore(%run_scoped3A : memref<!tpu.dma_semaphore, #tpu.memory_space<semaphore_mem>>) src(%dma_wait3A_38 : memref<16x128xf32, #tpu.memory_space<hbm>>) dst(%dma_wait3A_35 : memref<16x128xf32, #tpu.memory_space<vmem_shared>>)
        tpu.yield
      }) : () -> ()
    } else {
    }
    %scan3A = arith.constant 0 : i32
    %scan3A_5 = arith.constant 0 : i32
    %scan3A_6 = arith.constant 125 : i32
    %scan3A_7 = arith.addi %scan3A_5, %scan3A_6 : i32
    %scan3A_8 = arith.constant 1 : i32
    scf.for %scan3A_28 = %scan3A_5 to %scan3A_7 step %scan3A_8  : i32 {
      %broadcast_in_dim3A = arith.constant 1.000000e+00 : f32
      %broadcast_in_dim3A_29 = vector.broadcast %broadcast_in_dim3A : f32 to vector<16xf32>
      %swap3A = arith.index_cast %scan3A_28 : i32 to index
      %swap3A_30 = arith.constant 0 : index
      %swap3A_31 = tpu.vector_load %arg8[%swap3A, %swap3A_30] {strides = array<i32>} : memref<125x128xf32, #tpu.memory_space<vmem>>, vector<1x16xf32>,
      %swap3A_32 = vector.shape_cast %swap3A_31 : vector<1x16xf32> to vector<16xf32>
      %swap3A_33 = vector.shape_cast %broadcast_in_dim3A_29 : vector<16xf32> to vector<1x16xf32>
      tpu.vector_store %arg8[%swap3A, %swap3A_30], %swap3A_33 {strides = array<i32>} : memref<125x128xf32, #tpu.memory_space<vmem>>, vector<1x16xf32>,
      %broadcast_in_dim3A_34 = arith.constant 1.000000e+00 : f32
      %broadcast_in_dim3A_35 = vector.broadcast %broadcast_in_dim3A_34 : f32 to vector<16xf32>
      %swap3A_36 = arith.index_cast %scan3A_28 : i32 to index
      %swap3A_37 = arith.constant 16 : index
      %swap3A_38 = tpu.vector_load %arg8[%swap3A_36, %swap3A_37] {strides = array<i32>} : memref<125x128xf32, #tpu.memory_space<vmem>>, vector<1x16xf32>,
      %swap3A_39 = vector.shape_cast %swap3A_38 : vector<1x16xf32> to vector<16xf32>
      %swap3A_40 = vector.shape_cast %broadcast_in_dim3A_35 : vector<16xf32> to vector<1x16xf32>
      tpu.vector_store %arg8[%swap3A_36, %swap3A_37], %swap3A_40 {strides = array<i32>} : memref<125x128xf32, #tpu.memory_space<vmem>>, vector<1x16xf32>,
      %broadcast_in_dim3A_41 = arith.constant 1.000000e+00 : f32
      %broadcast_in_dim3A_42 = vector.broadcast %broadcast_in_dim3A_41 : f32 to vector<16xf32>
      %swap3A_43 = arith.index_cast %scan3A_28 : i32 to index
      %swap3A_44 = arith.constant 32 : index
      %swap3A_45 = tpu.vector_load %arg8[%swap3A_43, %swap3A_44] {strides = array<i32>} : memref<125x128xf32, #tpu.memory_space<vmem>>, vector<1x16xf32>,
      %swap3A_46 = vector.shape_cast %swap3A_45 : vector<1x16xf32> to vector<16xf32>
      %swap3A_47 = vector.shape_cast %broadcast_in_dim3A_42 : vector<16xf32> to vector<1x16xf32>
      tpu.vector_store %arg8[%swap3A_43, %swap3A_44], %swap3A_47 {strides = array<i32>} : memref<125x128xf32, #tpu.memory_space<vmem>>, vector<1x16xf32>,
      %broadcast_in_dim3A_48 = arith.constant 1.000000e+00 : f32
      %broadcast_in_dim3A_49 = vector.broadcast %broadcast_in_dim3A_48 : f32 to vector<16xf32>
      %swap3A_50 = arith.index_cast %scan3A_28 : i32 to index
      %swap3A_51 = arith.constant 48 : index
      %swap3A_52 = tpu.vector_load %arg8[%swap3A_50, %swap3A_51] {strides = array<i32>} : memref<125x128xf32, #tpu.memory_space<vmem>>, vector<1x16xf32>,
      %swap3A_53 = vector.shape_cast %swap3A_52 : vector<1x16xf32> to vector<16xf32>
      %swap3A_54 = vector.shape_cast %broadcast_in_dim3A_49 : vector<16xf32> to vector<1x16xf32>
      tpu.vector_store %arg8[%swap3A_50, %swap3A_51], %swap3A_54 {strides = array<i32>} : memref<125x128xf32, #tpu.memory_space<vmem>>, vector<1x16xf32>,
      %broadcast_in_dim3A_55 = arith.constant 1.000000e+00 : f32
      %broadcast_in_dim3A_56 = vector.broadcast %broadcast_in_dim3A_55 : f32 to vector<16xf32>
      %swap3A_57 = arith.index_cast %scan3A_28 : i32 to index
      %swap3A_58 = arith.constant 64 : index
      %swap3A_59 = tpu.vector_load %arg8[%swap3A_57, %swap3A_58] {strides = array<i32>} : memref<125x128xf32, #tpu.memory_space<vmem>>, vector<1x16xf32>,
      %swap3A_60 = vector.shape_cast %swap3A_59 : vector<1x16xf32> to vector<16xf32>
      %swap3A_61 = vector.shape_cast %broadcast_in_dim3A_56 : vector<16xf32> to vector<1x16xf32>
      tpu.vector_store %arg8[%swap3A_57, %swap3A_58], %swap3A_61 {strides = array<i32>} : memref<125x128xf32, #tpu.memory_space<vmem>>, vector<1x16xf32>,
      %broadcast_in_dim3A_62 = arith.constant 1.000000e+00 : f32
      %broadcast_in_dim3A_63 = vector.broadcast %broadcast_in_dim3A_62 : f32 to vector<16xf32>
      %swap3A_64 = arith.index_cast %scan3A_28 : i32 to index
      %swap3A_65 = arith.constant 80 : index
      %swap3A_66 = tpu.vector_load %arg8[%swap3A_64, %swap3A_65] {strides = array<i32>} : memref<125x128xf32, #tpu.memory_space<vmem>>, vector<1x16xf32>,
      %swap3A_67 = vector.shape_cast %swap3A_66 : vector<1x16xf32> to vector<16xf32>
      %swap3A_68 = vector.shape_cast %broadcast_in_dim3A_63 : vector<16xf32> to vector<1x16xf32>
      tpu.vector_store %arg8[%swap3A_64, %swap3A_65], %swap3A_68 {strides = array<i32>} : memref<125x128xf32, #tpu.memory_space<vmem>>, vector<1x16xf32>,
      %broadcast_in_dim3A_69 = arith.constant 1.000000e+00 : f32
      %broadcast_in_dim3A_70 = vector.broadcast %broadcast_in_dim3A_69 : f32 to vector<16xf32>
      %swap3A_71 = arith.index_cast %scan3A_28 : i32 to index
      %swap3A_72 = arith.constant 96 : index
      %swap3A_73 = tpu.vector_load %arg8[%swap3A_71, %swap3A_72] {strides = array<i32>} : memref<125x128xf32, #tpu.memory_space<vmem>>, vector<1x16xf32>,
      %swap3A_74 = vector.shape_cast %swap3A_73 : vector<1x16xf32> to vector<16xf32>
      %swap3A_75 = vector.shape_cast %broadcast_in_dim3A_70 : vector<16xf32> to vector<1x16xf32>
      tpu.vector_store %arg8[%swap3A_71, %swap3A_72], %swap3A_75 {strides = array<i32>} : memref<125x128xf32, #tpu.memory_space<vmem>>, vector<1x16xf32>,
      %broadcast_in_dim3A_76 = arith.constant 1.000000e+00 : f32
      %broadcast_in_dim3A_77 = vector.broadcast %broadcast_in_dim3A_76 : f32 to vector<16xf32>
      %swap3A_78 = arith.index_cast %scan3A_28 : i32 to index
      %swap3A_79 = arith.constant 112 : index
      %swap3A_80 = tpu.vector_load %arg8[%swap3A_78, %swap3A_79] {strides = array<i32>} : memref<125x128xf32, #tpu.memory_space<vmem>>, vector<1x16xf32>,
      %swap3A_81 = vector.shape_cast %swap3A_80 : vector<1x16xf32> to vector<16xf32>
      %swap3A_82 = vector.shape_cast %broadcast_in_dim3A_77 : vector<16xf32> to vector<1x16xf32>
      tpu.vector_store %arg8[%swap3A_78, %swap3A_79], %swap3A_82 {strides = array<i32>} : memref<125x128xf32, #tpu.memory_space<vmem>>, vector<1x16xf32>,
    }
    %scan3A_9 = arith.constant 125 : i32
    %barrier3A = arith.constant 0 : index
    tpu.barrier barrier_id(%barrier3A)
    %dma_start3A = arith.constant 0 : i32
    %dma_start3A_10 = arith.constant 0 : i32
    %dma_start3A_11 = tpu.memref_slice %arg2[%add3A, %dma_start3A, %dma_start3A_10] : memref<32x80x125xi32, #tpu.memory_space<hbm>> -> memref<1x1x125xi32, #tpu.memory_space<hbm>>
    %dma_start3A_12 = tpu.memref_squeeze %dma_start3A_11 : memref<1x1x125xi32, #tpu.memory_space<hbm>> -> memref<125xi32, #tpu.memory_space<hbm>>
    %dma_start3A_13 = arith.constant 0 : i32
    %dma_start3A_14 = tpu.memref_slice %arg2[%add3A, %dma_start3A, %dma_start3A_13] : memref<32x80x125xi32, #tpu.memory_space<hbm>> -> memref<1x1x125xi32, #tpu.memory_space<hbm>>
    %dma_start3A_15 = tpu.memref_squeeze %dma_start3A_14 : memref<1x1x125xi32, #tpu.memory_space<hbm>> -> memref<125xi32, #tpu.memory_space<hbm>>
    tpu.enqueue_dma source(%dma_start3A_15 : memref<125xi32, #tpu.memory_space<hbm>>) target(%arg6 : memref<125xi32, #tpu.memory_space<vmem>>) target_semaphore(%arg9 : memref<!tpu.dma_semaphore, #tpu.memory_space<semaphore_mem>>)
    %scan3A_16 = arith.constant 0 : i32
    %scan3A_17 = arith.constant 0 : i32
    %scan3A_18 = arith.constant 40 : i32
    %scan3A_19 = arith.addi %scan3A_17, %scan3A_18 : i32
    %scan3A_20 = arith.constant 1 : i32
    scf.for %scan3A_28 = %scan3A_17 to %scan3A_19 step %scan3A_20  : i32 {
      %lt3A = arith.constant 39 : i32
      %lt3A_29 = arith.cmpi slt, %scan3A_28, %lt3A : i32
      %dma_wait3A = arith.constant 0 : i32
      %dma_wait3A_30 = arith.constant 0 : i32
      %dma_wait3A_31 = tpu.memref_slice %arg2[%add3A, %dma_wait3A, %dma_wait3A_30] : memref<32x80x125xi32, #tpu.memory_space<hbm>> -> memref<1x1x125xi32, #tpu.memory_space<hbm>>
      %dma_wait3A_32 = tpu.memref_squeeze %dma_wait3A_31 : memref<1x1x125xi32, #tpu.memory_space<hbm>> -> memref<125xi32, #tpu.memory_space<hbm>>
      %dma_wait3A_33 = arith.constant 0 : i32
      %dma_wait3A_34 = tpu.memref_slice %arg2[%add3A, %dma_wait3A, %dma_wait3A_33] : memref<32x80x125xi32, #tpu.memory_space<hbm>> -> memref<1x1x125xi32, #tpu.memory_space<hbm>>
      %dma_wait3A_35 = tpu.memref_squeeze %dma_wait3A_34 : memref<1x1x125xi32, #tpu.memory_space<hbm>> -> memref<125xi32, #tpu.memory_space<hbm>>
      tpu.wait_dma2 semaphore(%arg9 : memref<!tpu.dma_semaphore, #tpu.memory_space<semaphore_mem>>) src(%dma_wait3A_35 : memref<125xi32, #tpu.memory_space<hbm>>) dst(%arg6 : memref<125xi32, #tpu.memory_space<vmem>>)
      %mul3A_36 = arith.constant 2 : i32
      %mul3A_37 = arith.muli %mul3A_36, %scan3A_28 : i32
      %add3A_38 = arith.constant 1 : i32
      %add3A_39 = arith.addi %mul3A_37, %add3A_38 : i32
      %dma_start3A_40 = arith.constant 0 : i32
      %dma_start3A_41 = tpu.memref_slice %arg2[%add3A, %add3A_39, %dma_start3A_40] : memref<32x80x125xi32, #tpu.memory_space<hbm>> -> memref<1x1x125xi32, #tpu.memory_space<hbm>>
      %dma_start3A_42 = tpu.memref_squeeze %dma_start3A_41 : memref<1x1x125xi32, #tpu.memory_space<hbm>> -> memref<125xi32, #tpu.memory_space<hbm>>
      %dma_start3A_43 = arith.constant 0 : i32
      %dma_start3A_44 = tpu.memref_slice %arg2[%add3A, %add3A_39, %dma_start3A_43] : memref<32x80x125xi32, #tpu.memory_space<hbm>> -> memref<1x1x125xi32, #tpu.memory_space<hbm>>
      %dma_start3A_45 = tpu.memref_squeeze %dma_start3A_44 : memref<1x1x125xi32, #tpu.memory_space<hbm>> -> memref<125xi32, #tpu.memory_space<hbm>>
      tpu.enqueue_dma source(%dma_start3A_45 : memref<125xi32, #tpu.memory_space<hbm>>) target(%arg7 : memref<125xi32, #tpu.memory_space<vmem>>) target_semaphore(%arg10 : memref<!tpu.dma_semaphore, #tpu.memory_space<semaphore_mem>>)
      "tpu.region"() ({
        %run_scoped3A = tpu.sem_alloc : memref<!tpu.dma_semaphore, #tpu.memory_space<semaphore_mem>>
        %dma_start3A_56 = arith.constant 0 : i32
        %dma_start3A_57 = arith.constant 0 : i32
        %dma_start3A_58 = tpu.memref_slice %arg5[%dma_start3A_56, %dma_start3A_57] : memref<10000x128xf32, #tpu.memory_space<vmem_shared>> -> memref<10000x128xf32, #tpu.memory_space<vmem_shared>>
        tpu.enqueue_indirect_dma source(%arg8 : memref<125x128xf32, #tpu.memory_space<vmem>>) target(%dma_start3A_58 : memref<10000x128xf32, #tpu.memory_space<vmem_shared>>) offsets(%arg6 : memref<125xi32, #tpu.memory_space<vmem>>) semaphore(%run_scoped3A : memref<!tpu.dma_semaphore, #tpu.memory_space<semaphore_mem>>) {add = true}
        %dma_wait3A_59 = arith.constant 0 : i32
        %dma_wait3A_60 = arith.constant 0 : i32
        %dma_wait3A_61 = tpu.memref_slice %arg5[%dma_wait3A_59, %dma_wait3A_60] : memref<10000x128xf32, #tpu.memory_space<vmem_shared>> -> memref<10000x128xf32, #tpu.memory_space<vmem_shared>>
        tpu.wait_indirect_dma semaphore(%run_scoped3A : memref<!tpu.dma_semaphore, #tpu.memory_space<semaphore_mem>>) src(%arg8 : memref<125x128xf32, #tpu.memory_space<vmem>>) dst(%dma_wait3A_61 : memref<10000x128xf32, #tpu.memory_space<vmem_shared>>)
        tpu.yield
      }) : () -> ()
      %dma_wait3A_46 = arith.constant 0 : i32
      %dma_wait3A_47 = arith.constant 0 : i32
      %dma_wait3A_48 = tpu.memref_slice %arg2[%add3A, %dma_wait3A_46, %dma_wait3A_47] : memref<32x80x125xi32, #tpu.memory_space<hbm>> -> memref<1x1x125xi32, #tpu.memory_space<hbm>>
      %dma_wait3A_49 = tpu.memref_squeeze %dma_wait3A_48 : memref<1x1x125xi32, #tpu.memory_space<hbm>> -> memref<125xi32, #tpu.memory_space<hbm>>
      %dma_wait3A_50 = arith.constant 0 : i32
      %dma_wait3A_51 = tpu.memref_slice %arg2[%add3A, %dma_wait3A_46, %dma_wait3A_50] : memref<32x80x125xi32, #tpu.memory_space<hbm>> -> memref<1x1x125xi32, #tpu.memory_space<hbm>>
      %dma_wait3A_52 = tpu.memref_squeeze %dma_wait3A_51 : memref<1x1x125xi32, #tpu.memory_space<hbm>> -> memref<125xi32, #tpu.memory_space<hbm>>
      tpu.wait_dma2 semaphore(%arg10 : memref<!tpu.dma_semaphore, #tpu.memory_space<semaphore_mem>>) src(%dma_wait3A_52 : memref<125xi32, #tpu.memory_space<hbm>>) dst(%arg7 : memref<125xi32, #tpu.memory_space<vmem>>)
      %convert_element_type3A_53 = arith.extui %lt3A_29 : i1 to i32
      %cond3A_54 = arith.constant 0 : i32
      %cond3A_55 = arith.cmpi ne, %convert_element_type3A_53, %cond3A_54 : i32
      scf.if %cond3A_55 {
        %mul3A_56 = arith.constant 2 : i32
        %mul3A_57 = arith.muli %mul3A_56, %scan3A_28 : i32
        %add3A_58 = arith.constant 2 : i32
        %add3A_59 = arith.addi %mul3A_57, %add3A_58 : i32
        %dma_start3A_60 = arith.constant 0 : i32
        %dma_start3A_61 = tpu.memref_slice %arg2[%add3A, %add3A_59, %dma_start3A_60] : memref<32x80x125xi32, #tpu.memory_space<hbm>> -> memref<1x1x125xi32, #tpu.memory_space<hbm>>
        %dma_start3A_62 = tpu.memref_squeeze %dma_start3A_61 : memref<1x1x125xi32, #tpu.memory_space<hbm>> -> memref<125xi32, #tpu.memory_space<hbm>>
        %dma_start3A_63 = arith.constant 0 : i32
        %dma_start3A_64 = tpu.memref_slice %arg2[%add3A, %add3A_59, %dma_start3A_63] : memref<32x80x125xi32, #tpu.memory_space<hbm>> -> memref<1x1x125xi32, #tpu.memory_space<hbm>>
        %dma_start3A_65 = tpu.memref_squeeze %dma_start3A_64 : memref<1x1x125xi32, #tpu.memory_space<hbm>> -> memref<125xi32, #tpu.memory_space<hbm>>
        tpu.enqueue_dma source(%dma_start3A_65 : memref<125xi32, #tpu.memory_space<hbm>>) target(%arg6 : memref<125xi32, #tpu.memory_space<vmem>>) target_semaphore(%arg9 : memref<!tpu.dma_semaphore, #tpu.memory_space<semaphore_mem>>)
      } else {
      }
      "tpu.region"() ({
        %run_scoped3A = tpu.sem_alloc : memref<!tpu.dma_semaphore, #tpu.memory_space<semaphore_mem>>
        %dma_start3A_56 = arith.constant 0 : i32
        %dma_start3A_57 = arith.constant 0 : i32
        %dma_start3A_58 = tpu.memref_slice %arg5[%dma_start3A_56, %dma_start3A_57] : memref<10000x128xf32, #tpu.memory_space<vmem_shared>> -> memref<10000x128xf32, #tpu.memory_space<vmem_shared>>
        tpu.enqueue_indirect_dma source(%arg8 : memref<125x128xf32, #tpu.memory_space<vmem>>) target(%dma_start3A_58 : memref<10000x128xf32, #tpu.memory_space<vmem_shared>>) offsets(%arg7 : memref<125xi32, #tpu.memory_space<vmem>>) semaphore(%run_scoped3A : memref<!tpu.dma_semaphore, #tpu.memory_space<semaphore_mem>>) {add = true}
        %dma_wait3A_59 = arith.constant 0 : i32
        %dma_wait3A_60 = arith.constant 0 : i32
        %dma_wait3A_61 = tpu.memref_slice %arg5[%dma_wait3A_59, %dma_wait3A_60] : memref<10000x128xf32, #tpu.memory_space<vmem_shared>> -> memref<10000x128xf32, #tpu.memory_space<vmem_shared>>
        tpu.wait_indirect_dma semaphore(%run_scoped3A : memref<!tpu.dma_semaphore, #tpu.memory_space<semaphore_mem>>) src(%arg8 : memref<125x128xf32, #tpu.memory_space<vmem>>) dst(%dma_wait3A_61 : memref<10000x128xf32, #tpu.memory_space<vmem_shared>>)
        tpu.yield
      }) : () -> ()
    }
    %scan3A_21 = arith.constant 40 : i32
    %barrier3A_22 = arith.constant 0 : index
    tpu.barrier barrier_id(%barrier3A_22)
    "tpu.region"() ({
      %run_scoped3A = tpu.sem_alloc : memref<!tpu.dma_semaphore, #tpu.memory_space<semaphore_mem>>
      %dma_start3A_28 = arith.constant 0 : i32
      %dma_start3A_29 = tpu.memref_slice %arg4[%arg0, %mul3A_2, %dma_start3A_28] : memref<2x10000x128xf32, #tpu.memory_space<hbm>> -> memref<1x624x128xf32, #tpu.memory_space<hbm>>
      %dma_start3A_30 = tpu.memref_squeeze %dma_start3A_29 : memref<1x624x128xf32, #tpu.memory_space<hbm>> -> memref<624x128xf32, #tpu.memory_space<hbm>>
      %dma_start3A_31 = arith.constant 0 : i32
      %dma_start3A_32 = tpu.memref_slice %arg5[%mul3A_2, %dma_start3A_31] : memref<10000x128xf32, #tpu.memory_space<vmem_shared>> -> memref<624x128xf32, #tpu.memory_space<vmem_shared>>
      tpu.enqueue_dma source(%dma_start3A_32 : memref<624x128xf32, #tpu.memory_space<vmem_shared>>) target(%dma_start3A_30 : memref<624x128xf32, #tpu.memory_space<hbm>>) target_semaphore(%run_scoped3A : memref<!tpu.dma_semaphore, #tpu.memory_space<semaphore_mem>>)
      %dma_wait3A = arith.constant 0 : i32
      %dma_wait3A_33 = tpu.memref_slice %arg4[%arg0, %mul3A_2, %dma_wait3A] : memref<2x10000x128xf32, #tpu.memory_space<hbm>> -> memref<1x624x128xf32, #tpu.memory_space<hbm>>
      %dma_wait3A_34 = tpu.memref_squeeze %dma_wait3A_33 : memref<1x624x128xf32, #tpu.memory_space<hbm>> -> memref<624x128xf32, #tpu.memory_space<hbm>>
      %dma_wait3A_35 = arith.constant 0 : i32
      %dma_wait3A_36 = tpu.memref_slice %arg5[%mul3A_2, %dma_wait3A_35] : memref<10000x128xf32, #tpu.memory_space<vmem_shared>> -> memref<624x128xf32, #tpu.memory_space<vmem_shared>>
      tpu.wait_dma2 semaphore(%run_scoped3A : memref<!tpu.dma_semaphore, #tpu.memory_space<semaphore_mem>>) src(%dma_wait3A_36 : memref<624x128xf32, #tpu.memory_space<vmem_shared>>) dst(%dma_wait3A_34 : memref<624x128xf32, #tpu.memory_space<hbm>>)
      tpu.yield
    }) : () -> ()
    %eq3A_23 = arith.constant 0 : i32
    %eq3A_24 = arith.cmpi eq, %arg1, %eq3A_23 : i32
    %convert_element_type3A_25 = arith.extui %eq3A_24 : i1 to i32
    %cond3A_26 = arith.constant 0 : i32
    %cond3A_27 = arith.cmpi ne, %convert_element_type3A_25, %cond3A_26 : i32
    scf.if %cond3A_27 {
      "tpu.region"() ({
        %run_scoped3A = tpu.sem_alloc : memref<!tpu.dma_semaphore, #tpu.memory_space<semaphore_mem>>
        %dma_start3A_28 = arith.constant 9984 : i32
        %dma_start3A_29 = arith.constant 0 : i32
        %dma_start3A_30 = tpu.memref_slice %arg4[%arg0, %dma_start3A_28, %dma_start3A_29] : memref<2x10000x128xf32, #tpu.memory_space<hbm>> -> memref<1x16x128xf32, #tpu.memory_space<hbm>>
        %dma_start3A_31 = tpu.memref_squeeze %dma_start3A_30 : memref<1x16x128xf32, #tpu.memory_space<hbm>> -> memref<16x128xf32, #tpu.memory_space<hbm>>
        %dma_start3A_32 = arith.constant 9984 : i32
        %dma_start3A_33 = arith.constant 0 : i32
        %dma_start3A_34 = tpu.memref_slice %arg5[%dma_start3A_32, %dma_start3A_33] : memref<10000x128xf32, #tpu.memory_space<vmem_shared>> -> memref<16x128xf32, #tpu.memory_space<vmem_shared>>
        tpu.enqueue_dma source(%dma_start3A_34 : memref<16x128xf32, #tpu.memory_space<vmem_shared>>) target(%dma_start3A_31 : memref<16x128xf32, #tpu.memory_space<hbm>>) target_semaphore(%run_scoped3A : memref<!tpu.dma_semaphore, #tpu.memory_space<semaphore_mem>>)
        %dma_wait3A = arith.constant 9984 : i32
        %dma_wait3A_35 = arith.constant 0 : i32
        %dma_wait3A_36 = tpu.memref_slice %arg4[%arg0, %dma_wait3A, %dma_wait3A_35] : memref<2x10000x128xf32, #tpu.memory_space<hbm>> -> memref<1x16x128xf32, #tpu.memory_space<hbm>>
        %dma_wait3A_37 = tpu.memref_squeeze %dma_wait3A_36 : memref<1x16x128xf32, #tpu.memory_space<hbm>> -> memref<16x128xf32, #tpu.memory_space<hbm>>
        %dma_wait3A_38 = arith.constant 9984 : i32
        %dma_wait3A_39 = arith.constant 0 : i32
        %dma_wait3A_40 = tpu.memref_slice %arg5[%dma_wait3A_38, %dma_wait3A_39] : memref<10000x128xf32, #tpu.memory_space<vmem_shared>> -> memref<16x128xf32, #tpu.memory_space<vmem_shared>>
        tpu.wait_dma2 semaphore(%run_scoped3A : memref<!tpu.dma_semaphore, #tpu.memory_space<semaphore_mem>>) src(%dma_wait3A_40 : memref<16x128xf32, #tpu.memory_space<vmem_shared>>) dst(%dma_wait3A_37 : memref<16x128xf32, #tpu.memory_space<hbm>>)
        tpu.yield
      }) : () -> ()
    } else {
    }
    return
  }
}

#map = affine_map<(d0, d1) -> (0, 0)>
#map1 = affine_map<(d0, d1) -> (0, 0, 0, 0)>
#map2 = affine_map<(d0, d1) -> (0, 0, 0)>
module attributes {stable_mosaic.version = 14 : i64} {
  func.func @body(%arg0: i32, %arg1: i32, %arg2: memref<10000x128xf32, #tpu.memory_space<hbm>>, %arg3: memref<32x80x2x125xi32, #tpu.memory_space<hbm>>, %arg4: memref<10000x128xf32, #tpu.memory_space<hbm>>, %arg5: memref<2x10000x128xf32, #tpu.memory_space<hbm>>, %arg6: memref<10000x128xf32, #tpu.memory_space<vmem_shared>>, %arg7: memref<2x125xi32, #tpu.memory_space<vmem>>, %arg8: memref<125x128xf32, #tpu.memory_space<vmem>>, %arg9: memref<!tpu.dma_semaphore, #tpu.memory_space<semaphore_mem>>, %arg10: memref<!tpu.dma_semaphore, #tpu.memory_space<semaphore_mem>>, %arg11: memref<2x125xi32, #tpu.memory_space<vmem>>, %arg12: memref<125x128xf32, #tpu.memory_space<vmem>>, %arg13: memref<!tpu.dma_semaphore, #tpu.memory_space<semaphore_mem>>, %arg14: memref<!tpu.dma_semaphore, #tpu.memory_space<semaphore_mem>>) attributes {dimension_semantics = [#tpu.dimension_semantics<core_parallel>, #tpu.dimension_semantics<subcore_parallel>], iteration_bounds = array<i64: 2, 16>, scalar_prefetch = 0 : i64, scratch_operands = 9 : i64, tpu.core_type = #tpu.core_type<sc_vector_subcore>, window_params = [{transform_indices = #map}, {transform_indices = #map1}, {transform_indices = #map}, {transform_indices = #map2}]} {
    %mul3A = arith.constant 16 : i32
    %mul3A_0 = arith.muli %arg0, %mul3A : i32
    %add3A = arith.addi %mul3A_0, %arg1 : i32
    %mul3A_1 = arith.constant 624 : i32
    %mul3A_2 = arith.muli %arg1, %mul3A_1 : i32
    "tpu.region"() ({
      %run_scoped3A = tpu.sem_alloc : memref<!tpu.dma_semaphore, #tpu.memory_space<semaphore_mem>>
      %dma_start3A_48 = arith.constant 0 : i32
      %dma_start3A_49 = tpu.memref_slice %arg6[%mul3A_2, %dma_start3A_48] : memref<10000x128xf32, #tpu.memory_space<vmem_shared>> -> memref<624x128xf32, #tpu.memory_space<vmem_shared>>
      %dma_start3A_50 = arith.constant 0 : i32
      %dma_start3A_51 = tpu.memref_slice %arg4[%mul3A_2, %dma_start3A_50] : memref<10000x128xf32, #tpu.memory_space<hbm>> -> memref<624x128xf32, #tpu.memory_space<hbm>>
      tpu.enqueue_dma source(%dma_start3A_51 : memref<624x128xf32, #tpu.memory_space<hbm>>) target(%dma_start3A_49 : memref<624x128xf32, #tpu.memory_space<vmem_shared>>) target_semaphore(%run_scoped3A : memref<!tpu.dma_semaphore, #tpu.memory_space<semaphore_mem>>)
      %dma_wait3A_52 = arith.constant 0 : i32
      %dma_wait3A_53 = tpu.memref_slice %arg6[%mul3A_2, %dma_wait3A_52] : memref<10000x128xf32, #tpu.memory_space<vmem_shared>> -> memref<624x128xf32, #tpu.memory_space<vmem_shared>>
      %dma_wait3A_54 = arith.constant 0 : i32
      %dma_wait3A_55 = tpu.memref_slice %arg4[%mul3A_2, %dma_wait3A_54] : memref<10000x128xf32, #tpu.memory_space<hbm>> -> memref<624x128xf32, #tpu.memory_space<hbm>>
      tpu.wait_dma2 semaphore(%run_scoped3A : memref<!tpu.dma_semaphore, #tpu.memory_space<semaphore_mem>>) src(%dma_wait3A_55 : memref<624x128xf32, #tpu.memory_space<hbm>>) dst(%dma_wait3A_53 : memref<624x128xf32, #tpu.memory_space<vmem_shared>>)
      tpu.yield
    }) : () -> ()
    %eq3A = arith.constant 0 : i32
    %eq3A_3 = arith.cmpi eq, %arg1, %eq3A : i32
    %convert_element_type3A = arith.extui %eq3A_3 : i1 to i32
    %cond3A = arith.constant 0 : i32
    %cond3A_4 = arith.cmpi ne, %convert_element_type3A, %cond3A : i32
    scf.if %cond3A_4 {
      "tpu.region"() ({
        %run_scoped3A = tpu.sem_alloc : memref<!tpu.dma_semaphore, #tpu.memory_space<semaphore_mem>>
        %dma_start3A_48 = arith.constant 9984 : i32
        %dma_start3A_49 = arith.constant 0 : i32
        %dma_start3A_50 = tpu.memref_slice %arg6[%dma_start3A_48, %dma_start3A_49] : memref<10000x128xf32, #tpu.memory_space<vmem_shared>> -> memref<16x128xf32, #tpu.memory_space<vmem_shared>>
        %dma_start3A_51 = arith.constant 9984 : i32
        %dma_start3A_52 = arith.constant 0 : i32
        %dma_start3A_53 = tpu.memref_slice %arg4[%dma_start3A_51, %dma_start3A_52] : memref<10000x128xf32, #tpu.memory_space<hbm>> -> memref<16x128xf32, #tpu.memory_space<hbm>>
        tpu.enqueue_dma source(%dma_start3A_53 : memref<16x128xf32, #tpu.memory_space<hbm>>) target(%dma_start3A_50 : memref<16x128xf32, #tpu.memory_space<vmem_shared>>) target_semaphore(%run_scoped3A : memref<!tpu.dma_semaphore, #tpu.memory_space<semaphore_mem>>)
        %dma_wait3A_54 = arith.constant 9984 : i32
        %dma_wait3A_55 = arith.constant 0 : i32
        %dma_wait3A_56 = tpu.memref_slice %arg6[%dma_wait3A_54, %dma_wait3A_55] : memref<10000x128xf32, #tpu.memory_space<vmem_shared>> -> memref<16x128xf32, #tpu.memory_space<vmem_shared>>
        %dma_wait3A_57 = arith.constant 9984 : i32
        %dma_wait3A_58 = arith.constant 0 : i32
        %dma_wait3A_59 = tpu.memref_slice %arg4[%dma_wait3A_57, %dma_wait3A_58] : memref<10000x128xf32, #tpu.memory_space<hbm>> -> memref<16x128xf32, #tpu.memory_space<hbm>>
        tpu.wait_dma2 semaphore(%run_scoped3A : memref<!tpu.dma_semaphore, #tpu.memory_space<semaphore_mem>>) src(%dma_wait3A_59 : memref<16x128xf32, #tpu.memory_space<hbm>>) dst(%dma_wait3A_56 : memref<16x128xf32, #tpu.memory_space<vmem_shared>>)
        tpu.yield
      }) : () -> ()
    } else {
    }
    %barrier3A = arith.constant 0 : index
    tpu.barrier barrier_id(%barrier3A)
    %dma_start3A = arith.constant 0 : i32
    %dma_start3A_5 = arith.constant 0 : i32
    %dma_start3A_6 = arith.constant 0 : i32
    %dma_start3A_7 = tpu.memref_slice %arg3[%add3A, %dma_start3A, %dma_start3A_5, %dma_start3A_6] : memref<32x80x2x125xi32, #tpu.memory_space<hbm>> -> memref<1x1x2x125xi32, #tpu.memory_space<hbm>>
    %dma_start3A_8 = tpu.memref_squeeze %dma_start3A_7 : memref<1x1x2x125xi32, #tpu.memory_space<hbm>> -> memref<2x125xi32, #tpu.memory_space<hbm>>
    %dma_start3A_9 = arith.constant 0 : i32
    %dma_start3A_10 = arith.constant 0 : i32
    %dma_start3A_11 = tpu.memref_slice %arg3[%add3A, %dma_start3A, %dma_start3A_9, %dma_start3A_10] : memref<32x80x2x125xi32, #tpu.memory_space<hbm>> -> memref<1x1x2x125xi32, #tpu.memory_space<hbm>>
    %dma_start3A_12 = tpu.memref_squeeze %dma_start3A_11 : memref<1x1x2x125xi32, #tpu.memory_space<hbm>> -> memref<2x125xi32, #tpu.memory_space<hbm>>
    tpu.enqueue_dma source(%dma_start3A_12 : memref<2x125xi32, #tpu.memory_space<hbm>>) target(%arg7 : memref<2x125xi32, #tpu.memory_space<vmem>>) target_semaphore(%arg9 : memref<!tpu.dma_semaphore, #tpu.memory_space<semaphore_mem>>)
    %dma_wait3A = arith.constant 0 : i32
    %dma_wait3A_13 = arith.constant 0 : i32
    %dma_wait3A_14 = arith.constant 0 : i32
    %dma_wait3A_15 = tpu.memref_slice %arg3[%add3A, %dma_wait3A, %dma_wait3A_13, %dma_wait3A_14] : memref<32x80x2x125xi32, #tpu.memory_space<hbm>> -> memref<1x1x2x125xi32, #tpu.memory_space<hbm>>
    %dma_wait3A_16 = tpu.memref_squeeze %dma_wait3A_15 : memref<1x1x2x125xi32, #tpu.memory_space<hbm>> -> memref<2x125xi32, #tpu.memory_space<hbm>>
    %dma_wait3A_17 = arith.constant 0 : i32
    %dma_wait3A_18 = arith.constant 0 : i32
    %dma_wait3A_19 = tpu.memref_slice %arg3[%add3A, %dma_wait3A, %dma_wait3A_17, %dma_wait3A_18] : memref<32x80x2x125xi32, #tpu.memory_space<hbm>> -> memref<1x1x2x125xi32, #tpu.memory_space<hbm>>
    %dma_wait3A_20 = tpu.memref_squeeze %dma_wait3A_19 : memref<1x1x2x125xi32, #tpu.memory_space<hbm>> -> memref<2x125xi32, #tpu.memory_space<hbm>>
    tpu.wait_dma2 semaphore(%arg9 : memref<!tpu.dma_semaphore, #tpu.memory_space<semaphore_mem>>) src(%dma_wait3A_20 : memref<2x125xi32, #tpu.memory_space<hbm>>) dst(%arg7 : memref<2x125xi32, #tpu.memory_space<vmem>>)
    %dma_start3A_21 = arith.constant 0 : i32
    %dma_start3A_22 = arith.constant 0 : i32
    %dma_start3A_23 = tpu.memref_slice %arg7[%dma_start3A_21, %dma_start3A_22] : memref<2x125xi32, #tpu.memory_space<vmem>> -> memref<1x125xi32, #tpu.memory_space<vmem>>
    %dma_start3A_24 = tpu.memref_squeeze %dma_start3A_23 : memref<1x125xi32, #tpu.memory_space<vmem>> -> memref<125xi32, #tpu.memory_space<vmem>>
    %dma_start3A_25 = arith.constant 0 : i32
    %dma_start3A_26 = arith.constant 0 : i32
    %dma_start3A_27 = tpu.memref_slice %arg2[%dma_start3A_25, %dma_start3A_26] : memref<10000x128xf32, #tpu.memory_space<hbm>> -> memref<10000x128xf32, #tpu.memory_space<hbm>>
    tpu.enqueue_indirect_dma source(%dma_start3A_27 : memref<10000x128xf32, #tpu.memory_space<hbm>>) target(%arg8 : memref<125x128xf32, #tpu.memory_space<vmem>>) offsets(%dma_start3A_24 : memref<125xi32, #tpu.memory_space<vmem>>) semaphore(%arg10 : memref<!tpu.dma_semaphore, #tpu.memory_space<semaphore_mem>>)
    %dma_start3A_28 = arith.constant 1 : i32
    %dma_start3A_29 = arith.constant 0 : i32
    %dma_start3A_30 = arith.constant 0 : i32
    %dma_start3A_31 = tpu.memref_slice %arg3[%add3A, %dma_start3A_28, %dma_start3A_29, %dma_start3A_30] : memref<32x80x2x125xi32, #tpu.memory_space<hbm>> -> memref<1x1x2x125xi32, #tpu.memory_space<hbm>>
    %dma_start3A_32 = tpu.memref_squeeze %dma_start3A_31 : memref<1x1x2x125xi32, #tpu.memory_space<hbm>> -> memref<2x125xi32, #tpu.memory_space<hbm>>
    %dma_start3A_33 = arith.constant 0 : i32
    %dma_start3A_34 = arith.constant 0 : i32
    %dma_start3A_35 = tpu.memref_slice %arg3[%add3A, %dma_start3A_28, %dma_start3A_33, %dma_start3A_34] : memref<32x80x2x125xi32, #tpu.memory_space<hbm>> -> memref<1x1x2x125xi32, #tpu.memory_space<hbm>>
    %dma_start3A_36 = tpu.memref_squeeze %dma_start3A_35 : memref<1x1x2x125xi32, #tpu.memory_space<hbm>> -> memref<2x125xi32, #tpu.memory_space<hbm>>
    tpu.enqueue_dma source(%dma_start3A_36 : memref<2x125xi32, #tpu.memory_space<hbm>>) target(%arg11 : memref<2x125xi32, #tpu.memory_space<vmem>>) target_semaphore(%arg13 : memref<!tpu.dma_semaphore, #tpu.memory_space<semaphore_mem>>)
    %scan3A = arith.constant 0 : i32
    %scan3A_37 = arith.constant 0 : i32
    %scan3A_38 = arith.constant 40 : i32
    %scan3A_39 = arith.addi %scan3A_37, %scan3A_38 : i32
    %scan3A_40 = arith.constant 1 : i32
    scf.for %scan3A_48 = %scan3A_37 to %scan3A_39 step %scan3A_40  : i32 {
      %lt3A = arith.constant 39 : i32
      %lt3A_49 = arith.cmpi slt, %scan3A_48, %lt3A : i32
      %dma_wait3A_50 = arith.constant 0 : i32
      %dma_wait3A_51 = arith.constant 0 : i32
      %dma_wait3A_52 = tpu.memref_slice %arg7[%dma_wait3A_50, %dma_wait3A_51] : memref<2x125xi32, #tpu.memory_space<vmem>> -> memref<1x125xi32, #tpu.memory_space<vmem>>
      %dma_wait3A_53 = tpu.memref_squeeze %dma_wait3A_52 : memref<1x125xi32, #tpu.memory_space<vmem>> -> memref<125xi32, #tpu.memory_space<vmem>>
      %dma_wait3A_54 = arith.constant 0 : i32
      %dma_wait3A_55 = arith.constant 0 : i32
      %dma_wait3A_56 = tpu.memref_slice %arg2[%dma_wait3A_54, %dma_wait3A_55] : memref<10000x128xf32, #tpu.memory_space<hbm>> -> memref<10000x128xf32, #tpu.memory_space<hbm>>
      tpu.wait_indirect_dma semaphore(%arg10 : memref<!tpu.dma_semaphore, #tpu.memory_space<semaphore_mem>>) src(%dma_wait3A_56 : memref<10000x128xf32, #tpu.memory_space<hbm>>) dst(%arg8 : memref<125x128xf32, #tpu.memory_space<vmem>>)
      %dma_wait3A_57 = arith.constant 0 : i32
      %dma_wait3A_58 = arith.constant 0 : i32
      %dma_wait3A_59 = arith.constant 0 : i32
      %dma_wait3A_60 = tpu.memref_slice %arg3[%add3A, %dma_wait3A_57, %dma_wait3A_58, %dma_wait3A_59] : memref<32x80x2x125xi32, #tpu.memory_space<hbm>> -> memref<1x1x2x125xi32, #tpu.memory_space<hbm>>
      %dma_wait3A_61 = tpu.memref_squeeze %dma_wait3A_60 : memref<1x1x2x125xi32, #tpu.memory_space<hbm>> -> memref<2x125xi32, #tpu.memory_space<hbm>>
      %dma_wait3A_62 = arith.constant 0 : i32
      %dma_wait3A_63 = arith.constant 0 : i32
      %dma_wait3A_64 = tpu.memref_slice %arg3[%add3A, %dma_wait3A_57, %dma_wait3A_62, %dma_wait3A_63] : memref<32x80x2x125xi32, #tpu.memory_space<hbm>> -> memref<1x1x2x125xi32, #tpu.memory_space<hbm>>
      %dma_wait3A_65 = tpu.memref_squeeze %dma_wait3A_64 : memref<1x1x2x125xi32, #tpu.memory_space<hbm>> -> memref<2x125xi32, #tpu.memory_space<hbm>>
      tpu.wait_dma2 semaphore(%arg13 : memref<!tpu.dma_semaphore, #tpu.memory_space<semaphore_mem>>) src(%dma_wait3A_65 : memref<2x125xi32, #tpu.memory_space<hbm>>) dst(%arg11 : memref<2x125xi32, #tpu.memory_space<vmem>>)
      %dma_start3A_66 = arith.constant 0 : i32
      %dma_start3A_67 = arith.constant 0 : i32
      %dma_start3A_68 = tpu.memref_slice %arg11[%dma_start3A_66, %dma_start3A_67] : memref<2x125xi32, #tpu.memory_space<vmem>> -> memref<1x125xi32, #tpu.memory_space<vmem>>
      %dma_start3A_69 = tpu.memref_squeeze %dma_start3A_68 : memref<1x125xi32, #tpu.memory_space<vmem>> -> memref<125xi32, #tpu.memory_space<vmem>>
      %dma_start3A_70 = arith.constant 0 : i32
      %dma_start3A_71 = arith.constant 0 : i32
      %dma_start3A_72 = tpu.memref_slice %arg2[%dma_start3A_70, %dma_start3A_71] : memref<10000x128xf32, #tpu.memory_space<hbm>> -> memref<10000x128xf32, #tpu.memory_space<hbm>>
      tpu.enqueue_indirect_dma source(%dma_start3A_72 : memref<10000x128xf32, #tpu.memory_space<hbm>>) target(%arg12 : memref<125x128xf32, #tpu.memory_space<vmem>>) offsets(%dma_start3A_69 : memref<125xi32, #tpu.memory_space<vmem>>) semaphore(%arg14 : memref<!tpu.dma_semaphore, #tpu.memory_space<semaphore_mem>>)
      %run_scoped3A = arith.constant 1 : i32
      "tpu.region"() ({
        %run_scoped3A_90 = tpu.sem_alloc : memref<!tpu.dma_semaphore, #tpu.memory_space<semaphore_mem>>
        %dma_start3A_91 = arith.constant 0 : i32
        %dma_start3A_92 = tpu.memref_slice %arg7[%run_scoped3A, %dma_start3A_91] : memref<2x125xi32, #tpu.memory_space<vmem>> -> memref<1x125xi32, #tpu.memory_space<vmem>>
        %dma_start3A_93 = tpu.memref_squeeze %dma_start3A_92 : memref<1x125xi32, #tpu.memory_space<vmem>> -> memref<125xi32, #tpu.memory_space<vmem>>
        %dma_start3A_94 = arith.constant 0 : i32
        %dma_start3A_95 = arith.constant 0 : i32
        %dma_start3A_96 = tpu.memref_slice %arg6[%dma_start3A_94, %dma_start3A_95] : memref<10000x128xf32, #tpu.memory_space<vmem_shared>> -> memref<10000x128xf32, #tpu.memory_space<vmem_shared>>
        tpu.enqueue_indirect_dma source(%arg8 : memref<125x128xf32, #tpu.memory_space<vmem>>) target(%dma_start3A_96 : memref<10000x128xf32, #tpu.memory_space<vmem_shared>>) offsets(%dma_start3A_93 : memref<125xi32, #tpu.memory_space<vmem>>) semaphore(%run_scoped3A_90 : memref<!tpu.dma_semaphore, #tpu.memory_space<semaphore_mem>>) {add = true}
        %dma_wait3A_97 = arith.constant 0 : i32
        %dma_wait3A_98 = tpu.memref_slice %arg7[%run_scoped3A, %dma_wait3A_97] : memref<2x125xi32, #tpu.memory_space<vmem>> -> memref<1x125xi32, #tpu.memory_space<vmem>>
        %dma_wait3A_99 = tpu.memref_squeeze %dma_wait3A_98 : memref<1x125xi32, #tpu.memory_space<vmem>> -> memref<125xi32, #tpu.memory_space<vmem>>
        %dma_wait3A_100 = arith.constant 0 : i32
        %dma_wait3A_101 = arith.constant 0 : i32
        %dma_wait3A_102 = tpu.memref_slice %arg6[%dma_wait3A_100, %dma_wait3A_101] : memref<10000x128xf32, #tpu.memory_space<vmem_shared>> -> memref<10000x128xf32, #tpu.memory_space<vmem_shared>>
        tpu.wait_indirect_dma semaphore(%run_scoped3A_90 : memref<!tpu.dma_semaphore, #tpu.memory_space<semaphore_mem>>) src(%arg8 : memref<125x128xf32, #tpu.memory_space<vmem>>) dst(%dma_wait3A_102 : memref<10000x128xf32, #tpu.memory_space<vmem_shared>>)
        tpu.yield
      }) : () -> ()
      %convert_element_type3A_73 = arith.extui %lt3A_49 : i1 to i32
      %cond3A_74 = arith.constant 0 : i32
      %cond3A_75 = arith.cmpi ne, %convert_element_type3A_73, %cond3A_74 : i32
      scf.if %cond3A_75 {
        %mul3A_90 = arith.constant 2 : i32
        %mul3A_91 = arith.muli %mul3A_90, %scan3A_48 : i32
        %add3A_92 = arith.constant 2 : i32
        %add3A_93 = arith.addi %mul3A_91, %add3A_92 : i32
        %dma_start3A_94 = arith.constant 0 : i32
        %dma_start3A_95 = arith.constant 0 : i32
        %dma_start3A_96 = tpu.memref_slice %arg3[%add3A, %add3A_93, %dma_start3A_94, %dma_start3A_95] : memref<32x80x2x125xi32, #tpu.memory_space<hbm>> -> memref<1x1x2x125xi32, #tpu.memory_space<hbm>>
        %dma_start3A_97 = tpu.memref_squeeze %dma_start3A_96 : memref<1x1x2x125xi32, #tpu.memory_space<hbm>> -> memref<2x125xi32, #tpu.memory_space<hbm>>
        %dma_start3A_98 = arith.constant 0 : i32
        %dma_start3A_99 = arith.constant 0 : i32
        %dma_start3A_100 = tpu.memref_slice %arg3[%add3A, %add3A_93, %dma_start3A_98, %dma_start3A_99] : memref<32x80x2x125xi32, #tpu.memory_space<hbm>> -> memref<1x1x2x125xi32, #tpu.memory_space<hbm>>
        %dma_start3A_101 = tpu.memref_squeeze %dma_start3A_100 : memref<1x1x2x125xi32, #tpu.memory_space<hbm>> -> memref<2x125xi32, #tpu.memory_space<hbm>>
        tpu.enqueue_dma source(%dma_start3A_101 : memref<2x125xi32, #tpu.memory_space<hbm>>) target(%arg7 : memref<2x125xi32, #tpu.memory_space<vmem>>) target_semaphore(%arg9 : memref<!tpu.dma_semaphore, #tpu.memory_space<semaphore_mem>>)
      } else {
      }
      %dma_wait3A_76 = arith.constant 0 : i32
      %dma_wait3A_77 = arith.constant 0 : i32
      %dma_wait3A_78 = tpu.memref_slice %arg11[%dma_wait3A_76, %dma_wait3A_77] : memref<2x125xi32, #tpu.memory_space<vmem>> -> memref<1x125xi32, #tpu.memory_space<vmem>>
      %dma_wait3A_79 = tpu.memref_squeeze %dma_wait3A_78 : memref<1x125xi32, #tpu.memory_space<vmem>> -> memref<125xi32, #tpu.memory_space<vmem>>
      %dma_wait3A_80 = arith.constant 0 : i32
      %dma_wait3A_81 = arith.constant 0 : i32
      %dma_wait3A_82 = tpu.memref_slice %arg2[%dma_wait3A_80, %dma_wait3A_81] : memref<10000x128xf32, #tpu.memory_space<hbm>> -> memref<10000x128xf32, #tpu.memory_space<hbm>>
      tpu.wait_indirect_dma semaphore(%arg14 : memref<!tpu.dma_semaphore, #tpu.memory_space<semaphore_mem>>) src(%dma_wait3A_82 : memref<10000x128xf32, #tpu.memory_space<hbm>>) dst(%arg12 : memref<125x128xf32, #tpu.memory_space<vmem>>)
      %convert_element_type3A_83 = arith.extui %lt3A_49 : i1 to i32
      %cond3A_84 = arith.constant 0 : i32
      %cond3A_85 = arith.cmpi ne, %convert_element_type3A_83, %cond3A_84 : i32
      scf.if %cond3A_85 {
        %dma_wait3A_90 = arith.constant 0 : i32
        %dma_wait3A_91 = arith.constant 0 : i32
        %dma_wait3A_92 = arith.constant 0 : i32
        %dma_wait3A_93 = tpu.memref_slice %arg3[%add3A, %dma_wait3A_90, %dma_wait3A_91, %dma_wait3A_92] : memref<32x80x2x125xi32, #tpu.memory_space<hbm>> -> memref<1x1x2x125xi32, #tpu.memory_space<hbm>>
        %dma_wait3A_94 = tpu.memref_squeeze %dma_wait3A_93 : memref<1x1x2x125xi32, #tpu.memory_space<hbm>> -> memref<2x125xi32, #tpu.memory_space<hbm>>
        %dma_wait3A_95 = arith.constant 0 : i32
        %dma_wait3A_96 = arith.constant 0 : i32
        %dma_wait3A_97 = tpu.memref_slice %arg3[%add3A, %dma_wait3A_90, %dma_wait3A_95, %dma_wait3A_96] : memref<32x80x2x125xi32, #tpu.memory_space<hbm>> -> memref<1x1x2x125xi32, #tpu.memory_space<hbm>>
        %dma_wait3A_98 = tpu.memref_squeeze %dma_wait3A_97 : memref<1x1x2x125xi32, #tpu.memory_space<hbm>> -> memref<2x125xi32, #tpu.memory_space<hbm>>
        tpu.wait_dma2 semaphore(%arg9 : memref<!tpu.dma_semaphore, #tpu.memory_space<semaphore_mem>>) src(%dma_wait3A_98 : memref<2x125xi32, #tpu.memory_space<hbm>>) dst(%arg7 : memref<2x125xi32, #tpu.memory_space<vmem>>)
        %dma_start3A_99 = arith.constant 0 : i32
        %dma_start3A_100 = arith.constant 0 : i32
        %dma_start3A_101 = tpu.memref_slice %arg7[%dma_start3A_99, %dma_start3A_100] : memref<2x125xi32, #tpu.memory_space<vmem>> -> memref<1x125xi32, #tpu.memory_space<vmem>>
        %dma_start3A_102 = tpu.memref_squeeze %dma_start3A_101 : memref<1x125xi32, #tpu.memory_space<vmem>> -> memref<125xi32, #tpu.memory_space<vmem>>
        %dma_start3A_103 = arith.constant 0 : i32
        %dma_start3A_104 = arith.constant 0 : i32
        %dma_start3A_105 = tpu.memref_slice %arg2[%dma_start3A_103, %dma_start3A_104] : memref<10000x128xf32, #tpu.memory_space<hbm>> -> memref<10000x128xf32, #tpu.memory_space<hbm>>
        tpu.enqueue_indirect_dma source(%dma_start3A_105 : memref<10000x128xf32, #tpu.memory_space<hbm>>) target(%arg8 : memref<125x128xf32, #tpu.memory_space<vmem>>) offsets(%dma_start3A_102 : memref<125xi32, #tpu.memory_space<vmem>>) semaphore(%arg10 : memref<!tpu.dma_semaphore, #tpu.memory_space<semaphore_mem>>)
      } else {
      }
      %run_scoped3A_86 = arith.constant 1 : i32
      "tpu.region"() ({
        %run_scoped3A_90 = tpu.sem_alloc : memref<!tpu.dma_semaphore, #tpu.memory_space<semaphore_mem>>
        %dma_start3A_91 = arith.constant 0 : i32
        %dma_start3A_92 = tpu.memref_slice %arg11[%run_scoped3A_86, %dma_start3A_91] : memref<2x125xi32, #tpu.memory_space<vmem>> -> memref<1x125xi32, #tpu.memory_space<vmem>>
        %dma_start3A_93 = tpu.memref_squeeze %dma_start3A_92 : memref<1x125xi32, #tpu.memory_space<vmem>> -> memref<125xi32, #tpu.memory_space<vmem>>
        %dma_start3A_94 = arith.constant 0 : i32
        %dma_start3A_95 = arith.constant 0 : i32
        %dma_start3A_96 = tpu.memref_slice %arg6[%dma_start3A_94, %dma_start3A_95] : memref<10000x128xf32, #tpu.memory_space<vmem_shared>> -> memref<10000x128xf32, #tpu.memory_space<vmem_shared>>
        tpu.enqueue_indirect_dma source(%arg12 : memref<125x128xf32, #tpu.memory_space<vmem>>) target(%dma_start3A_96 : memref<10000x128xf32, #tpu.memory_space<vmem_shared>>) offsets(%dma_start3A_93 : memref<125xi32, #tpu.memory_space<vmem>>) semaphore(%run_scoped3A_90 : memref<!tpu.dma_semaphore, #tpu.memory_space<semaphore_mem>>) {add = true}
        %dma_wait3A_97 = arith.constant 0 : i32
        %dma_wait3A_98 = tpu.memref_slice %arg11[%run_scoped3A_86, %dma_wait3A_97] : memref<2x125xi32, #tpu.memory_space<vmem>> -> memref<1x125xi32, #tpu.memory_space<vmem>>
        %dma_wait3A_99 = tpu.memref_squeeze %dma_wait3A_98 : memref<1x125xi32, #tpu.memory_space<vmem>> -> memref<125xi32, #tpu.memory_space<vmem>>
        %dma_wait3A_100 = arith.constant 0 : i32
        %dma_wait3A_101 = arith.constant 0 : i32
        %dma_wait3A_102 = tpu.memref_slice %arg6[%dma_wait3A_100, %dma_wait3A_101] : memref<10000x128xf32, #tpu.memory_space<vmem_shared>> -> memref<10000x128xf32, #tpu.memory_space<vmem_shared>>
        tpu.wait_indirect_dma semaphore(%run_scoped3A_90 : memref<!tpu.dma_semaphore, #tpu.memory_space<semaphore_mem>>) src(%arg12 : memref<125x128xf32, #tpu.memory_space<vmem>>) dst(%dma_wait3A_102 : memref<10000x128xf32, #tpu.memory_space<vmem_shared>>)
        tpu.yield
      }) : () -> ()
      %convert_element_type3A_87 = arith.extui %lt3A_49 : i1 to i32
      %cond3A_88 = arith.constant 0 : i32
      %cond3A_89 = arith.cmpi ne, %convert_element_type3A_87, %cond3A_88 : i32
      scf.if %cond3A_89 {
        %mul3A_90 = arith.constant 2 : i32
        %mul3A_91 = arith.muli %mul3A_90, %scan3A_48 : i32
        %add3A_92 = arith.constant 3 : i32
        %add3A_93 = arith.addi %mul3A_91, %add3A_92 : i32
        %dma_start3A_94 = arith.constant 0 : i32
        %dma_start3A_95 = arith.constant 0 : i32
        %dma_start3A_96 = tpu.memref_slice %arg3[%add3A, %add3A_93, %dma_start3A_94, %dma_start3A_95] : memref<32x80x2x125xi32, #tpu.memory_space<hbm>> -> memref<1x1x2x125xi32, #tpu.memory_space<hbm>>
        %dma_start3A_97 = tpu.memref_squeeze %dma_start3A_96 : memref<1x1x2x125xi32, #tpu.memory_space<hbm>> -> memref<2x125xi32, #tpu.memory_space<hbm>>
        %dma_start3A_98 = arith.constant 0 : i32
        %dma_start3A_99 = arith.constant 0 : i32
        %dma_start3A_100 = tpu.memref_slice %arg3[%add3A, %add3A_93, %dma_start3A_98, %dma_start3A_99] : memref<32x80x2x125xi32, #tpu.memory_space<hbm>> -> memref<1x1x2x125xi32, #tpu.memory_space<hbm>>
        %dma_start3A_101 = tpu.memref_squeeze %dma_start3A_100 : memref<1x1x2x125xi32, #tpu.memory_space<hbm>> -> memref<2x125xi32, #tpu.memory_space<hbm>>
        tpu.enqueue_dma source(%dma_start3A_101 : memref<2x125xi32, #tpu.memory_space<hbm>>) target(%arg11 : memref<2x125xi32, #tpu.memory_space<vmem>>) target_semaphore(%arg13 : memref<!tpu.dma_semaphore, #tpu.memory_space<semaphore_mem>>)
      } else {
      }
    }
    %scan3A_41 = arith.constant 40 : i32
    %barrier3A_42 = arith.constant 0 : index
    tpu.barrier barrier_id(%barrier3A_42)
    "tpu.region"() ({
      %run_scoped3A = tpu.sem_alloc : memref<!tpu.dma_semaphore, #tpu.memory_space<semaphore_mem>>
      %dma_start3A_48 = arith.constant 0 : i32
      %dma_start3A_49 = tpu.memref_slice %arg5[%arg0, %mul3A_2, %dma_start3A_48] : memref<2x10000x128xf32, #tpu.memory_space<hbm>> -> memref<1x624x128xf32, #tpu.memory_space<hbm>>
      %dma_start3A_50 = tpu.memref_squeeze %dma_start3A_49 : memref<1x624x128xf32, #tpu.memory_space<hbm>> -> memref<624x128xf32, #tpu.memory_space<hbm>>
      %dma_start3A_51 = arith.constant 0 : i32
      %dma_start3A_52 = tpu.memref_slice %arg6[%mul3A_2, %dma_start3A_51] : memref<10000x128xf32, #tpu.memory_space<vmem_shared>> -> memref<624x128xf32, #tpu.memory_space<vmem_shared>>
      tpu.enqueue_dma source(%dma_start3A_52 : memref<624x128xf32, #tpu.memory_space<vmem_shared>>) target(%dma_start3A_50 : memref<624x128xf32, #tpu.memory_space<hbm>>) target_semaphore(%run_scoped3A : memref<!tpu.dma_semaphore, #tpu.memory_space<semaphore_mem>>)
      %dma_wait3A_53 = arith.constant 0 : i32
      %dma_wait3A_54 = tpu.memref_slice %arg5[%arg0, %mul3A_2, %dma_wait3A_53] : memref<2x10000x128xf32, #tpu.memory_space<hbm>> -> memref<1x624x128xf32, #tpu.memory_space<hbm>>
      %dma_wait3A_55 = tpu.memref_squeeze %dma_wait3A_54 : memref<1x624x128xf32, #tpu.memory_space<hbm>> -> memref<624x128xf32, #tpu.memory_space<hbm>>
      %dma_wait3A_56 = arith.constant 0 : i32
      %dma_wait3A_57 = tpu.memref_slice %arg6[%mul3A_2, %dma_wait3A_56] : memref<10000x128xf32, #tpu.memory_space<vmem_shared>> -> memref<624x128xf32, #tpu.memory_space<vmem_shared>>
      tpu.wait_dma2 semaphore(%run_scoped3A : memref<!tpu.dma_semaphore, #tpu.memory_space<semaphore_mem>>) src(%dma_wait3A_57 : memref<624x128xf32, #tpu.memory_space<vmem_shared>>) dst(%dma_wait3A_55 : memref<624x128xf32, #tpu.memory_space<hbm>>)
      tpu.yield
    }) : () -> ()
    %eq3A_43 = arith.constant 0 : i32
    %eq3A_44 = arith.cmpi eq, %arg1, %eq3A_43 : i32
    %convert_element_type3A_45 = arith.extui %eq3A_44 : i1 to i32
    %cond3A_46 = arith.constant 0 : i32
    %cond3A_47 = arith.cmpi ne, %convert_element_type3A_45, %cond3A_46 : i32
    scf.if %cond3A_47 {
      "tpu.region"() ({
        %run_scoped3A = tpu.sem_alloc : memref<!tpu.dma_semaphore, #tpu.memory_space<semaphore_mem>>
        %dma_start3A_48 = arith.constant 9984 : i32
        %dma_start3A_49 = arith.constant 0 : i32
        %dma_start3A_50 = tpu.memref_slice %arg5[%arg0, %dma_start3A_48, %dma_start3A_49] : memref<2x10000x128xf32, #tpu.memory_space<hbm>> -> memref<1x16x128xf32, #tpu.memory_space<hbm>>
        %dma_start3A_51 = tpu.memref_squeeze %dma_start3A_50 : memref<1x16x128xf32, #tpu.memory_space<hbm>> -> memref<16x128xf32, #tpu.memory_space<hbm>>
        %dma_start3A_52 = arith.constant 9984 : i32
        %dma_start3A_53 = arith.constant 0 : i32
        %dma_start3A_54 = tpu.memref_slice %arg6[%dma_start3A_52, %dma_start3A_53] : memref<10000x128xf32, #tpu.memory_space<vmem_shared>> -> memref<16x128xf32, #tpu.memory_space<vmem_shared>>
        tpu.enqueue_dma source(%dma_start3A_54 : memref<16x128xf32, #tpu.memory_space<vmem_shared>>) target(%dma_start3A_51 : memref<16x128xf32, #tpu.memory_space<hbm>>) target_semaphore(%run_scoped3A : memref<!tpu.dma_semaphore, #tpu.memory_space<semaphore_mem>>)
        %dma_wait3A_55 = arith.constant 9984 : i32
        %dma_wait3A_56 = arith.constant 0 : i32
        %dma_wait3A_57 = tpu.memref_slice %arg5[%arg0, %dma_wait3A_55, %dma_wait3A_56] : memref<2x10000x128xf32, #tpu.memory_space<hbm>> -> memref<1x16x128xf32, #tpu.memory_space<hbm>>
        %dma_wait3A_58 = tpu.memref_squeeze %dma_wait3A_57 : memref<1x16x128xf32, #tpu.memory_space<hbm>> -> memref<16x128xf32, #tpu.memory_space<hbm>>
        %dma_wait3A_59 = arith.constant 9984 : i32
        %dma_wait3A_60 = arith.constant 0 : i32
        %dma_wait3A_61 = tpu.memref_slice %arg6[%dma_wait3A_59, %dma_wait3A_60] : memref<10000x128xf32, #tpu.memory_space<vmem_shared>> -> memref<16x128xf32, #tpu.memory_space<vmem_shared>>
        tpu.wait_dma2 semaphore(%run_scoped3A : memref<!tpu.dma_semaphore, #tpu.memory_space<semaphore_mem>>) src(%dma_wait3A_61 : memref<16x128xf32, #tpu.memory_space<vmem_shared>>) dst(%dma_wait3A_58 : memref<16x128xf32, #tpu.memory_space<hbm>>)
        tpu.yield
      }) : () -> ()
    } else {
    }
    return
  }
}

#map = affine_map<(d0, d1) -> (0, 0)>
#map1 = affine_map<(d0, d1) -> (0)>
module attributes {stable_mosaic.version = 14 : i64} {
  func.func @body(%arg0: i32, %arg1: i32, %arg2: memref<10000x128xf32, #tpu.memory_space<hbm>>, %arg3: memref<10000xi32, #tpu.memory_space<hbm>>, %arg4: memref<10000x16xf32, #tpu.memory_space<hbm>>, %arg5: memref<104xi32, #tpu.memory_space<vmem>>, %arg6: memref<104x128xf32, #tpu.memory_space<vmem>>, %arg7: memref<104x128xf32, #tpu.memory_space<vmem>>, %arg8: memref<104x16xf32, #tpu.memory_space<vmem>>, %arg9: memref<!tpu.dma_semaphore, #tpu.memory_space<semaphore_mem>>) attributes {dimension_semantics = [#tpu.dimension_semantics<core_parallel>, #tpu.dimension_semantics<subcore_parallel>], iteration_bounds = array<i64: 2, 16>, scalar_prefetch = 0 : i64, scratch_operands = 5 : i64, tpu.core_type = #tpu.core_type<sc_vector_subcore>, window_params = [{transform_indices = #map}, {transform_indices = #map1}, {transform_indices = #map}]} {
    %mul3A = arith.constant 16 : i32
    %mul3A_0 = arith.muli %arg0, %mul3A : i32
    %add3A = arith.addi %mul3A_0, %arg1 : i32
    %mul3A_1 = arith.constant 312 : i32
    %mul3A_2 = arith.muli %add3A, %mul3A_1 : i32
    %scan3A = arith.constant 0 : i32
    %scan3A_3 = arith.constant 0 : i32
    %scan3A_4 = arith.constant 3 : i32
    %scan3A_5 = arith.addi %scan3A_3, %scan3A_4 : i32
    %scan3A_6 = arith.constant 1 : i32
    scf.for %scan3A_10 = %scan3A_3 to %scan3A_5 step %scan3A_6  : i32 {
      %mul3A_11 = arith.constant 104 : i32
      %mul3A_12 = arith.muli %scan3A_10, %mul3A_11 : i32
      %add3A_13 = arith.addi %mul3A_2, %mul3A_12 : i32
      "tpu.region"() ({
        %run_scoped3A = tpu.sem_alloc : memref<!tpu.dma_semaphore, #tpu.memory_space<semaphore_mem>>
        %dma_start3A_34 = arith.constant 0 : i32
        %dma_start3A_35 = tpu.memref_slice %arg5[%dma_start3A_34] : memref<104xi32, #tpu.memory_space<vmem>> -> memref<104xi32, #tpu.memory_space<vmem>>
        %dma_start3A_36 = tpu.memref_slice %arg3[%add3A_13] : memref<10000xi32, #tpu.memory_space<hbm>> -> memref<104xi32, #tpu.memory_space<hbm>>
        %dma_start3A_37 = arith.constant 0 : i32
        %dma_start3A_38 = tpu.memref_slice %arg5[%dma_start3A_37] : memref<104xi32, #tpu.memory_space<vmem>> -> memref<104xi32, #tpu.memory_space<vmem>>
        %dma_start3A_39 = tpu.memref_slice %arg3[%add3A_13] : memref<10000xi32, #tpu.memory_space<hbm>> -> memref<104xi32, #tpu.memory_space<hbm>>
        tpu.enqueue_dma source(%dma_start3A_39 : memref<104xi32, #tpu.memory_space<hbm>>) target(%dma_start3A_38 : memref<104xi32, #tpu.memory_space<vmem>>) target_semaphore(%run_scoped3A : memref<!tpu.dma_semaphore, #tpu.memory_space<semaphore_mem>>)
        %dma_wait3A_40 = arith.constant 0 : i32
        %dma_wait3A_41 = tpu.memref_slice %arg5[%dma_wait3A_40] : memref<104xi32, #tpu.memory_space<vmem>> -> memref<104xi32, #tpu.memory_space<vmem>>
        %dma_wait3A_42 = tpu.memref_slice %arg3[%add3A_13] : memref<10000xi32, #tpu.memory_space<hbm>> -> memref<104xi32, #tpu.memory_space<hbm>>
        %dma_wait3A_43 = arith.constant 0 : i32
        %dma_wait3A_44 = tpu.memref_slice %arg5[%dma_wait3A_43] : memref<104xi32, #tpu.memory_space<vmem>> -> memref<104xi32, #tpu.memory_space<vmem>>
        %dma_wait3A_45 = tpu.memref_slice %arg3[%add3A_13] : memref<10000xi32, #tpu.memory_space<hbm>> -> memref<104xi32, #tpu.memory_space<hbm>>
        tpu.wait_dma2 semaphore(%run_scoped3A : memref<!tpu.dma_semaphore, #tpu.memory_space<semaphore_mem>>) src(%dma_wait3A_45 : memref<104xi32, #tpu.memory_space<hbm>>) dst(%dma_wait3A_44 : memref<104xi32, #tpu.memory_space<vmem>>)
        tpu.yield
      }) : () -> ()
      %dma_start3A = arith.constant 0 : i32
      %dma_start3A_14 = arith.constant 0 : i32
      %dma_start3A_15 = tpu.memref_slice %arg6[%dma_start3A, %dma_start3A_14] : memref<104x128xf32, #tpu.memory_space<vmem>> -> memref<104x128xf32, #tpu.memory_space<vmem>>
      %dma_start3A_16 = arith.constant 0 : i32
      %dma_start3A_17 = tpu.memref_slice %arg5[%dma_start3A_16] : memref<104xi32, #tpu.memory_space<vmem>> -> memref<104xi32, #tpu.memory_space<vmem>>
      %dma_start3A_18 = arith.constant 0 : i32
      %dma_start3A_19 = arith.constant 0 : i32
      %dma_start3A_20 = tpu.memref_slice %arg2[%dma_start3A_18, %dma_start3A_19] : memref<10000x128xf32, #tpu.memory_space<hbm>> -> memref<10000x128xf32, #tpu.memory_space<hbm>>
      tpu.enqueue_indirect_dma source(%dma_start3A_20 : memref<10000x128xf32, #tpu.memory_space<hbm>>) target(%dma_start3A_15 : memref<104x128xf32, #tpu.memory_space<vmem>>) offsets(%dma_start3A_17 : memref<104xi32, #tpu.memory_space<vmem>>) semaphore(%arg9 : memref<!tpu.dma_semaphore, #tpu.memory_space<semaphore_mem>>)
      %dma_wait3A = arith.constant 0 : i32
      %dma_wait3A_21 = arith.constant 0 : i32
      %dma_wait3A_22 = tpu.memref_slice %arg6[%dma_wait3A, %dma_wait3A_21] : memref<104x128xf32, #tpu.memory_space<vmem>> -> memref<104x128xf32, #tpu.memory_space<vmem>>
      %dma_wait3A_23 = arith.constant 0 : i32
      %dma_wait3A_24 = tpu.memref_slice %arg5[%dma_wait3A_23] : memref<104xi32, #tpu.memory_space<vmem>> -> memref<104xi32, #tpu.memory_space<vmem>>
      %dma_wait3A_25 = arith.constant 0 : i32
      %dma_wait3A_26 = arith.constant 0 : i32
      %dma_wait3A_27 = tpu.memref_slice %arg2[%dma_wait3A_25, %dma_wait3A_26] : memref<10000x128xf32, #tpu.memory_space<hbm>> -> memref<10000x128xf32, #tpu.memory_space<hbm>>
      tpu.wait_indirect_dma semaphore(%arg9 : memref<!tpu.dma_semaphore, #tpu.memory_space<semaphore_mem>>) src(%dma_wait3A_27 : memref<10000x128xf32, #tpu.memory_space<hbm>>) dst(%dma_wait3A_22 : memref<104x128xf32, #tpu.memory_space<vmem>>)
      "tpu.region"() ({
        %run_scoped3A = tpu.sem_alloc : memref<!tpu.dma_semaphore, #tpu.memory_space<semaphore_mem>>
        %dma_start3A_34 = arith.constant 0 : i32
        %dma_start3A_35 = arith.constant 0 : i32
        %dma_start3A_36 = tpu.memref_slice %arg7[%dma_start3A_34, %dma_start3A_35] : memref<104x128xf32, #tpu.memory_space<vmem>> -> memref<104x128xf32, #tpu.memory_space<vmem>>
        %dma_start3A_37 = arith.constant 0 : i32
        %dma_start3A_38 = tpu.memref_slice %arg2[%add3A_13, %dma_start3A_37] : memref<10000x128xf32, #tpu.memory_space<hbm>> -> memref<104x128xf32, #tpu.memory_space<hbm>>
        %dma_start3A_39 = arith.constant 0 : i32
        %dma_start3A_40 = arith.constant 0 : i32
        %dma_start3A_41 = tpu.memref_slice %arg7[%dma_start3A_39, %dma_start3A_40] : memref<104x128xf32, #tpu.memory_space<vmem>> -> memref<104x128xf32, #tpu.memory_space<vmem>>
        %dma_start3A_42 = arith.constant 0 : i32
        %dma_start3A_43 = tpu.memref_slice %arg2[%add3A_13, %dma_start3A_42] : memref<10000x128xf32, #tpu.memory_space<hbm>> -> memref<104x128xf32, #tpu.memory_space<hbm>>
        tpu.enqueue_dma source(%dma_start3A_43 : memref<104x128xf32, #tpu.memory_space<hbm>>) target(%dma_start3A_41 : memref<104x128xf32, #tpu.memory_space<vmem>>) target_semaphore(%run_scoped3A : memref<!tpu.dma_semaphore, #tpu.memory_space<semaphore_mem>>)
        %dma_wait3A_44 = arith.constant 0 : i32
        %dma_wait3A_45 = arith.constant 0 : i32
        %dma_wait3A_46 = tpu.memref_slice %arg7[%dma_wait3A_44, %dma_wait3A_45] : memref<104x128xf32, #tpu.memory_space<vmem>> -> memref<104x128xf32, #tpu.memory_space<vmem>>
        %dma_wait3A_47 = arith.constant 0 : i32
        %dma_wait3A_48 = tpu.memref_slice %arg2[%add3A_13, %dma_wait3A_47] : memref<10000x128xf32, #tpu.memory_space<hbm>> -> memref<104x128xf32, #tpu.memory_space<hbm>>
        %dma_wait3A_49 = arith.constant 0 : i32
        %dma_wait3A_50 = arith.constant 0 : i32
        %dma_wait3A_51 = tpu.memref_slice %arg7[%dma_wait3A_49, %dma_wait3A_50] : memref<104x128xf32, #tpu.memory_space<vmem>> -> memref<104x128xf32, #tpu.memory_space<vmem>>
        %dma_wait3A_52 = arith.constant 0 : i32
        %dma_wait3A_53 = tpu.memref_slice %arg2[%add3A_13, %dma_wait3A_52] : memref<10000x128xf32, #tpu.memory_space<hbm>> -> memref<104x128xf32, #tpu.memory_space<hbm>>
        tpu.wait_dma2 semaphore(%run_scoped3A : memref<!tpu.dma_semaphore, #tpu.memory_space<semaphore_mem>>) src(%dma_wait3A_53 : memref<104x128xf32, #tpu.memory_space<hbm>>) dst(%dma_wait3A_51 : memref<104x128xf32, #tpu.memory_space<vmem>>)
        tpu.yield
      }) : () -> ()
      %scan3A_28 = arith.constant 0 : i32
      %scan3A_29 = arith.constant 0 : i32
      %scan3A_30 = arith.constant 104 : i32
      %scan3A_31 = arith.addi %scan3A_29, %scan3A_30 : i32
      %scan3A_32 = arith.constant 1 : i32
      scf.for %scan3A_34 = %scan3A_29 to %scan3A_31 step %scan3A_32  : i32 {
        %broadcast_in_dim3A = arith.constant 0.000000e+00 : f32
        %broadcast_in_dim3A_35 = vector.broadcast %broadcast_in_dim3A : f32 to vector<16xf32>
        %get3A = arith.index_cast %scan3A_34 : i32 to index
        %get3A_36 = arith.constant 0 : index
        %get3A_37 = tpu.vector_load %arg6[%get3A, %get3A_36] {strides = array<i32>} : memref<104x128xf32, #tpu.memory_space<vmem>>, vector<1x16xf32>,
        %get3A_38 = vector.shape_cast %get3A_37 : vector<1x16xf32> to vector<16xf32>
        %get3A_39 = arith.index_cast %scan3A_34 : i32 to index
        %get3A_40 = arith.constant 0 : index
        %get3A_41 = tpu.vector_load %arg7[%get3A_39, %get3A_40] {strides = array<i32>} : memref<104x128xf32, #tpu.memory_space<vmem>>, vector<1x16xf32>,
        %get3A_42 = vector.shape_cast %get3A_41 : vector<1x16xf32> to vector<16xf32>
        %mul3A_43 = arith.mulf %get3A_38, %get3A_42 : vector<16xf32>
        %add3A_44 = arith.addf %broadcast_in_dim3A_35, %mul3A_43 : vector<16xf32>
        %get3A_45 = arith.index_cast %scan3A_34 : i32 to index
        %get3A_46 = arith.constant 16 : index
        %get3A_47 = tpu.vector_load %arg6[%get3A_45, %get3A_46] {strides = array<i32>} : memref<104x128xf32, #tpu.memory_space<vmem>>, vector<1x16xf32>,
        %get3A_48 = vector.shape_cast %get3A_47 : vector<1x16xf32> to vector<16xf32>
        %get3A_49 = arith.index_cast %scan3A_34 : i32 to index
        %get3A_50 = arith.constant 16 : index
        %get3A_51 = tpu.vector_load %arg7[%get3A_49, %get3A_50] {strides = array<i32>} : memref<104x128xf32, #tpu.memory_space<vmem>>, vector<1x16xf32>,
        %get3A_52 = vector.shape_cast %get3A_51 : vector<1x16xf32> to vector<16xf32>
        %mul3A_53 = arith.mulf %get3A_48, %get3A_52 : vector<16xf32>
        %add3A_54 = arith.addf %add3A_44, %mul3A_53 : vector<16xf32>
        %get3A_55 = arith.index_cast %scan3A_34 : i32 to index
        %get3A_56 = arith.constant 32 : index
        %get3A_57 = tpu.vector_load %arg6[%get3A_55, %get3A_56] {strides = array<i32>} : memref<104x128xf32, #tpu.memory_space<vmem>>, vector<1x16xf32>,
        %get3A_58 = vector.shape_cast %get3A_57 : vector<1x16xf32> to vector<16xf32>
        %get3A_59 = arith.index_cast %scan3A_34 : i32 to index
        %get3A_60 = arith.constant 32 : index
        %get3A_61 = tpu.vector_load %arg7[%get3A_59, %get3A_60] {strides = array<i32>} : memref<104x128xf32, #tpu.memory_space<vmem>>, vector<1x16xf32>,
        %get3A_62 = vector.shape_cast %get3A_61 : vector<1x16xf32> to vector<16xf32>
        %mul3A_63 = arith.mulf %get3A_58, %get3A_62 : vector<16xf32>
        %add3A_64 = arith.addf %add3A_54, %mul3A_63 : vector<16xf32>
        %get3A_65 = arith.index_cast %scan3A_34 : i32 to index
        %get3A_66 = arith.constant 48 : index
        %get3A_67 = tpu.vector_load %arg6[%get3A_65, %get3A_66] {strides = array<i32>} : memref<104x128xf32, #tpu.memory_space<vmem>>, vector<1x16xf32>,
        %get3A_68 = vector.shape_cast %get3A_67 : vector<1x16xf32> to vector<16xf32>
        %get3A_69 = arith.index_cast %scan3A_34 : i32 to index
        %get3A_70 = arith.constant 48 : index
        %get3A_71 = tpu.vector_load %arg7[%get3A_69, %get3A_70] {strides = array<i32>} : memref<104x128xf32, #tpu.memory_space<vmem>>, vector<1x16xf32>,
        %get3A_72 = vector.shape_cast %get3A_71 : vector<1x16xf32> to vector<16xf32>
        %mul3A_73 = arith.mulf %get3A_68, %get3A_72 : vector<16xf32>
        %add3A_74 = arith.addf %add3A_64, %mul3A_73 : vector<16xf32>
        %get3A_75 = arith.index_cast %scan3A_34 : i32 to index
        %get3A_76 = arith.constant 64 : index
        %get3A_77 = tpu.vector_load %arg6[%get3A_75, %get3A_76] {strides = array<i32>} : memref<104x128xf32, #tpu.memory_space<vmem>>, vector<1x16xf32>,
        %get3A_78 = vector.shape_cast %get3A_77 : vector<1x16xf32> to vector<16xf32>
        %get3A_79 = arith.index_cast %scan3A_34 : i32 to index
        %get3A_80 = arith.constant 64 : index
        %get3A_81 = tpu.vector_load %arg7[%get3A_79, %get3A_80] {strides = array<i32>} : memref<104x128xf32, #tpu.memory_space<vmem>>, vector<1x16xf32>,
        %get3A_82 = vector.shape_cast %get3A_81 : vector<1x16xf32> to vector<16xf32>
        %mul3A_83 = arith.mulf %get3A_78, %get3A_82 : vector<16xf32>
        %add3A_84 = arith.addf %add3A_74, %mul3A_83 : vector<16xf32>
        %get3A_85 = arith.index_cast %scan3A_34 : i32 to index
        %get3A_86 = arith.constant 80 : index
        %get3A_87 = tpu.vector_load %arg6[%get3A_85, %get3A_86] {strides = array<i32>} : memref<104x128xf32, #tpu.memory_space<vmem>>, vector<1x16xf32>,
        %get3A_88 = vector.shape_cast %get3A_87 : vector<1x16xf32> to vector<16xf32>
        %get3A_89 = arith.index_cast %scan3A_34 : i32 to index
        %get3A_90 = arith.constant 80 : index
        %get3A_91 = tpu.vector_load %arg7[%get3A_89, %get3A_90] {strides = array<i32>} : memref<104x128xf32, #tpu.memory_space<vmem>>, vector<1x16xf32>,
        %get3A_92 = vector.shape_cast %get3A_91 : vector<1x16xf32> to vector<16xf32>
        %mul3A_93 = arith.mulf %get3A_88, %get3A_92 : vector<16xf32>
        %add3A_94 = arith.addf %add3A_84, %mul3A_93 : vector<16xf32>
        %get3A_95 = arith.index_cast %scan3A_34 : i32 to index
        %get3A_96 = arith.constant 96 : index
        %get3A_97 = tpu.vector_load %arg6[%get3A_95, %get3A_96] {strides = array<i32>} : memref<104x128xf32, #tpu.memory_space<vmem>>, vector<1x16xf32>,
        %get3A_98 = vector.shape_cast %get3A_97 : vector<1x16xf32> to vector<16xf32>
        %get3A_99 = arith.index_cast %scan3A_34 : i32 to index
        %get3A_100 = arith.constant 96 : index
        %get3A_101 = tpu.vector_load %arg7[%get3A_99, %get3A_100] {strides = array<i32>} : memref<104x128xf32, #tpu.memory_space<vmem>>, vector<1x16xf32>,
        %get3A_102 = vector.shape_cast %get3A_101 : vector<1x16xf32> to vector<16xf32>
        %mul3A_103 = arith.mulf %get3A_98, %get3A_102 : vector<16xf32>
        %add3A_104 = arith.addf %add3A_94, %mul3A_103 : vector<16xf32>
        %get3A_105 = arith.index_cast %scan3A_34 : i32 to index
        %get3A_106 = arith.constant 112 : index
        %get3A_107 = tpu.vector_load %arg6[%get3A_105, %get3A_106] {strides = array<i32>} : memref<104x128xf32, #tpu.memory_space<vmem>>, vector<1x16xf32>,
        %get3A_108 = vector.shape_cast %get3A_107 : vector<1x16xf32> to vector<16xf32>
        %get3A_109 = arith.index_cast %scan3A_34 : i32 to index
        %get3A_110 = arith.constant 112 : index
        %get3A_111 = tpu.vector_load %arg7[%get3A_109, %get3A_110] {strides = array<i32>} : memref<104x128xf32, #tpu.memory_space<vmem>>, vector<1x16xf32>,
        %get3A_112 = vector.shape_cast %get3A_111 : vector<1x16xf32> to vector<16xf32>
        %mul3A_113 = arith.mulf %get3A_108, %get3A_112 : vector<16xf32>
        %add3A_114 = arith.addf %add3A_104, %mul3A_113 : vector<16xf32>
        %swap3A = arith.index_cast %scan3A_34 : i32 to index
        %swap3A_115 = arith.constant 0 : index
        %swap3A_116 = tpu.vector_load %arg8[%swap3A, %swap3A_115] {strides = array<i32>} : memref<104x16xf32, #tpu.memory_space<vmem>>, vector<1x16xf32>,
        %swap3A_117 = vector.shape_cast %swap3A_116 : vector<1x16xf32> to vector<16xf32>
        %swap3A_118 = vector.shape_cast %add3A_114 : vector<16xf32> to vector<1x16xf32>
        tpu.vector_store %arg8[%swap3A, %swap3A_115], %swap3A_118 {strides = array<i32>} : memref<104x16xf32, #tpu.memory_space<vmem>>, vector<1x16xf32>,
      }
      %scan3A_33 = arith.constant 104 : i32
      "tpu.region"() ({
        %run_scoped3A = tpu.sem_alloc : memref<!tpu.dma_semaphore, #tpu.memory_space<semaphore_mem>>
        %dma_start3A_34 = arith.constant 0 : i32
        %dma_start3A_35 = arith.constant 0 : i32
        %dma_start3A_36 = tpu.memref_slice %arg8[%dma_start3A_34, %dma_start3A_35] : memref<104x16xf32, #tpu.memory_space<vmem>> -> memref<104x16xf32, #tpu.memory_space<vmem>>
        %dma_start3A_37 = arith.constant 0 : i32
        %dma_start3A_38 = tpu.memref_slice %arg4[%add3A_13, %dma_start3A_37] : memref<10000x16xf32, #tpu.memory_space<hbm>> -> memref<104x16xf32, #tpu.memory_space<hbm>>
        %dma_start3A_39 = arith.constant 0 : i32
        %dma_start3A_40 = tpu.memref_slice %arg4[%add3A_13, %dma_start3A_39] : memref<10000x16xf32, #tpu.memory_space<hbm>> -> memref<104x16xf32, #tpu.memory_space<hbm>>
        %dma_start3A_41 = arith.constant 0 : i32
        %dma_start3A_42 = arith.constant 0 : i32
        %dma_start3A_43 = tpu.memref_slice %arg8[%dma_start3A_41, %dma_start3A_42] : memref<104x16xf32, #tpu.memory_space<vmem>> -> memref<104x16xf32, #tpu.memory_space<vmem>>
        tpu.enqueue_dma source(%dma_start3A_43 : memref<104x16xf32, #tpu.memory_space<vmem>>) target(%dma_start3A_40 : memref<104x16xf32, #tpu.memory_space<hbm>>) target_semaphore(%run_scoped3A : memref<!tpu.dma_semaphore, #tpu.memory_space<semaphore_mem>>)
        %dma_wait3A_44 = arith.constant 0 : i32
        %dma_wait3A_45 = arith.constant 0 : i32
        %dma_wait3A_46 = tpu.memref_slice %arg8[%dma_wait3A_44, %dma_wait3A_45] : memref<104x16xf32, #tpu.memory_space<vmem>> -> memref<104x16xf32, #tpu.memory_space<vmem>>
        %dma_wait3A_47 = arith.constant 0 : i32
        %dma_wait3A_48 = tpu.memref_slice %arg4[%add3A_13, %dma_wait3A_47] : memref<10000x16xf32, #tpu.memory_space<hbm>> -> memref<104x16xf32, #tpu.memory_space<hbm>>
        %dma_wait3A_49 = arith.constant 0 : i32
        %dma_wait3A_50 = tpu.memref_slice %arg4[%add3A_13, %dma_wait3A_49] : memref<10000x16xf32, #tpu.memory_space<hbm>> -> memref<104x16xf32, #tpu.memory_space<hbm>>
        %dma_wait3A_51 = arith.constant 0 : i32
        %dma_wait3A_52 = arith.constant 0 : i32
        %dma_wait3A_53 = tpu.memref_slice %arg8[%dma_wait3A_51, %dma_wait3A_52] : memref<104x16xf32, #tpu.memory_space<vmem>> -> memref<104x16xf32, #tpu.memory_space<vmem>>
        tpu.wait_dma2 semaphore(%run_scoped3A : memref<!tpu.dma_semaphore, #tpu.memory_space<semaphore_mem>>) src(%dma_wait3A_53 : memref<104x16xf32, #tpu.memory_space<vmem>>) dst(%dma_wait3A_50 : memref<104x16xf32, #tpu.memory_space<hbm>>)
        tpu.yield
      }) : () -> ()
    }
    %scan3A_7 = arith.constant 3 : i32
    %eq3A = arith.constant 0 : i32
    %eq3A_8 = arith.cmpi eq, %add3A, %eq3A : i32
    %convert_element_type3A = arith.extui %eq3A_8 : i1 to i32
    %cond3A = arith.constant 0 : i32
    %cond3A_9 = arith.cmpi ne, %convert_element_type3A, %cond3A : i32
    scf.if %cond3A_9 {
      "tpu.region"() ({
        %run_scoped3A = tpu.sem_alloc : memref<!tpu.dma_semaphore, #tpu.memory_space<semaphore_mem>>
        %dma_start3A_30 = arith.constant 0 : i32
        %dma_start3A_31 = tpu.memref_slice %arg5[%dma_start3A_30] : memref<104xi32, #tpu.memory_space<vmem>> -> memref<16xi32, #tpu.memory_space<vmem>>
        %dma_start3A_32 = arith.constant 9984 : i32
        %dma_start3A_33 = tpu.memref_slice %arg3[%dma_start3A_32] : memref<10000xi32, #tpu.memory_space<hbm>> -> memref<16xi32, #tpu.memory_space<hbm>>
        %dma_start3A_34 = arith.constant 0 : i32
        %dma_start3A_35 = tpu.memref_slice %arg5[%dma_start3A_34] : memref<104xi32, #tpu.memory_space<vmem>> -> memref<16xi32, #tpu.memory_space<vmem>>
        %dma_start3A_36 = arith.constant 9984 : i32
        %dma_start3A_37 = tpu.memref_slice %arg3[%dma_start3A_36] : memref<10000xi32, #tpu.memory_space<hbm>> -> memref<16xi32, #tpu.memory_space<hbm>>
        tpu.enqueue_dma source(%dma_start3A_37 : memref<16xi32, #tpu.memory_space<hbm>>) target(%dma_start3A_35 : memref<16xi32, #tpu.memory_space<vmem>>) target_semaphore(%run_scoped3A : memref<!tpu.dma_semaphore, #tpu.memory_space<semaphore_mem>>)
        %dma_wait3A_38 = arith.constant 0 : i32
        %dma_wait3A_39 = tpu.memref_slice %arg5[%dma_wait3A_38] : memref<104xi32, #tpu.memory_space<vmem>> -> memref<16xi32, #tpu.memory_space<vmem>>
        %dma_wait3A_40 = arith.constant 9984 : i32
        %dma_wait3A_41 = tpu.memref_slice %arg3[%dma_wait3A_40] : memref<10000xi32, #tpu.memory_space<hbm>> -> memref<16xi32, #tpu.memory_space<hbm>>
        %dma_wait3A_42 = arith.constant 0 : i32
        %dma_wait3A_43 = tpu.memref_slice %arg5[%dma_wait3A_42] : memref<104xi32, #tpu.memory_space<vmem>> -> memref<16xi32, #tpu.memory_space<vmem>>
        %dma_wait3A_44 = arith.constant 9984 : i32
        %dma_wait3A_45 = tpu.memref_slice %arg3[%dma_wait3A_44] : memref<10000xi32, #tpu.memory_space<hbm>> -> memref<16xi32, #tpu.memory_space<hbm>>
        tpu.wait_dma2 semaphore(%run_scoped3A : memref<!tpu.dma_semaphore, #tpu.memory_space<semaphore_mem>>) src(%dma_wait3A_45 : memref<16xi32, #tpu.memory_space<hbm>>) dst(%dma_wait3A_43 : memref<16xi32, #tpu.memory_space<vmem>>)
        tpu.yield
      }) : () -> ()
      %dma_start3A = arith.constant 0 : i32
      %dma_start3A_10 = arith.constant 0 : i32
      %dma_start3A_11 = tpu.memref_slice %arg6[%dma_start3A, %dma_start3A_10] : memref<104x128xf32, #tpu.memory_space<vmem>> -> memref<16x128xf32, #tpu.memory_space<vmem>>
      %dma_start3A_12 = arith.constant 0 : i32
      %dma_start3A_13 = tpu.memref_slice %arg5[%dma_start3A_12] : memref<104xi32, #tpu.memory_space<vmem>> -> memref<16xi32, #tpu.memory_space<vmem>>
      %dma_start3A_14 = arith.constant 0 : i32
      %dma_start3A_15 = arith.constant 0 : i32
      %dma_start3A_16 = tpu.memref_slice %arg2[%dma_start3A_14, %dma_start3A_15] : memref<10000x128xf32, #tpu.memory_space<hbm>> -> memref<10000x128xf32, #tpu.memory_space<hbm>>
      tpu.enqueue_indirect_dma source(%dma_start3A_16 : memref<10000x128xf32, #tpu.memory_space<hbm>>) target(%dma_start3A_11 : memref<16x128xf32, #tpu.memory_space<vmem>>) offsets(%dma_start3A_13 : memref<16xi32, #tpu.memory_space<vmem>>) semaphore(%arg9 : memref<!tpu.dma_semaphore, #tpu.memory_space<semaphore_mem>>)
      %dma_wait3A = arith.constant 0 : i32
      %dma_wait3A_17 = arith.constant 0 : i32
      %dma_wait3A_18 = tpu.memref_slice %arg6[%dma_wait3A, %dma_wait3A_17] : memref<104x128xf32, #tpu.memory_space<vmem>> -> memref<16x128xf32, #tpu.memory_space<vmem>>
      %dma_wait3A_19 = arith.constant 0 : i32
      %dma_wait3A_20 = tpu.memref_slice %arg5[%dma_wait3A_19] : memref<104xi32, #tpu.memory_space<vmem>> -> memref<16xi32, #tpu.memory_space<vmem>>
      %dma_wait3A_21 = arith.constant 0 : i32
      %dma_wait3A_22 = arith.constant 0 : i32
      %dma_wait3A_23 = tpu.memref_slice %arg2[%dma_wait3A_21, %dma_wait3A_22] : memref<10000x128xf32, #tpu.memory_space<hbm>> -> memref<10000x128xf32, #tpu.memory_space<hbm>>
      tpu.wait_indirect_dma semaphore(%arg9 : memref<!tpu.dma_semaphore, #tpu.memory_space<semaphore_mem>>) src(%dma_wait3A_23 : memref<10000x128xf32, #tpu.memory_space<hbm>>) dst(%dma_wait3A_18 : memref<16x128xf32, #tpu.memory_space<vmem>>)
      "tpu.region"() ({
        %run_scoped3A = tpu.sem_alloc : memref<!tpu.dma_semaphore, #tpu.memory_space<semaphore_mem>>
        %dma_start3A_30 = arith.constant 0 : i32
        %dma_start3A_31 = arith.constant 0 : i32
        %dma_start3A_32 = tpu.memref_slice %arg7[%dma_start3A_30, %dma_start3A_31] : memref<104x128xf32, #tpu.memory_space<vmem>> -> memref<16x128xf32, #tpu.memory_space<vmem>>
        %dma_start3A_33 = arith.constant 9984 : i32
        %dma_start3A_34 = arith.constant 0 : i32
        %dma_start3A_35 = tpu.memref_slice %arg2[%dma_start3A_33, %dma_start3A_34] : memref<10000x128xf32, #tpu.memory_space<hbm>> -> memref<16x128xf32, #tpu.memory_space<hbm>>
        %dma_start3A_36 = arith.constant 0 : i32
        %dma_start3A_37 = arith.constant 0 : i32
        %dma_start3A_38 = tpu.memref_slice %arg7[%dma_start3A_36, %dma_start3A_37] : memref<104x128xf32, #tpu.memory_space<vmem>> -> memref<16x128xf32, #tpu.memory_space<vmem>>
        %dma_start3A_39 = arith.constant 9984 : i32
        %dma_start3A_40 = arith.constant 0 : i32
        %dma_start3A_41 = tpu.memref_slice %arg2[%dma_start3A_39, %dma_start3A_40] : memref<10000x128xf32, #tpu.memory_space<hbm>> -> memref<16x128xf32, #tpu.memory_space<hbm>>
        tpu.enqueue_dma source(%dma_start3A_41 : memref<16x128xf32, #tpu.memory_space<hbm>>) target(%dma_start3A_38 : memref<16x128xf32, #tpu.memory_space<vmem>>) target_semaphore(%run_scoped3A : memref<!tpu.dma_semaphore, #tpu.memory_space<semaphore_mem>>)
        %dma_wait3A_42 = arith.constant 0 : i32
        %dma_wait3A_43 = arith.constant 0 : i32
        %dma_wait3A_44 = tpu.memref_slice %arg7[%dma_wait3A_42, %dma_wait3A_43] : memref<104x128xf32, #tpu.memory_space<vmem>> -> memref<16x128xf32, #tpu.memory_space<vmem>>
        %dma_wait3A_45 = arith.constant 9984 : i32
        %dma_wait3A_46 = arith.constant 0 : i32
        %dma_wait3A_47 = tpu.memref_slice %arg2[%dma_wait3A_45, %dma_wait3A_46] : memref<10000x128xf32, #tpu.memory_space<hbm>> -> memref<16x128xf32, #tpu.memory_space<hbm>>
        %dma_wait3A_48 = arith.constant 0 : i32
        %dma_wait3A_49 = arith.constant 0 : i32
        %dma_wait3A_50 = tpu.memref_slice %arg7[%dma_wait3A_48, %dma_wait3A_49] : memref<104x128xf32, #tpu.memory_space<vmem>> -> memref<16x128xf32, #tpu.memory_space<vmem>>
        %dma_wait3A_51 = arith.constant 9984 : i32
        %dma_wait3A_52 = arith.constant 0 : i32
        %dma_wait3A_53 = tpu.memref_slice %arg2[%dma_wait3A_51, %dma_wait3A_52] : memref<10000x128xf32, #tpu.memory_space<hbm>> -> memref<16x128xf32, #tpu.memory_space<hbm>>
        tpu.wait_dma2 semaphore(%run_scoped3A : memref<!tpu.dma_semaphore, #tpu.memory_space<semaphore_mem>>) src(%dma_wait3A_53 : memref<16x128xf32, #tpu.memory_space<hbm>>) dst(%dma_wait3A_50 : memref<16x128xf32, #tpu.memory_space<vmem>>)
        tpu.yield
      }) : () -> ()
      %scan3A_24 = arith.constant 0 : i32
      %scan3A_25 = arith.constant 0 : i32
      %scan3A_26 = arith.constant 16 : i32
      %scan3A_27 = arith.addi %scan3A_25, %scan3A_26 : i32
      %scan3A_28 = arith.constant 1 : i32
      scf.for %scan3A_30 = %scan3A_25 to %scan3A_27 step %scan3A_28  : i32 {
        %broadcast_in_dim3A = arith.constant 0.000000e+00 : f32
        %broadcast_in_dim3A_31 = vector.broadcast %broadcast_in_dim3A : f32 to vector<16xf32>
        %get3A = arith.index_cast %scan3A_30 : i32 to index
        %get3A_32 = arith.constant 0 : index
        %get3A_33 = tpu.vector_load %arg6[%get3A, %get3A_32] {strides = array<i32>} : memref<104x128xf32, #tpu.memory_space<vmem>>, vector<1x16xf32>,
        %get3A_34 = vector.shape_cast %get3A_33 : vector<1x16xf32> to vector<16xf32>
        %get3A_35 = arith.index_cast %scan3A_30 : i32 to index
        %get3A_36 = arith.constant 0 : index
        %get3A_37 = tpu.vector_load %arg7[%get3A_35, %get3A_36] {strides = array<i32>} : memref<104x128xf32, #tpu.memory_space<vmem>>, vector<1x16xf32>,
        %get3A_38 = vector.shape_cast %get3A_37 : vector<1x16xf32> to vector<16xf32>
        %mul3A_39 = arith.mulf %get3A_34, %get3A_38 : vector<16xf32>
        %add3A_40 = arith.addf %broadcast_in_dim3A_31, %mul3A_39 : vector<16xf32>
        %get3A_41 = arith.index_cast %scan3A_30 : i32 to index
        %get3A_42 = arith.constant 16 : index
        %get3A_43 = tpu.vector_load %arg6[%get3A_41, %get3A_42] {strides = array<i32>} : memref<104x128xf32, #tpu.memory_space<vmem>>, vector<1x16xf32>,
        %get3A_44 = vector.shape_cast %get3A_43 : vector<1x16xf32> to vector<16xf32>
        %get3A_45 = arith.index_cast %scan3A_30 : i32 to index
        %get3A_46 = arith.constant 16 : index
        %get3A_47 = tpu.vector_load %arg7[%get3A_45, %get3A_46] {strides = array<i32>} : memref<104x128xf32, #tpu.memory_space<vmem>>, vector<1x16xf32>,
        %get3A_48 = vector.shape_cast %get3A_47 : vector<1x16xf32> to vector<16xf32>
        %mul3A_49 = arith.mulf %get3A_44, %get3A_48 : vector<16xf32>
        %add3A_50 = arith.addf %add3A_40, %mul3A_49 : vector<16xf32>
        %get3A_51 = arith.index_cast %scan3A_30 : i32 to index
        %get3A_52 = arith.constant 32 : index
        %get3A_53 = tpu.vector_load %arg6[%get3A_51, %get3A_52] {strides = array<i32>} : memref<104x128xf32, #tpu.memory_space<vmem>>, vector<1x16xf32>,
        %get3A_54 = vector.shape_cast %get3A_53 : vector<1x16xf32> to vector<16xf32>
        %get3A_55 = arith.index_cast %scan3A_30 : i32 to index
        %get3A_56 = arith.constant 32 : index
        %get3A_57 = tpu.vector_load %arg7[%get3A_55, %get3A_56] {strides = array<i32>} : memref<104x128xf32, #tpu.memory_space<vmem>>, vector<1x16xf32>,
        %get3A_58 = vector.shape_cast %get3A_57 : vector<1x16xf32> to vector<16xf32>
        %mul3A_59 = arith.mulf %get3A_54, %get3A_58 : vector<16xf32>
        %add3A_60 = arith.addf %add3A_50, %mul3A_59 : vector<16xf32>
        %get3A_61 = arith.index_cast %scan3A_30 : i32 to index
        %get3A_62 = arith.constant 48 : index
        %get3A_63 = tpu.vector_load %arg6[%get3A_61, %get3A_62] {strides = array<i32>} : memref<104x128xf32, #tpu.memory_space<vmem>>, vector<1x16xf32>,
        %get3A_64 = vector.shape_cast %get3A_63 : vector<1x16xf32> to vector<16xf32>
        %get3A_65 = arith.index_cast %scan3A_30 : i32 to index
        %get3A_66 = arith.constant 48 : index
        %get3A_67 = tpu.vector_load %arg7[%get3A_65, %get3A_66] {strides = array<i32>} : memref<104x128xf32, #tpu.memory_space<vmem>>, vector<1x16xf32>,
        %get3A_68 = vector.shape_cast %get3A_67 : vector<1x16xf32> to vector<16xf32>
        %mul3A_69 = arith.mulf %get3A_64, %get3A_68 : vector<16xf32>
        %add3A_70 = arith.addf %add3A_60, %mul3A_69 : vector<16xf32>
        %get3A_71 = arith.index_cast %scan3A_30 : i32 to index
        %get3A_72 = arith.constant 64 : index
        %get3A_73 = tpu.vector_load %arg6[%get3A_71, %get3A_72] {strides = array<i32>} : memref<104x128xf32, #tpu.memory_space<vmem>>, vector<1x16xf32>,
        %get3A_74 = vector.shape_cast %get3A_73 : vector<1x16xf32> to vector<16xf32>
        %get3A_75 = arith.index_cast %scan3A_30 : i32 to index
        %get3A_76 = arith.constant 64 : index
        %get3A_77 = tpu.vector_load %arg7[%get3A_75, %get3A_76] {strides = array<i32>} : memref<104x128xf32, #tpu.memory_space<vmem>>, vector<1x16xf32>,
        %get3A_78 = vector.shape_cast %get3A_77 : vector<1x16xf32> to vector<16xf32>
        %mul3A_79 = arith.mulf %get3A_74, %get3A_78 : vector<16xf32>
        %add3A_80 = arith.addf %add3A_70, %mul3A_79 : vector<16xf32>
        %get3A_81 = arith.index_cast %scan3A_30 : i32 to index
        %get3A_82 = arith.constant 80 : index
        %get3A_83 = tpu.vector_load %arg6[%get3A_81, %get3A_82] {strides = array<i32>} : memref<104x128xf32, #tpu.memory_space<vmem>>, vector<1x16xf32>,
        %get3A_84 = vector.shape_cast %get3A_83 : vector<1x16xf32> to vector<16xf32>
        %get3A_85 = arith.index_cast %scan3A_30 : i32 to index
        %get3A_86 = arith.constant 80 : index
        %get3A_87 = tpu.vector_load %arg7[%get3A_85, %get3A_86] {strides = array<i32>} : memref<104x128xf32, #tpu.memory_space<vmem>>, vector<1x16xf32>,
        %get3A_88 = vector.shape_cast %get3A_87 : vector<1x16xf32> to vector<16xf32>
        %mul3A_89 = arith.mulf %get3A_84, %get3A_88 : vector<16xf32>
        %add3A_90 = arith.addf %add3A_80, %mul3A_89 : vector<16xf32>
        %get3A_91 = arith.index_cast %scan3A_30 : i32 to index
        %get3A_92 = arith.constant 96 : index
        %get3A_93 = tpu.vector_load %arg6[%get3A_91, %get3A_92] {strides = array<i32>} : memref<104x128xf32, #tpu.memory_space<vmem>>, vector<1x16xf32>,
        %get3A_94 = vector.shape_cast %get3A_93 : vector<1x16xf32> to vector<16xf32>
        %get3A_95 = arith.index_cast %scan3A_30 : i32 to index
        %get3A_96 = arith.constant 96 : index
        %get3A_97 = tpu.vector_load %arg7[%get3A_95, %get3A_96] {strides = array<i32>} : memref<104x128xf32, #tpu.memory_space<vmem>>, vector<1x16xf32>,
        %get3A_98 = vector.shape_cast %get3A_97 : vector<1x16xf32> to vector<16xf32>
        %mul3A_99 = arith.mulf %get3A_94, %get3A_98 : vector<16xf32>
        %add3A_100 = arith.addf %add3A_90, %mul3A_99 : vector<16xf32>
        %get3A_101 = arith.index_cast %scan3A_30 : i32 to index
        %get3A_102 = arith.constant 112 : index
        %get3A_103 = tpu.vector_load %arg6[%get3A_101, %get3A_102] {strides = array<i32>} : memref<104x128xf32, #tpu.memory_space<vmem>>, vector<1x16xf32>,
        %get3A_104 = vector.shape_cast %get3A_103 : vector<1x16xf32> to vector<16xf32>
        %get3A_105 = arith.index_cast %scan3A_30 : i32 to index
        %get3A_106 = arith.constant 112 : index
        %get3A_107 = tpu.vector_load %arg7[%get3A_105, %get3A_106] {strides = array<i32>} : memref<104x128xf32, #tpu.memory_space<vmem>>, vector<1x16xf32>,
        %get3A_108 = vector.shape_cast %get3A_107 : vector<1x16xf32> to vector<16xf32>
        %mul3A_109 = arith.mulf %get3A_104, %get3A_108 : vector<16xf32>
        %add3A_110 = arith.addf %add3A_100, %mul3A_109 : vector<16xf32>
        %swap3A = arith.index_cast %scan3A_30 : i32 to index
        %swap3A_111 = arith.constant 0 : index
        %swap3A_112 = tpu.vector_load %arg8[%swap3A, %swap3A_111] {strides = array<i32>} : memref<104x16xf32, #tpu.memory_space<vmem>>, vector<1x16xf32>,
        %swap3A_113 = vector.shape_cast %swap3A_112 : vector<1x16xf32> to vector<16xf32>
        %swap3A_114 = vector.shape_cast %add3A_110 : vector<16xf32> to vector<1x16xf32>
        tpu.vector_store %arg8[%swap3A, %swap3A_111], %swap3A_114 {strides = array<i32>} : memref<104x16xf32, #tpu.memory_space<vmem>>, vector<1x16xf32>,
      }
      %scan3A_29 = arith.constant 16 : i32
      "tpu.region"() ({
        %run_scoped3A = tpu.sem_alloc : memref<!tpu.dma_semaphore, #tpu.memory_space<semaphore_mem>>
        %dma_start3A_30 = arith.constant 0 : i32
        %dma_start3A_31 = arith.constant 0 : i32
        %dma_start3A_32 = tpu.memref_slice %arg8[%dma_start3A_30, %dma_start3A_31] : memref<104x16xf32, #tpu.memory_space<vmem>> -> memref<16x16xf32, #tpu.memory_space<vmem>>
        %dma_start3A_33 = arith.constant 9984 : i32
        %dma_start3A_34 = arith.constant 0 : i32
        %dma_start3A_35 = tpu.memref_slice %arg4[%dma_start3A_33, %dma_start3A_34] : memref<10000x16xf32, #tpu.memory_space<hbm>> -> memref<16x16xf32, #tpu.memory_space<hbm>>
        %dma_start3A_36 = arith.constant 9984 : i32
        %dma_start3A_37 = arith.constant 0 : i32
        %dma_start3A_38 = tpu.memref_slice %arg4[%dma_start3A_36, %dma_start3A_37] : memref<10000x16xf32, #tpu.memory_space<hbm>> -> memref<16x16xf32, #tpu.memory_space<hbm>>
        %dma_start3A_39 = arith.constant 0 : i32
        %dma_start3A_40 = arith.constant 0 : i32
        %dma_start3A_41 = tpu.memref_slice %arg8[%dma_start3A_39, %dma_start3A_40] : memref<104x16xf32, #tpu.memory_space<vmem>> -> memref<16x16xf32, #tpu.memory_space<vmem>>
        tpu.enqueue_dma source(%dma_start3A_41 : memref<16x16xf32, #tpu.memory_space<vmem>>) target(%dma_start3A_38 : memref<16x16xf32, #tpu.memory_space<hbm>>) target_semaphore(%run_scoped3A : memref<!tpu.dma_semaphore, #tpu.memory_space<semaphore_mem>>)
        %dma_wait3A_42 = arith.constant 0 : i32
        %dma_wait3A_43 = arith.constant 0 : i32
        %dma_wait3A_44 = tpu.memref_slice %arg8[%dma_wait3A_42, %dma_wait3A_43] : memref<104x16xf32, #tpu.memory_space<vmem>> -> memref<16x16xf32, #tpu.memory_space<vmem>>
        %dma_wait3A_45 = arith.constant 9984 : i32
        %dma_wait3A_46 = arith.constant 0 : i32
        %dma_wait3A_47 = tpu.memref_slice %arg4[%dma_wait3A_45, %dma_wait3A_46] : memref<10000x16xf32, #tpu.memory_space<hbm>> -> memref<16x16xf32, #tpu.memory_space<hbm>>
        %dma_wait3A_48 = arith.constant 9984 : i32
        %dma_wait3A_49 = arith.constant 0 : i32
        %dma_wait3A_50 = tpu.memref_slice %arg4[%dma_wait3A_48, %dma_wait3A_49] : memref<10000x16xf32, #tpu.memory_space<hbm>> -> memref<16x16xf32, #tpu.memory_space<hbm>>
        %dma_wait3A_51 = arith.constant 0 : i32
        %dma_wait3A_52 = arith.constant 0 : i32
        %dma_wait3A_53 = tpu.memref_slice %arg8[%dma_wait3A_51, %dma_wait3A_52] : memref<104x16xf32, #tpu.memory_space<vmem>> -> memref<16x16xf32, #tpu.memory_space<vmem>>
        tpu.wait_dma2 semaphore(%run_scoped3A : memref<!tpu.dma_semaphore, #tpu.memory_space<semaphore_mem>>) src(%dma_wait3A_53 : memref<16x16xf32, #tpu.memory_space<vmem>>) dst(%dma_wait3A_50 : memref<16x16xf32, #tpu.memory_space<hbm>>)
        tpu.yield
      }) : () -> ()
    } else {
    }
    return
  }
}

module attributes {stable_mosaic.version = 14 : i64} {
  func.func @_tc_dense1_body(%arg0: memref<2x10000x128xf32, #tpu.memory_space<vmem>>, %arg1: memref<2x10000x128xf32, #tpu.memory_space<vmem>>, %arg2: memref<10000x128xf32, #tpu.memory_space<vmem>>, %arg3: memref<128x128xf32, #tpu.memory_space<vmem>>, %arg4: memref<1x128xf32, #tpu.memory_space<vmem>>, %arg5: memref<128x128xf32, #tpu.memory_space<vmem>>, %arg6: memref<10000x128xf32, #tpu.memory_space<vmem>>, %arg7: memref<10000x1xf32, #tpu.memory_space<vmem>>) attributes {dimension_semantics = [], scalar_prefetch = 0 : i64, scratch_operands = 0 : i64, tpu.core_type = #tpu.core_type<tc>} {
    %get3A = arith.constant 0 : index
    %get3A_0 = arith.constant 0 : index
    %get3A_1 = arith.constant 0 : index
    %get3A_2 = vector.load %arg1[%get3A, %get3A_0, %get3A_1] : memref<2x10000x128xf32, #tpu.memory_space<vmem>>, vector<1x10000x1xf32>
    %get3A_3 = vector.shape_cast %get3A_2 : vector<1x10000x1xf32> to vector<10000x1xf32>
    %get3A_4 = arith.constant 1 : index
    %get3A_5 = arith.constant 0 : index
    %get3A_6 = arith.constant 0 : index
    %get3A_7 = vector.load %arg1[%get3A_4, %get3A_5, %get3A_6] : memref<2x10000x128xf32, #tpu.memory_space<vmem>>, vector<1x10000x1xf32>
    %get3A_8 = vector.shape_cast %get3A_7 : vector<1x10000x1xf32> to vector<10000x1xf32>
    %add3A = arith.addf %get3A_3, %get3A_8 : vector<10000x1xf32>
    %max3A = arith.constant 1.000000e+00 : f32
    %max3A_9 = vector.broadcast %max3A : f32 to vector<10000x1xf32>
    %max3A_10 = arith.maximumf %add3A, %max3A_9 : vector<10000x1xf32>
    %div3A = arith.constant 1.000000e+00 : f32
    %div3A_11 = vector.broadcast %div3A : f32 to vector<10000x1xf32>
    %div3A_12 = arith.divf %div3A_11, %max3A_10 : vector<10000x1xf32>
    %get3A_13 = arith.constant 0 : index
    %get3A_14 = arith.constant 0 : index
    %get3A_15 = arith.constant 0 : index
    %get3A_16 = vector.load %arg0[%get3A_13, %get3A_14, %get3A_15] : memref<2x10000x128xf32, #tpu.memory_space<vmem>>, vector<1x10000x128xf32>
    %get3A_17 = vector.shape_cast %get3A_16 : vector<1x10000x128xf32> to vector<10000x128xf32>
    %get3A_18 = arith.constant 1 : index
    %get3A_19 = arith.constant 0 : index
    %get3A_20 = arith.constant 0 : index
    %get3A_21 = vector.load %arg0[%get3A_18, %get3A_19, %get3A_20] : memref<2x10000x128xf32, #tpu.memory_space<vmem>>, vector<1x10000x128xf32>
    %get3A_22 = vector.shape_cast %get3A_21 : vector<1x10000x128xf32> to vector<10000x128xf32>
    %add3A_23 = arith.addf %get3A_17, %get3A_22 : vector<10000x128xf32>
    %mul3A = vector.broadcast %div3A_12 : vector<10000x1xf32> to vector<10000x128xf32>
    %mul3A_24 = arith.mulf %add3A_23, %mul3A : vector<10000x128xf32>
    %get3A_25 = arith.constant 0 : index
    %get3A_26 = arith.constant 0 : index
    %get3A_27 = vector.load %arg3[%get3A_25, %get3A_26] : memref<128x128xf32, #tpu.memory_space<vmem>>, vector<128x128xf32>
    %dot_general3A = arith.constant dense<0.000000e+00> : vector<10000x128xf32>
    %dot_general3A_28 = tpu.matmul %mul3A_24, %get3A_27, %dot_general3A {dimension_numbers = #tpu.dot_dimension_numbers<[1], [1], [0], [0], [0, 0, 1, 0], [], []>, transpose_lhs_hint = false} : vector<10000x128xf32>, vector<128x128xf32>, vector<10000x128xf32> -> vector<10000x128xf32>
    %get3A_29 = arith.constant 0 : index
    %get3A_30 = arith.constant 0 : index
    %get3A_31 = vector.load %arg4[%get3A_29, %get3A_30] : memref<1x128xf32, #tpu.memory_space<vmem>>, vector<1x128xf32>
    %add3A_32 = vector.broadcast %get3A_31 : vector<1x128xf32> to vector<10000x128xf32>
    %add3A_33 = arith.addf %dot_general3A_28, %add3A_32 : vector<10000x128xf32>
    %get3A_34 = arith.constant 0 : index
    %get3A_35 = arith.constant 0 : index
    %get3A_36 = vector.load %arg2[%get3A_34, %get3A_35] : memref<10000x128xf32, #tpu.memory_space<vmem>>, vector<10000x128xf32>
    %get3A_37 = arith.constant 0 : index
    %get3A_38 = arith.constant 0 : index
    %get3A_39 = vector.load %arg5[%get3A_37, %get3A_38] : memref<128x128xf32, #tpu.memory_space<vmem>>, vector<128x128xf32>
    %dot_general3A_40 = arith.constant dense<0.000000e+00> : vector<10000x128xf32>
    %dot_general3A_41 = tpu.matmul %get3A_36, %get3A_39, %dot_general3A_40 {dimension_numbers = #tpu.dot_dimension_numbers<[1], [1], [0], [0], [0, 0, 1, 0], [], []>, transpose_lhs_hint = false} : vector<10000x128xf32>, vector<128x128xf32>, vector<10000x128xf32> -> vector<10000x128xf32>
    %add3A_42 = arith.addf %add3A_33, %dot_general3A_41 : vector<10000x128xf32>
    %max3A_43 = arith.constant 0.000000e+00 : f32
    %max3A_44 = vector.broadcast %max3A_43 : f32 to vector<10000x128xf32>
    %max3A_45 = arith.maximumf %add3A_42, %max3A_44 : vector<10000x128xf32>
    %swap3A = arith.constant 0 : index
    %swap3A_46 = arith.constant 0 : index
    %swap3A_47 = vector.load %arg6[%swap3A, %swap3A_46] : memref<10000x128xf32, #tpu.memory_space<vmem>>, vector<10000x128xf32>
    tpu.vector_store %arg6[%swap3A, %swap3A_46], %max3A_45 {strides = array<i32>} : memref<10000x128xf32, #tpu.memory_space<vmem>>, vector<10000x128xf32>,
    %swap3A_48 = arith.constant 0 : index
    %swap3A_49 = arith.constant 0 : index
    %swap3A_50 = vector.load %arg7[%swap3A_48, %swap3A_49] : memref<10000x1xf32, #tpu.memory_space<vmem>>, vector<10000x1xf32>
    tpu.vector_store %arg7[%swap3A_48, %swap3A_49], %div3A_12 {strides = array<i32>} : memref<10000x1xf32, #tpu.memory_space<vmem>>, vector<10000x1xf32>,
    return
  }
}

module attributes {stable_mosaic.version = 14 : i64} {
  func.func @_tc_dense2_body(%arg0: memref<2x10000x128xf32, #tpu.memory_space<vmem>>, %arg1: memref<10000x1xf32, #tpu.memory_space<vmem>>, %arg2: memref<10000x128xf32, #tpu.memory_space<vmem>>, %arg3: memref<128x128xf32, #tpu.memory_space<vmem>>, %arg4: memref<1x128xf32, #tpu.memory_space<vmem>>, %arg5: memref<128x128xf32, #tpu.memory_space<vmem>>, %arg6: memref<10000x128xf32, #tpu.memory_space<vmem>>) attributes {dimension_semantics = [], scalar_prefetch = 0 : i64, scratch_operands = 0 : i64, tpu.core_type = #tpu.core_type<tc>} {
    %get3A = arith.constant 0 : index
    %get3A_0 = arith.constant 0 : index
    %get3A_1 = arith.constant 0 : index
    %get3A_2 = vector.load %arg0[%get3A, %get3A_0, %get3A_1] : memref<2x10000x128xf32, #tpu.memory_space<vmem>>, vector<1x10000x128xf32>
    %get3A_3 = vector.shape_cast %get3A_2 : vector<1x10000x128xf32> to vector<10000x128xf32>
    %get3A_4 = arith.constant 1 : index
    %get3A_5 = arith.constant 0 : index
    %get3A_6 = arith.constant 0 : index
    %get3A_7 = vector.load %arg0[%get3A_4, %get3A_5, %get3A_6] : memref<2x10000x128xf32, #tpu.memory_space<vmem>>, vector<1x10000x128xf32>
    %get3A_8 = vector.shape_cast %get3A_7 : vector<1x10000x128xf32> to vector<10000x128xf32>
    %add3A = arith.addf %get3A_3, %get3A_8 : vector<10000x128xf32>
    %get3A_9 = arith.constant 0 : index
    %get3A_10 = arith.constant 0 : index
    %get3A_11 = vector.load %arg1[%get3A_9, %get3A_10] : memref<10000x1xf32, #tpu.memory_space<vmem>>, vector<10000x1xf32>
    %mul3A = vector.broadcast %get3A_11 : vector<10000x1xf32> to vector<10000x128xf32>
    %mul3A_12 = arith.mulf %add3A, %mul3A : vector<10000x128xf32>
    %get3A_13 = arith.constant 0 : index
    %get3A_14 = arith.constant 0 : index
    %get3A_15 = vector.load %arg3[%get3A_13, %get3A_14] : memref<128x128xf32, #tpu.memory_space<vmem>>, vector<128x128xf32>
    %dot_general3A = arith.constant dense<0.000000e+00> : vector<10000x128xf32>
    %dot_general3A_16 = tpu.matmul %mul3A_12, %get3A_15, %dot_general3A {dimension_numbers = #tpu.dot_dimension_numbers<[1], [1], [0], [0], [0, 0, 1, 0], [], []>, transpose_lhs_hint = false} : vector<10000x128xf32>, vector<128x128xf32>, vector<10000x128xf32> -> vector<10000x128xf32>
    %get3A_17 = arith.constant 0 : index
    %get3A_18 = arith.constant 0 : index
    %get3A_19 = vector.load %arg4[%get3A_17, %get3A_18] : memref<1x128xf32, #tpu.memory_space<vmem>>, vector<1x128xf32>
    %add3A_20 = vector.broadcast %get3A_19 : vector<1x128xf32> to vector<10000x128xf32>
    %add3A_21 = arith.addf %dot_general3A_16, %add3A_20 : vector<10000x128xf32>
    %get3A_22 = arith.constant 0 : index
    %get3A_23 = arith.constant 0 : index
    %get3A_24 = vector.load %arg2[%get3A_22, %get3A_23] : memref<10000x128xf32, #tpu.memory_space<vmem>>, vector<10000x128xf32>
    %get3A_25 = arith.constant 0 : index
    %get3A_26 = arith.constant 0 : index
    %get3A_27 = vector.load %arg5[%get3A_25, %get3A_26] : memref<128x128xf32, #tpu.memory_space<vmem>>, vector<128x128xf32>
    %dot_general3A_28 = arith.constant dense<0.000000e+00> : vector<10000x128xf32>
    %dot_general3A_29 = tpu.matmul %get3A_24, %get3A_27, %dot_general3A_28 {dimension_numbers = #tpu.dot_dimension_numbers<[1], [1], [0], [0], [0, 0, 1, 0], [], []>, transpose_lhs_hint = false} : vector<10000x128xf32>, vector<128x128xf32>, vector<10000x128xf32> -> vector<10000x128xf32>
    %add3A_30 = arith.addf %add3A_21, %dot_general3A_29 : vector<10000x128xf32>
    %swap3A = arith.constant 0 : index
    %swap3A_31 = arith.constant 0 : index
    %swap3A_32 = vector.load %arg6[%swap3A, %swap3A_31] : memref<10000x128xf32, #tpu.memory_space<vmem>>, vector<10000x128xf32>
    tpu.vector_store %arg6[%swap3A, %swap3A_31], %add3A_30 {strides = array<i32>} : memref<10000x128xf32, #tpu.memory_space<vmem>>, vector<10000x128xf32>,
    return
  }
}

module attributes {stable_mosaic.version = 14 : i64} {
  func.func @_tc_softmax_body(%arg0: memref<10000x16xf32, #tpu.memory_space<vmem>>, %arg1: memref<10000xf32, #tpu.memory_space<vmem>>) attributes {dimension_semantics = [], scalar_prefetch = 0 : i64, scratch_operands = 0 : i64, tpu.core_type = #tpu.core_type<tc>} {
    %get3A = arith.constant 0 : index
    %get3A_0 = arith.constant 0 : index
    %get3A_1 = vector.load %arg0[%get3A, %get3A_0] : memref<10000x16xf32, #tpu.memory_space<vmem>>, vector<10000x16xf32>
    %reduce_sum3A = arith.constant dense<0.000000e+00> : vector<10000xf32>
    %reduce_sum3A_2 = vector.multi_reduction <add>, %get3A_1, %reduce_sum3A [1] : vector<10000x16xf32> to vector<10000xf32>
    %reduce_max3A = vector.shape_cast %reduce_sum3A_2 : vector<10000xf32> to vector<1x10000xf32>
    %reduce_max3A_3 = arith.constant dense<0xFF800000> : vector<1xf32>
    %reduce_max3A_4 = vector.multi_reduction <maximumf>, %reduce_max3A, %reduce_max3A_3 [1] : vector<1x10000xf32> to vector<1xf32>
    %reduce_max3A_5 = vector.shape_cast %reduce_max3A_4 : vector<1xf32> to vector<1x1xf32>
    %reduce_max3A_6 = vector.extract %reduce_max3A_5[0, 0] : f32 from vector<1x1xf32>
    %sub3A = vector.broadcast %reduce_max3A_6 : f32 to vector<10000xf32>
    %sub3A_7 = arith.subf %reduce_sum3A_2, %sub3A : vector<10000xf32>
    %exp3A = math.exp %sub3A_7 : vector<10000xf32>
    %reduce_sum3A_8 = vector.shape_cast %exp3A : vector<10000xf32> to vector<1x10000xf32>
    %reduce_sum3A_9 = arith.constant dense<0.000000e+00> : vector<1xf32>
    %reduce_sum3A_10 = vector.multi_reduction <add>, %reduce_sum3A_8, %reduce_sum3A_9 [1] : vector<1x10000xf32> to vector<1xf32>
    %reduce_sum3A_11 = vector.shape_cast %reduce_sum3A_10 : vector<1xf32> to vector<1x1xf32>
    %reduce_sum3A_12 = vector.extract %reduce_sum3A_11[0, 0] : f32 from vector<1x1xf32>
    %div3A = vector.broadcast %reduce_sum3A_12 : f32 to vector<10000xf32>
    %div3A_13 = arith.divf %exp3A, %div3A : vector<10000xf32>
    %swap3A = arith.constant 0 : index
    %swap3A_14 = vector.load %arg1[%swap3A] : memref<10000xf32, #tpu.memory_space<vmem>>, vector<10000xf32>
    tpu.vector_store %arg1[%swap3A], %div3A_13 {strides = array<i32>} : memref<10000xf32, #tpu.memory_space<vmem>>, vector<10000xf32>,
    return
  }
}

</mosaic_0001>

<sc_bundles>
// kernel: kernel.12.cloned.1.call-start
scs
__scs_entry_jumppad:
0x0: {  	(pc) =	sbr.rel $0x88, $3  }
0x1: {  	(tag) =	ssettag $0x0;
	lr =	simm.s32 $0x1  }
0x2: {  	[smem:$0x3F98] =	sst lr;
	_ =	strace $0xD0000000  }
0x3: {  	_ = 	snop  }
0x4: {  	_ = 	snop  }
0x5: {  	_ = 	snop  }
0x6: {  	_ = 	snop  }
0x7: {  	_ = 	snop  }
__scs_overlays_trampoline_lowered:
0x8: {  	[smem:$0x3FA7] =	sst s0  }
0x9: {  	[smem:$0x3FA8] =	sst s1  }
0xa: {  	[smem:$0x3FA9] =	sst s2  }
0xb: {  	[smem:$0x3FAA] =	sst s3  }
0xc: {  	[smem:$0x3FAB] =	sst s4  }
0xd: {  	[smem:$0x3FAC] =	sst s5  }
0xe: {  	[smem:$0x3FAD] =	sst s6  }
0xf: {  	[smem:$0x3FAE] =	sst s7  }
0x10: {  	[smem:$0x3FAF] =	sst s8  }
0x11: {  	[smem:$0x3FB0] =	sst s9;
	s0 =	simm.s32 @!p0 $0x0  }
0x12: {  	s1 =	sld [smem:$0x3F96];
	s0 =	simm.s32 @p0 $0x1  }
0x13: {  	[smem:$0x3FB1] =	sst s0;
	s0 =	simm.s32 @!p1 $0x0  }
0x14: {  	s2 =	sld [smem:$0x3F95];
	s0 =	simm.s32 @p1 $0x1  }
0x15: {  	[smem:$0x3FB2] =	sst s0;
	s0 =	simm.s32 @!p2 $0x0  }
0x16: {  	s3 =	sld [smem:$0x3FDB];
	s0 =	simm.s32 @p2 $0x1  }
0x17: {  	s4 =	simm.s32 $0x1BF5;
	[smem:$0x3FB4] =	sst s0  }
0x18: {  	s0 =	sld [smem:$0x3F97];
	_ =	swait.ge [sflag:s4], $0x0  }
0x19: {  	s7 =	sld [smem:$0x3F98]  }
0x1a: {  	s8 =	sadd.s32 $0xFFFFE003, lr  }
0x1b: {  	s9 =	sadd.s32 $0xFFFFFEF7, lr;
	s5 =	simm.s32 $0xFFFFFFFF;
	p2 =	slt.u32 s8, $0xFFFFF086  }
0x1c: {  	p1 =	slt.u32 s9, $0xF7A;
	s5 =	simm.s32 @!p2 $0x0  }
0x1d: {  	s5 =	simm.s32 @p1 $0x1;
	p0 =	seq.s32 s7, s2  }
0x1e: {  	s7 =	smul.u32 @!p0 $0xF7A, s2;
	p2 =	seq.s32 @!p0 s5, $0x0  }
0x1f: {  	s9 =	smul.u32 $0xF7A, s1;
	s8 =	simm.s32 @!p0 $0x1BF5;
	p2 =	por !p2, p0  }
0x20: {  	[sflag:s8] =	ssyncset.s32 @!p0 $0xFFFFF086;
	s6 =	sadd.s32 @!p0 s3, s7;
	s7 =	simm.s32 @!p0 $0x108  }
0x21: {  	s3 =	sadd.s32 s3, s9;
	s6 =	sadd.s32 @!p0 $0x88, s6;
	s7 =	simm.s32 @p2 $0x1082  }
0x22: {  	[simem:s7], [sflag:s8] =	dma.local @!p0 [hbm:s6], $0xF7A  }
0x23: {  	s9 =	sor.u32 $0xD0000000, s2;
	s6 =	simm.s32 $0x108;
	_ =	swait.ge @!p0 [sflag:s8], $0x0  }
0x24: {  	s3 =	sadd.s32 $0x88, s3;
	s6 =	simm.s32 @!p1 $0x1082;
	[sflag:s4] =	ssyncset.s32 $0xFFFFF086  }
0x25: {  	[simem:s6], [sflag:s4] =	dma.local [hbm:s3], $0xF7A  }
0x26: {  	[smem:$0x3F98] =	sst s1;
	(tag) =	ssettag s2;
	_ =	strace s9  }
0x27: {  	s1 =	sld [smem:$0x3FA8]  }
0x28: {  	s2 =	sld [smem:$0x3FA9]  }
0x29: {  	s4 =	sld [smem:$0x3FAB]  }
0x2a: {  	p0 =	seq.s32 s5, $0x0;
	s5 =	sld [smem:$0x3FAC]  }
0x2b: {  	s6 =	sld [smem:$0x3FAD]  }
0x2c: {  	s7 =	sld [smem:$0x3FAE]  }
0x2d: {  	s3 =	simm.s32 $0x108;
	s8 =	sld [smem:$0x3FAF]  }
0x2e: {  	s3 =	simm.s32 @!p0 $0x1082;
	s9 =	sld [smem:$0x3FB0]  }
0x2f: {  	lr =	sadd.s32 s0, s3;
	s0 =	sld [smem:$0x3FA7]  }
0x30: {  	s3 =	sld [smem:$0x3FAA]  }
0x31: {  	[smem:$0x3FB3] =	sst s10  }
0x32: {  	s10 =	sld [smem:$0x3FB1];
	_ =	sdelay $0x3  }
0x33: {  	p0 =	seq.s32 s10, $0x1;
	s10 =	sld [smem:$0x3FB3];
	_ =	sdelay $0x3  }
0x34: {  	[smem:$0x3FB3] =	sst s10  }
0x35: {  	s10 =	sld [smem:$0x3FB2];
	_ =	sdelay $0x3  }
0x36: {  	p1 =	seq.s32 s10, $0x1;
	s10 =	sld [smem:$0x3FB3];
	_ =	sdelay $0x3  }
0x37: {  	[smem:$0x3FB3] =	sst s10  }
0x38: {  	s10 =	sld [smem:$0x3FB4]  }
0x39: {  	_ = 	snop;
	(pc) =	sbr.ind lr, $3  }
0x3a: {  	_ = 	snop  }
0x3b: {  	_ = 	snop  }
0x3c: {  	p2 =	seq.s32 s10, $0x1;
	s10 =	sld [smem:$0x3FB3]  }
0x3d: {  	_ =	shalt  }
0x3e: {  	_ =	shalt  }
0x3f: {  	_ =	shalt  }
0x40: {  	_ =	shalt  }
0x41: {  	_ =	shalt  }
0x42: {  	_ =	shalt  }
0x43: {  	_ =	shalt  }
0x44: {  	_ =	shalt  }
0x45: {  	_ =	shalt  }
0x46: {  	_ =	shalt  }
0x47: {  	_ =	shalt  }
0x48: {  	_ =	shalt  }
0x49: {  	_ =	shalt  }
0x4a: {  	_ =	shalt  }
0x4b: {  	_ =	shalt  }
0x4c: {  	_ =	shalt  }
0x4d: {  	_ =	shalt  }
0x4e: {  	_ =	shalt  }
0x4f: {  	_ =	shalt  }
0x50: {  	_ =	shalt  }
0x51: {  	_ =	shalt  }
0x52: {  	_ =	shalt  }
0x53: {  	_ =	shalt  }
0x54: {  	_ =	shalt  }
0x55: {  	_ =	shalt  }
0x56: {  	_ =	shalt  }
0x57: {  	_ =	shalt  }
0x58: {  	_ =	shalt  }
0x59: {  	_ =	shalt  }
0x5a: {  	_ =	shalt  }
0x5b: {  	_ =	shalt  }
0x5c: {  	_ =	shalt  }
0x5d: {  	_ =	shalt  }
0x5e: {  	_ =	shalt  }
0x5f: {  	_ =	shalt  }
0x60: {  	_ =	shalt  }
0x61: {  	_ =	shalt  }
0x62: {  	_ =	shalt  }
0x63: {  	_ =	shalt  }
0x64: {  	_ =	shalt  }
0x65: {  	_ =	shalt  }
0x66: {  	_ =	shalt  }
0x67: {  	_ =	shalt  }
0x68: {  	_ =	shalt  }
0x69: {  	_ =	shalt  }
0x6a: {  	_ =	shalt  }
0x6b: {  	_ =	shalt  }
0x6c: {  	_ =	shalt  }
0x6d: {  	_ =	shalt  }
0x6e: {  	_ =	shalt  }
0x6f: {  	_ =	shalt  }
0x70: {  	_ =	shalt  }
0x71: {  	_ =	shalt  }
0x72: {  	_ =	shalt  }
0x73: {  	_ =	shalt  }
0x74: {  	_ =	shalt  }
0x75: {  	_ =	shalt  }
0x76: {  	_ =	shalt  }
0x77: {  	_ =	shalt  }
0x78: {  	_ =	shalt  }
0x79: {  	_ =	shalt  }
0x7a: {  	_ =	shalt  }
0x7b: {  	_ =	shalt  }
0x7c: {  	_ =	shalt  }
0x7d: {  	_ =	shalt  }
0x7e: {  	_ =	shalt  }
0x7f: {  	_ =	shalt  }
0x80: {  	_ =	shalt  }
0x81: {  	_ =	shalt  }
0x82: {  	_ =	shalt  }
0x83: {  	_ =	shalt  }
0x84: {  	_ =	shalt  }
0x85: {  	_ =	shalt  }
0x86: {  	_ =	shalt  }
0x87: {  	_ =	shalt  }
.Lfunc_end0:
.L_simem_size_0:
called_computation.1_lowered:
.L_overlay_start_0:
0x88: {  	s2 =	sld [smem:$0x3FD9]  }
0x89: {  	s3 =	sld [smem:$0x3FFE];
	_ =	sdelay $0x1  }
0x8a: {  	s1 =	srdreg.scid  }
0x8b: {  	s0 =	sand.u32 $0x1, s1  }
0x8c: {  	s17 =	sshll.u32 s0, $0xA;
	s2 =	sadd.s32 s3, s2  }
0x8d: {  	s2 =	sadd.s32 s2, s17  }
0x8e: {  	[smem:$0x3FBF] =	sst s2  }
0x8f: {  	_ = 	snop  }
0x90: {  	s18 =	sld [smem:$0x3FC9];
	(tm) =	ssettm $0x1  }
0x91: {  	s19 =	sld [smem:$0x3FFB];
	_ =	sdelay $0x3  }
0x92: {  	_ =	strace s19  }
0x93: {  	s2 =	sld [smem:$0x3FFC];
	_ =	sdelay $0x3  }
0x94: {  	_ =	strace s2  }
0x95: {  	s2 =	sld [smem:$0x3FFD];
	_ =	sdelay $0x3  }
0x96: {  	_ =	strace s2  }
0x97: {  	_ =	strace $0x8FFFFFFF  }
0x98: {  	s20 =	sld [smem:$0x3FDB];
	_ =	sdelay $0x1  }
0x99: {  	s4 =	simm.s32 $_scs_section_size  }
0x9a: {  	s5 =	simm.s32 $_size__tile_overlayer_lowered;
	s6 =	simm.s32 $_tile_overlayer_lowered  }
0x9b: {  	s7 =	simm.s32 $0x1BFF;
	s21 =	sshll.u32 s6, $0x1;
	s4 =	sadd.s32 s4, s20  }
0x9c: {  	s22 =	simm.s32 $0x0;
	s5 =	sshll.u32 s5, $0x1;
	s6 =	sadd.s32 s21, s4  }
0x9d: {  	[timem:s22], [sflag:s7] =	dma.local [hbm:s6], s5  }
0x9e: {  	_ =	swait.ge [sflag:s7], s5  }
0x9f: {  	s5 =	ssub.s32 $0x0, s5;
	[sflag:s7] =	ssyncset.done $0x0  }
0xa0: {  	[sflag:s7] =	ssyncadd.s32 s5;
	_ =	sdelay $0x1  }
0xa1: {  	s23 =	simm.s32 $0x1B8B  }
0xa2: {  	_ =	swait.ge [sflag:s23], $0x1  }
0xa3: {  	[sflag:s23] =	ssyncset.done $0x0  }
0xa4: {  	[sflag:s23] =	ssyncadd.s32 $0xFFFFFFFF  }
0xa5: {  	s5 =	sld [smem:$0x0]  }
0xa6: {  	s6 =	sand.u32 $0xFFFFFFFE, s1  }
0xa7: {  	p0 =	sne.s32 s1, s6  }
0xa8: {  	s6 =	sshll.u32 @p0 s6, $0xE  }
0xa9: {  	s6 =	sadd.s32 @p0 $0x11B8D, s6;
	s7 =	sshll.u32 @p0 s5, $0x11  }
0xaa: {  	s6 =	sor.u32 @p0 s7, s6  }
0xab: {  	[sflag:s6] =	ssyncadd.remote.s32 @p0 $0x1;
	_ =	sdelay $0x1  }
0xac: {  	s6 =	simm.s32 @p0 $0x1B8D  }
0xad: {  	_ =	swait.eq @p0 [sflag:s6], $0x1  }
0xae: {  	[sflag:s6] =	ssyncadd.s32 @p0 $0xFFFFFFFF  }
0xaf: {  	s7 =	sshll.u32 @!p0 s1, $0xE  }
0xb0: {  	s7 =	sor.u32 @!p0 $0x4000, s7;
	s6 =	simm.s32 @!p0 $0x1B8D  }
0xb1: {  	s5 =	sshll.u32 @!p0 s5, $0x11;
	s7 =	sadd.s32 @!p0 $0x11B8D, s7;
	_ =	swait.eq @!p0 [sflag:s6], $0x1  }
0xb2: {  	s5 =	sor.u32 @!p0 s5, s7;
	[sflag:s6] =	ssyncadd.s32 @!p0 $0xFFFFFFFF  }
0xb3: {  	s25 =	simm.s32 $0x1B8E;
	s24 =	sld [smem:$0x3FFE];
	[sflag:s5] =	ssyncadd.remote.s32 @!p0 $0x1  }
0xb4: {  	s26 =	simm.s32 $execute0_lowered;
	[smem:$0x3FD2] =	sst s25  }
0xb5: {  	s6 =	sshll.u32 s26, $0x1;
	_ =	strace $0x80000049;
	[dreg:$0x1] =	wrdreg $0xFFFFFFFF  }
0xb6: {  	s28 =	simm.s32 $_size_execute0_lowered;
	s4 =	sadd.s32 s4, s6;
	[dreg:$0x0] =	wrdreg $0x0  }
0xb7: {  	s6 =	sshll.u32 s28, $0x1;
	[dreg:$0x2] =	wrdreg s4  }
0xb8: {  	[dreg:$0x3] =	wrdreg s6  }
0xb9: {  	[dreg:$0x4] =	wrdreg $0xC0  }
0xba: {  	_ =	task [dreg:s22], $0x5FFFF  }
0xbb: {  	[dreg:$0x1] =	wrdreg $0xFFFFFFFF  }
0xbc: {  	[dreg:$0x0] =	wrdreg $0x60  }
0xbd: {  	[dreg:$0x2] =	wrdreg s18  }
0xbe: {  	[dreg:$0x3] =	wrdreg s24  }
0xbf: {  	[dreg:$0x4] =	wrdreg $0x0  }
0xc0: {  	[dreg:$0x5] =	wrdreg $0xA  }
0xc1: {  	_ =	task.clear_ibuf [dreg:s22], $0x6FFFF;
	_ =	strace $0x90000049  }
0xc2: {  	s29 =	simm.s32 $0xA;
	_ =	strace $0x8000004B  }
0xc3: {  	_ =	swait.ge [sflag:s29], $0x1  }
0xc4: {  	[sflag:s29] =	ssyncadd.s32 $0xFFFFFFFF  }
0xc5: {  	_ =	strace $0x9000004B  }
0xc6: {  	_ =	sfence  }
0xc7: {  	s30 =	sld [smem:$0x0];
	_ =	sdelay $0x2  }
0xc8: {  	s31 =	sshll.u32 s1, $0xD;
	s1 =	sshrl.u32 s1, $0x2  }
0xc9: {  	s4 =	sand.u32 $0x4000, s31;
	s1 =	sadd.s32 s1, s30  }
0xca: {  	s0 =	sor.u32 s4, s0;
	s1 =	sshll.u32 s1, $0x11  }
0xcb: {  	s0 =	sor.u32 s1, s0  }
0xcc: {  	s0 =	sadd.s32 $0x8F2B, s0  }
0xcd: {  	[sflag:s0] =	ssyncadd.remote.s32 $0x1  }
0xce: {  	_ =	sfence.sel $0xFFFF  }
0xcf: {  	[dreg:$0x0] =	wrdreg $0xFFFFFFFF;
	(pc) =	sbr.abs _section_cstart, $3  }
0xd0: {  	[dreg:$0x1] =	wrdreg $0xFFFFFFFF  }
0xd1: {  	_ =	task.clear_ibuf [dreg:s22], $0x2FFFF;
	_ =	strace $0x9FFFFFFF  }
0xd2: {  	(tm) =	ssettm $0x7FFFFFFF  }
0xd3: {  	_ =	shalt  }
tec
execute0_lowered:
.L_overlay_start_1:
0x0: {  	(tag) =	ssettag $0x1  }
0x1: {  	s1 =	rddreg [dreg:$0x0]  }
0x2: {  	s6 =	rddreg [dreg:$0x1]  }
0x3: {  	s2 =	rddreg [dreg:$0x2];
	s3 =	simm.s32 $0x0  }
0x4: {  	s14 =	stileid.u32;
	s4 =	srdreg.scid;
	s19 =	simm.s32 $0x7D  }
0x5: {  	s20 =	simm.s32 $0x13980;
	s21 =	simm.s32 $0x17980;
	s28 =	simm.s32 $0x17A00  }
0x6: {  	s29 =	simm.s32 $0x0;
	[smem:$0x7FF] =	sst s3;
	s8 =	smul.u32 $0x13800, s14  }
0x7: {  	s13 =	sadd.s32 $0x82000, s6;
	s7 =	sand.u32 $0x1, s4;
	s22 =	smul.u32 $0x4E000, s14  }
0x8: {  	s10 =	sadd.s32 $0x96000, s6;
	s24 =	sshll.u32 s14, $0x6;
	s16 =	sadd.s32 $0x138000, s2  }
0x9: {  	s18 =	smul.u32 $0x5000, s14;
	p0 =	sne.s32 s14, $0x0;
	_ =	strace $0x8000004A  }
0xa: {  	s9 =	ssub.s32 $0x2, s7;
	s12 =	sshll.u32 s7, $0x4;
	s25 =	smul.u32 $0x138800, s7  }
0xb: {  	s17 =	smul.u32 $0x50000, s7;
	s16 =	sshrl.u32 @!p0 s16, $0x3;
	s5 =	sshrl.u32 s8, $0x3  }
0xc: {  	s11 =	sshrl.u32 s9, $0x1;
	s4 =	sshrl.u32 s22, $0x2;
	s23 =	sor.u32 s14, s12  }
0xd: {  	s22 =	simm.s32 $0x2;
	s5 =	sadd.s32 s5, s6;
	s11 =	ssub.s32 s9, s11  }
0xe: {  	s15 =	sadd.s32 s4, s2;
	s9 =	smul.u32 $0x5000, s23;
	s6 =	sadd.s32 $0x33C00, s6  }
0xf: {  	s26 =	sadd.s32 s8, s25;
	s12 =	sshrl.u32 s25, $0x3;
	s30 =	sadd.s32 s18, s17  }
0x10: {  	s18 =	simm.s32 $0x1;
	s23 =	simm.s32 $0x3;
	s25 =	simm.s32 $0x13900  }
0x11: {  	s4 =	sadd.s32 $0xCC00, s5;
	s5 =	sor.u32 $0x1C05, s24;
	s17 =	sor.u32 $0x300, s30  }
0x12: {  	s11 =	smax.u32 s11, $0x1;
	s14 =	sshrl.u32 s15, $0x3;
	s15 =	simm.s32 $0x5  }
0x13: {  	s24 =	simm.s32 $0x17A80;
	s9 =	sshrl.u32 s9, $0x3;
	s17 =	sshrl.u32 s17, $0x3  }
0x14: {  	s7 =	sadd.s32 s13, s9;
	s9 =	sshrl.u32 s26, $0x3;
	s26 =	simm.s32 $0x4  }
0x15: {  	s9 =	sadd.s32 s10, s9;
	s10 =	sadd.s32 s10, s12;
	s12 =	sor.u32 $0x200, s30  }
0x16: {  	s8 =	sadd.s32 $0x20, s7;
	s10 =	sadd.s32 $0x27000, s10;
	s31 =	sshrl.u32 s12, $0x3  }
0x17: {  	s12 =	sadd.s32 s17, s13;
	s17 =	simm.s32 $0x13880;
	s13 =	sadd.s32 s31, s13  }
.LBB2_1:
0x18: {  	[spmem:s14], [sflag:s5] =	dma.local [hbm:s4], $0x2700  }
0x19: {  	_ =	swait.ge [sflag:s15], $0x2700  }
0x1a: {  	[sflag:s15] =	ssyncset.done $0x0  }
0x1b: {  	s30 =	simm.s32 @!p0 $0x5;
	[sflag:s15] =	ssyncadd.s32 $0xFFFFD900  }
0x1c: {  	[spmem:s16], [sflag:s5] =	dma.local @!p0 [hbm:s6], $0x100  }
0x1d: {  	_ =	swait.ge @!p0 [sflag:s30], $0x100  }
0x1e: {  	[sflag:s30] =	ssyncset.done @!p0 $0x0  }
0x1f: {  	[sflag:s30] =	ssyncadd.s32 @!p0 $0xFFFFFF00  }
0x20: {  	[bflag:$0x0] =	sbarrier.arrive $0xFFFF  }
0x21: {  	[tilespmem:s17], [sflag:$0x1] =	stream.linear.gather [hbm4b:s7+s3], $0x100, $0x38;
	[tilespmem:$0x1BA80] =	vst v63  }
0x22: {  	_ =	swait.ge [sflag:s18], $0x100  }
0x23: {  	[sflag:s18] =	ssyncset.done $0x0  }
0x24: {  	[sflag:s18] =	ssyncadd.s32 $0xFFFFFF00  }
0x25: {  	[tilespmem:s20], [sflag:$0x2] =	stream.indirect.gather [hbm4b:s1+s19], $0x80, s17, s19, $0xb8;
	[tilespmem:$0x1BA80] =	vst v63  }
0x26: {  	_ = 	snop  }
0x27: {  	[tilespmem:s21], [sflag:$0x3] =	stream.linear.gather [hbm4b:s8+s3], $0x100, $0x38;
	[tilespmem:$0x1BA80] =	vst v63  }
0x28: {  	_ =	swait.ge [sflag:s22], $0x3E80  }
0x29: {  	[sflag:s22] =	ssyncset.done $0x0  }
0x2a: {  	[sflag:s22] =	ssyncadd.s32 $0xFFFFC180  }
0x2b: {  	_ =	swait.ge [sflag:s23], $0x100  }
0x2c: {  	[sflag:s23] =	ssyncset.done $0x0  }
0x2d: {  	[sflag:s23] =	ssyncadd.s32 $0xFFFFFF00  }
0x2e: {  	[tilespmem:s24], [sflag:$0x4] =	stream.indirect.gather [hbm4b:s1+s19], $0x80, s21, s19, $0xb8;
	[tilespmem:$0x1BA80] =	vst v63  }
0x2f: {  	_ = 	snop  }
0x30: {  	[spmem:s2] =	stream.indirect.scatter.add.f32 [tilespmem:s20], [sflag:$0x5], $0x80, s25, s19, $0xb8;
	[tilespmem:$0x1BA80] =	vst v63  }
0x31: {  	_ =	swait.ge [sflag:s15], $0x3E80  }
0x32: {  	[sflag:s15] =	ssyncset.done $0x0  }
0x33: {  	s30 =	sadd.s32 $0x0, s13;
	[sflag:s15] =	ssyncadd.s32 $0xFFFFC180  }
0x34: {  	[tilespmem:s17], [sflag:$0x1] =	stream.linear.gather [hbm4b:s30+s3], $0x100, $0x38;
	[tilespmem:$0x1BA80] =	vst v63  }
0x35: {  	_ =	swait.ge [sflag:s26], $0x3E80  }
0x36: {  	[sflag:s26] =	ssyncset.done $0x0  }
0x37: {  	[sflag:s26] =	ssyncadd.s32 $0xFFFFC180  }
0x38: {  	_ =	swait.ge [sflag:s18], $0x100  }
0x39: {  	[sflag:s18] =	ssyncset.done $0x0  }
0x3a: {  	[sflag:s18] =	ssyncadd.s32 $0xFFFFFF00  }
0x3b: {  	[tilespmem:s20], [sflag:$0x2] =	stream.indirect.gather [hbm4b:s1+s19], $0x80, s17, s19, $0xb8;
	[tilespmem:$0x1BA80] =	vst v63  }
0x3c: {  	_ = 	snop  }
0x3d: {  	[spmem:s2] =	stream.indirect.scatter.add.f32 [tilespmem:s24], [sflag:$0x5], $0x80, s28, s19, $0xb8;
	[tilespmem:$0x1BA80] =	vst v63  }
0x3e: {  	_ =	swait.ge [sflag:s15], $0x3E80  }
0x3f: {  	[sflag:s15] =	ssyncset.done $0x0  }
0x40: {  	s31 =	sadd.s32 $0x0, s12;
	s30 =	simm.s32 $0x40;
	[sflag:s15] =	ssyncadd.s32 $0xFFFFC180  }
.LBB2_2:
0x41: {  	[tilespmem:s21], [sflag:$0x3] =	stream.linear.gather [hbm4b:s31+s3], $0x100, $0x38;
	[tilespmem:$0x1BA80] =	vst v63  }
0x42: {  	s31 =	smov.u32 s30  }
0x43: {  	p1 =	sne.s32 s30, $0x980;
	s30 =	sadd.s32 $0x40, s30;
	_ =	swait.ge [sflag:s22], $0x3E80  }
0x44: {  	[sflag:s22] =	ssyncset.done $0x0  }
0x45: {  	[sflag:s22] =	ssyncadd.s32 $0xFFFFC180  }
0x46: {  	_ =	swait.ge [sflag:s23], $0x100  }
0x47: {  	[sflag:s23] =	ssyncset.done $0x0  }
0x48: {  	[sflag:s23] =	ssyncadd.s32 $0xFFFFFF00  }
0x49: {  	[tilespmem:s24], [sflag:$0x4] =	stream.indirect.gather [hbm4b:s1+s19], $0x80, s21, s19, $0xb8;
	[tilespmem:$0x1BA80] =	vst v63  }
0x4a: {  	_ = 	snop  }
0x4b: {  	[spmem:s2] =	stream.indirect.scatter.add.f32 [tilespmem:s20], [sflag:$0x5], $0x80, s25, s19, $0xb8;
	[tilespmem:$0x1BA80] =	vst v63  }
0x4c: {  	_ =	swait.ge [sflag:s15], $0x3E80  }
0x4d: {  	[sflag:s15] =	ssyncset.done $0x0  }
0x4e: {  	s0 =	sadd.s32 s31, s13;
	[sflag:s15] =	ssyncadd.s32 $0xFFFFC180  }
0x4f: {  	[tilespmem:s17], [sflag:$0x1] =	stream.linear.gather [hbm4b:s0+s3], $0x100, $0x38;
	[tilespmem:$0x1BA80] =	vst v63  }
0x50: {  	_ =	swait.ge [sflag:s26], $0x3E80  }
0x51: {  	[sflag:s26] =	ssyncset.done $0x0  }
0x52: {  	[sflag:s26] =	ssyncadd.s32 $0xFFFFC180  }
0x53: {  	_ =	swait.ge [sflag:s18], $0x100  }
0x54: {  	[sflag:s18] =	ssyncset.done $0x0  }
0x55: {  	[sflag:s18] =	ssyncadd.s32 $0xFFFFFF00  }
0x56: {  	[tilespmem:s20], [sflag:$0x2] =	stream.indirect.gather [hbm4b:s1+s19], $0x80, s17, s19, $0xb8;
	[tilespmem:$0x1BA80] =	vst v63  }
.Ltmp0:
0x57: {  	(pc) =	sbr.rel @p1 .LBB2_2-.Ltmp0, $4  }
0x58: {  	[spmem:s2] =	stream.indirect.scatter.add.f32 [tilespmem:s24], [sflag:$0x5], $0x80, s28, s19, $0xb8;
	[tilespmem:$0x1BA80] =	vst v63  }
0x59: {  	_ =	swait.ge [sflag:s15], $0x3E80  }
0x5a: {  	[sflag:s15] =	ssyncset.done $0x0  }
0x5b: {  	s31 =	sadd.s32 s31, s12;
	[sflag:s15] =	ssyncadd.s32 $0xFFFFC180  }
0x5c: {  	[tilespmem:s21], [sflag:$0x3] =	stream.linear.gather [hbm4b:s31+s3], $0x100, $0x38;
	[tilespmem:$0x1BA80] =	vst v63  }
0x5d: {  	_ =	swait.ge [sflag:s22], $0x3E80  }
0x5e: {  	[sflag:s22] =	ssyncset.done $0x0  }
0x5f: {  	[sflag:s22] =	ssyncadd.s32 $0xFFFFC180  }
0x60: {  	_ =	swait.ge [sflag:s23], $0x100  }
0x61: {  	[sflag:s23] =	ssyncset.done $0x0  }
0x62: {  	[sflag:s23] =	ssyncadd.s32 $0xFFFFFF00  }
0x63: {  	[tilespmem:s24], [sflag:$0x4] =	stream.indirect.gather [hbm4b:s1+s19], $0x80, s21, s19, $0xb8;
	[tilespmem:$0x1BA80] =	vst v63  }
0x64: {  	_ = 	snop  }
0x65: {  	[spmem:s2] =	stream.indirect.scatter.add.f32 [tilespmem:s20], [sflag:$0x5], $0x80, s25, s19, $0xb8;
	[tilespmem:$0x1BA80] =	vst v63  }
0x66: {  	_ =	swait.ge [sflag:s15], $0x3E80  }
0x67: {  	[sflag:s15] =	ssyncset.done $0x0  }
0x68: {  	[sflag:s15] =	ssyncadd.s32 $0xFFFFC180  }
0x69: {  	_ =	swait.ge [sflag:s26], $0x3E80  }
0x6a: {  	[sflag:s26] =	ssyncset.done $0x0  }
0x6b: {  	[sflag:s26] =	ssyncadd.s32 $0xFFFFC180  }
0x6c: {  	[spmem:s2] =	stream.indirect.scatter.add.f32 [tilespmem:s24], [sflag:$0x5], $0x80, s28, s19, $0xb8;
	[tilespmem:$0x1BA80] =	vst v63  }
0x6d: {  	_ =	swait.ge [sflag:s15], $0x3E80  }
0x6e: {  	[sflag:s15] =	ssyncset.done $0x0  }
0x6f: {  	[sflag:s15] =	ssyncadd.s32 $0xFFFFC180  }
0x70: {  	[bflag:$0x0] =	sbarrier.arrive $0xFFFF  }
0x71: {  	[hbm:s9], [sflag:s5] =	dma.local [spmem:s14], $0x2700  }
0x72: {  	s29 =	sadd.s32 $0x1, s29;
	_ =	swait.ge [sflag:s15], $0x2700  }
0x73: {  	p1 =	sne.s32 s29, s11;
	[sflag:s15] =	ssyncset.done $0x0  }
.Ltmp1:
0x74: {  	s0 =	simm.s32 @!p0 $0x5;
	[sflag:s15] =	ssyncadd.s32 $0xFFFFD900;
	(pc) =	sbr.rel @p1 .LBB2_1-.Ltmp1, $4  }
0x75: {  	[hbm:s10], [sflag:s5] =	dma.local @!p0 [spmem:s16], $0x100  }
0x76: {  	_ =	swait.ge @!p0 [sflag:s0], $0x100  }
0x77: {  	[sflag:s0] =	ssyncset.done @!p0 $0x0  }
0x78: {  	[sflag:s0] =	ssyncadd.s32 @!p0 $0xFFFFFF00  }
0x79: {  	_ =	sfence.sel $0x180000  }
0x7a: {  	[bflag:$0x0] =	sbarrier.arrive $0xFFFF  }
0x7b: {  	_ =	strace $0x9000004A  }
0x7c: {  	[bflag:$0x2] =	sbarrier.arrive $0xFFFF  }
0x7d: {  	s0 =	rddreg [dreg:$0x3]  }
0x7e: {  	s0 =	sadd.s32 @!p0 $0x100000, s0  }
0x7f: {  	[sflag:s0] =	ssyncadd.tile.s32 @!p0 $0x1;
	_ =	shalt  }
.Lfunc_end2:
_tile_overlayer_lowered:
.L_overlay_start_2:
0x80: {  	(tag) =	ssettag $0x2  }
0x81: {  	s0 =	rddreg [dreg:$0x0];
	s2 =	stileid.u32  }
0x82: {  	s1 =	rddreg [dreg:$0x1];
	p0 =	sne.s32 s2, $0x0  }
0x83: {  	s3 =	rddreg [dreg:$0x2];
	[bflag:$0x3] =	sbarrier.arrive $0xFFFF;
	s2 =	simm.s32 @!p0 $0x1C05  }
0x84: {  	[timem:s3], [sflag:s2] =	dma.local @!p0 [hbm:s0], s1  }
0x85: {  	s0 =	simm.s32 @!p0 $0x5  }
0x86: {  	_ =	swait.ge @!p0 [sflag:s0], s1  }
0x87: {  	s1 =	ssub.s32 @!p0 $0x0, s1;
	[sflag:s0] =	ssyncset.done @!p0 $0x0  }
0x88: {  	[sflag:s0] =	ssyncadd.s32 @!p0 s1  }
0x89: {  	[bflag:$0x3] =	sbarrier.arrive $0xFFFF  }
0x8a: {  	_ =	shalt  }

// kernel: kernel.15.cloned.1.call-start
scs
__scs_entry_jumppad:
0x0: {  	(pc) =	sbr.rel $0x88, $3  }
0x1: {  	(tag) =	ssettag $0x0;
	lr =	simm.s32 $0x1  }
0x2: {  	[smem:$0x3F98] =	sst lr;
	_ =	strace $0xD0000000  }
0x3: {  	_ = 	snop  }
0x4: {  	_ = 	snop  }
0x5: {  	_ = 	snop  }
0x6: {  	_ = 	snop  }
0x7: {  	_ = 	snop  }
__scs_overlays_trampoline_lowered:
0x8: {  	[smem:$0x3FA7] =	sst s0  }
0x9: {  	[smem:$0x3FA8] =	sst s1  }
0xa: {  	[smem:$0x3FA9] =	sst s2  }
0xb: {  	[smem:$0x3FAA] =	sst s3  }
0xc: {  	[smem:$0x3FAB] =	sst s4  }
0xd: {  	[smem:$0x3FAC] =	sst s5  }
0xe: {  	[smem:$0x3FAD] =	sst s6  }
0xf: {  	[smem:$0x3FAE] =	sst s7  }
0x10: {  	[smem:$0x3FAF] =	sst s8  }
0x11: {  	[smem:$0x3FB0] =	sst s9;
	s0 =	simm.s32 @!p0 $0x0  }
0x12: {  	s1 =	sld [smem:$0x3F96];
	s0 =	simm.s32 @p0 $0x1  }
0x13: {  	[smem:$0x3FB1] =	sst s0;
	s0 =	simm.s32 @!p1 $0x0  }
0x14: {  	s2 =	sld [smem:$0x3F95];
	s0 =	simm.s32 @p1 $0x1  }
0x15: {  	[smem:$0x3FB2] =	sst s0;
	s0 =	simm.s32 @!p2 $0x0  }
0x16: {  	s3 =	sld [smem:$0x3FDB];
	s0 =	simm.s32 @p2 $0x1  }
0x17: {  	s4 =	simm.s32 $0x1BF5;
	[smem:$0x3FB4] =	sst s0  }
0x18: {  	s0 =	sld [smem:$0x3F97];
	_ =	swait.ge [sflag:s4], $0x0  }
0x19: {  	s7 =	sld [smem:$0x3F98]  }
0x1a: {  	s8 =	sadd.s32 $0xFFFFE003, lr  }
0x1b: {  	s9 =	sadd.s32 $0xFFFFFEF7, lr;
	s5 =	simm.s32 $0xFFFFFFFF;
	p2 =	slt.u32 s8, $0xFFFFF086  }
0x1c: {  	p1 =	slt.u32 s9, $0xF7A;
	s5 =	simm.s32 @!p2 $0x0  }
0x1d: {  	s5 =	simm.s32 @p1 $0x1;
	p0 =	seq.s32 s7, s2  }
0x1e: {  	s7 =	smul.u32 @!p0 $0xF7A, s2;
	p2 =	seq.s32 @!p0 s5, $0x0  }
0x1f: {  	s9 =	smul.u32 $0xF7A, s1;
	s8 =	simm.s32 @!p0 $0x1BF5;
	p2 =	por !p2, p0  }
0x20: {  	[sflag:s8] =	ssyncset.s32 @!p0 $0xFFFFF086;
	s6 =	sadd.s32 @!p0 s3, s7;
	s7 =	simm.s32 @!p0 $0x108  }
0x21: {  	s3 =	sadd.s32 s3, s9;
	s6 =	sadd.s32 @!p0 $0x88, s6;
	s7 =	simm.s32 @p2 $0x1082  }
0x22: {  	[simem:s7], [sflag:s8] =	dma.local @!p0 [hbm:s6], $0xF7A  }
0x23: {  	s9 =	sor.u32 $0xD0000000, s2;
	s6 =	simm.s32 $0x108;
	_ =	swait.ge @!p0 [sflag:s8], $0x0  }
0x24: {  	s3 =	sadd.s32 $0x88, s3;
	s6 =	simm.s32 @!p1 $0x1082;
	[sflag:s4] =	ssyncset.s32 $0xFFFFF086  }
0x25: {  	[simem:s6], [sflag:s4] =	dma.local [hbm:s3], $0xF7A  }
0x26: {  	[smem:$0x3F98] =	sst s1;
	(tag) =	ssettag s2;
	_ =	strace s9  }
0x27: {  	s1 =	sld [smem:$0x3FA8]  }
0x28: {  	s2 =	sld [smem:$0x3FA9]  }
0x29: {  	s4 =	sld [smem:$0x3FAB]  }
0x2a: {  	p0 =	seq.s32 s5, $0x0;
	s5 =	sld [smem:$0x3FAC]  }
0x2b: {  	s6 =	sld [smem:$0x3FAD]  }
0x2c: {  	s7 =	sld [smem:$0x3FAE]  }
0x2d: {  	s3 =	simm.s32 $0x108;
	s8 =	sld [smem:$0x3FAF]  }
0x2e: {  	s3 =	simm.s32 @!p0 $0x1082;
	s9 =	sld [smem:$0x3FB0]  }
0x2f: {  	lr =	sadd.s32 s0, s3;
	s0 =	sld [smem:$0x3FA7]  }
0x30: {  	s3 =	sld [smem:$0x3FAA]  }
0x31: {  	[smem:$0x3FB3] =	sst s10  }
0x32: {  	s10 =	sld [smem:$0x3FB1];
	_ =	sdelay $0x3  }
0x33: {  	p0 =	seq.s32 s10, $0x1;
	s10 =	sld [smem:$0x3FB3];
	_ =	sdelay $0x3  }
0x34: {  	[smem:$0x3FB3] =	sst s10  }
0x35: {  	s10 =	sld [smem:$0x3FB2];
	_ =	sdelay $0x3  }
0x36: {  	p1 =	seq.s32 s10, $0x1;
	s10 =	sld [smem:$0x3FB3];
	_ =	sdelay $0x3  }
0x37: {  	[smem:$0x3FB3] =	sst s10  }
0x38: {  	s10 =	sld [smem:$0x3FB4]  }
0x39: {  	_ = 	snop;
	(pc) =	sbr.ind lr, $3  }
0x3a: {  	_ = 	snop  }
0x3b: {  	_ = 	snop  }
0x3c: {  	p2 =	seq.s32 s10, $0x1;
	s10 =	sld [smem:$0x3FB3]  }
0x3d: {  	_ =	shalt  }
0x3e: {  	_ =	shalt  }
0x3f: {  	_ =	shalt  }
0x40: {  	_ =	shalt  }
0x41: {  	_ =	shalt  }
0x42: {  	_ =	shalt  }
0x43: {  	_ =	shalt  }
0x44: {  	_ =	shalt  }
0x45: {  	_ =	shalt  }
0x46: {  	_ =	shalt  }
0x47: {  	_ =	shalt  }
0x48: {  	_ =	shalt  }
0x49: {  	_ =	shalt  }
0x4a: {  	_ =	shalt  }
0x4b: {  	_ =	shalt  }
0x4c: {  	_ =	shalt  }
0x4d: {  	_ =	shalt  }
0x4e: {  	_ =	shalt  }
0x4f: {  	_ =	shalt  }
0x50: {  	_ =	shalt  }
0x51: {  	_ =	shalt  }
0x52: {  	_ =	shalt  }
0x53: {  	_ =	shalt  }
0x54: {  	_ =	shalt  }
0x55: {  	_ =	shalt  }
0x56: {  	_ =	shalt  }
0x57: {  	_ =	shalt  }
0x58: {  	_ =	shalt  }
0x59: {  	_ =	shalt  }
0x5a: {  	_ =	shalt  }
0x5b: {  	_ =	shalt  }
0x5c: {  	_ =	shalt  }
0x5d: {  	_ =	shalt  }
0x5e: {  	_ =	shalt  }
0x5f: {  	_ =	shalt  }
0x60: {  	_ =	shalt  }
0x61: {  	_ =	shalt  }
0x62: {  	_ =	shalt  }
0x63: {  	_ =	shalt  }
0x64: {  	_ =	shalt  }
0x65: {  	_ =	shalt  }
0x66: {  	_ =	shalt  }
0x67: {  	_ =	shalt  }
0x68: {  	_ =	shalt  }
0x69: {  	_ =	shalt  }
0x6a: {  	_ =	shalt  }
0x6b: {  	_ =	shalt  }
0x6c: {  	_ =	shalt  }
0x6d: {  	_ =	shalt  }
0x6e: {  	_ =	shalt  }
0x6f: {  	_ =	shalt  }
0x70: {  	_ =	shalt  }
0x71: {  	_ =	shalt  }
0x72: {  	_ =	shalt  }
0x73: {  	_ =	shalt  }
0x74: {  	_ =	shalt  }
0x75: {  	_ =	shalt  }
0x76: {  	_ =	shalt  }
0x77: {  	_ =	shalt  }
0x78: {  	_ =	shalt  }
0x79: {  	_ =	shalt  }
0x7a: {  	_ =	shalt  }
0x7b: {  	_ =	shalt  }
0x7c: {  	_ =	shalt  }
0x7d: {  	_ =	shalt  }
0x7e: {  	_ =	shalt  }
0x7f: {  	_ =	shalt  }
0x80: {  	_ =	shalt  }
0x81: {  	_ =	shalt  }
0x82: {  	_ =	shalt  }
0x83: {  	_ =	shalt  }
0x84: {  	_ =	shalt  }
0x85: {  	_ =	shalt  }
0x86: {  	_ =	shalt  }
0x87: {  	_ =	shalt  }
.Lfunc_end0:
.L_simem_size_0:
called_computation.2_lowered:
.L_overlay_start_0:
0x88: {  	s2 =	sld [smem:$0x3FD9]  }
0x89: {  	s3 =	sld [smem:$0x3FFE];
	_ =	sdelay $0x1  }
0x8a: {  	s1 =	srdreg.scid  }
0x8b: {  	s0 =	sand.u32 $0x1, s1  }
0x8c: {  	s16 =	sshll.u32 s0, $0xA;
	s2 =	sadd.s32 s3, s2  }
0x8d: {  	s2 =	sadd.s32 s2, s16  }
0x8e: {  	[smem:$0x3FBF] =	sst s2  }
0x8f: {  	_ = 	snop  }
0x90: {  	(tm) =	ssettm $0x1  }
0x91: {  	s17 =	sld [smem:$0x3FFB];
	_ =	sdelay $0x3  }
0x92: {  	_ =	strace s17  }
0x93: {  	s2 =	sld [smem:$0x3FFC];
	_ =	sdelay $0x3  }
0x94: {  	_ =	strace s2  }
0x95: {  	s2 =	sld [smem:$0x3FFD];
	_ =	sdelay $0x3  }
0x96: {  	_ =	strace s2  }
0x97: {  	_ =	strace $0x8FFFFFFF  }
0x98: {  	s18 =	sld [smem:$0x3FDB];
	_ =	sdelay $0x1  }
0x99: {  	s19 =	simm.s32 $_scs_section_size  }
0x9a: {  	s4 =	simm.s32 $_size__tile_overlayer_lowered;
	s5 =	simm.s32 $_tile_overlayer_lowered  }
0x9b: {  	s22 =	simm.s32 $0x1BFF;
	s21 =	sshll.u32 s5, $0x1;
	s2 =	sadd.s32 s19, s18  }
0x9c: {  	s6 =	simm.s32 $0x0;
	s20 =	sshll.u32 s4, $0x1;
	s4 =	sadd.s32 s21, s2  }
0x9d: {  	[timem:s6], [sflag:s22] =	dma.local [hbm:s4], s20  }
0x9e: {  	_ =	swait.ge [sflag:s22], s20  }
0x9f: {  	s3 =	ssub.s32 $0x0, s20;
	[sflag:s22] =	ssyncset.done $0x0  }
0xa0: {  	[sflag:s22] =	ssyncadd.s32 s3;
	_ =	sdelay $0x1  }
0xa1: {  	s23 =	simm.s32 $0x1B8B  }
0xa2: {  	_ =	swait.ge [sflag:s23], $0x1  }
0xa3: {  	[sflag:s23] =	ssyncset.done $0x0  }
0xa4: {  	s25 =	simm.s32 $0x1B8E;
	s24 =	sld [smem:$0x3FFE];
	[sflag:s23] =	ssyncadd.s32 $0xFFFFFFFF  }
0xa5: {  	s26 =	simm.s32 $execute0_lowered;
	[smem:$0x3FD2] =	sst s25  }
0xa6: {  	s4 =	sshll.u32 s26, $0x1;
	_ =	strace $0x8000004C;
	[dreg:$0x1] =	wrdreg $0xFFFFFFFF  }
0xa7: {  	s28 =	simm.s32 $_size_execute0_lowered;
	s2 =	sadd.s32 s2, s4;
	[dreg:$0x0] =	wrdreg $0x0  }
0xa8: {  	s4 =	sshll.u32 s28, $0x1;
	[dreg:$0x2] =	wrdreg s2  }
0xa9: {  	[dreg:$0x3] =	wrdreg s4  }
0xaa: {  	[dreg:$0x4] =	wrdreg $0xC0  }
0xab: {  	_ =	task [dreg:s6], $0x5FFFF  }
0xac: {  	[dreg:$0x1] =	wrdreg $0xFFFFFFFF  }
0xad: {  	[dreg:$0x0] =	wrdreg $0x60  }
0xae: {  	[dreg:$0x2] =	wrdreg s24  }
0xaf: {  	[dreg:$0x3] =	wrdreg $0x0  }
0xb0: {  	[dreg:$0x4] =	wrdreg $0x9  }
0xb1: {  	_ =	task.clear_ibuf [dreg:s6], $0x5FFFF;
	_ =	strace $0x9000004C  }
0xb2: {  	s29 =	simm.s32 $0x9;
	_ =	strace $0x8000004E  }
0xb3: {  	_ =	swait.ge [sflag:s29], $0x1  }
0xb4: {  	[sflag:s29] =	ssyncadd.s32 $0xFFFFFFFF  }
0xb5: {  	_ =	strace $0x9000004E  }
0xb6: {  	_ =	sfence  }
0xb7: {  	s30 =	sld [smem:$0x0];
	_ =	sdelay $0x2  }
0xb8: {  	s31 =	sshll.u32 s1, $0xD;
	s1 =	sshrl.u32 s1, $0x2  }
0xb9: {  	s3 =	sand.u32 $0x4000, s31;
	s1 =	sadd.s32 s1, s30  }
0xba: {  	s0 =	sor.u32 s3, s0;
	s1 =	sshll.u32 s1, $0x11  }
0xbb: {  	s0 =	sor.u32 s1, s0  }
0xbc: {  	s0 =	sadd.s32 $0x8F2B, s0  }
0xbd: {  	[sflag:s0] =	ssyncadd.remote.s32 $0x1  }
0xbe: {  	_ =	sfence.sel $0xFFFF  }
0xbf: {  	[dreg:$0x0] =	wrdreg $0xFFFFFFFF;
	(pc) =	sbr.abs _section_cstart, $3  }
0xc0: {  	[dreg:$0x1] =	wrdreg $0xFFFFFFFF  }
0xc1: {  	_ =	task.clear_ibuf [dreg:s6], $0x2FFFF;
	_ =	strace $0x9FFFFFFF  }
0xc2: {  	(tm) =	ssettm $0x7FFFFFFF  }
0xc3: {  	_ =	shalt  }
tec
execute0_lowered:
.L_overlay_start_1:
0x0: {  	(tag) =	ssettag $0x1  }
0x1: {  	s6 =	rddreg [dreg:$0x0]  }
0x2: {  	s1 =	rddreg [dreg:$0x1];
	s2 =	simm.s32 $0x0;
	s14 =	stileid.u32  }
0x3: {  	s4 =	srdreg.scid;
	s19 =	simm.s32 $0x7D;
	s20 =	simm.s32 $0x13980  }
0x4: {  	s21 =	simm.s32 $0x17980;
	s28 =	simm.s32 $0x17A00;
	s29 =	simm.s32 $0x0  }
0x5: {  	[smem:$0x7FF] =	sst s2;
	s8 =	smul.u32 $0x13800, s14;
	s3 =	sadd.s32 $0x33E00, s6  }
0x6: {  	s13 =	sadd.s32 $0x82000, s6;
	s7 =	sand.u32 $0x1, s4;
	s22 =	smul.u32 $0x4E000, s14  }
0x7: {  	s10 =	sadd.s32 $0x96000, s6;
	s24 =	sshll.u32 s14, $0x6;
	s16 =	sadd.s32 $0x138000, s1  }
0x8: {  	s18 =	smul.u32 $0x5000, s14;
	p0 =	sne.s32 s14, $0x0;
	_ =	strace $0x8000004D  }
0x9: {  	s9 =	ssub.s32 $0x2, s7;
	s12 =	sshll.u32 s7, $0x4;
	s25 =	smul.u32 $0x138800, s7  }
0xa: {  	s17 =	smul.u32 $0x50000, s7;
	s16 =	sshrl.u32 @!p0 s16, $0x3;
	s5 =	sshrl.u32 s8, $0x3  }
0xb: {  	s11 =	sshrl.u32 s9, $0x1;
	s4 =	sshrl.u32 s22, $0x2;
	s23 =	sor.u32 s14, s12  }
0xc: {  	s22 =	simm.s32 $0x2;
	s5 =	sadd.s32 s5, s6;
	s11 =	ssub.s32 s9, s11  }
0xd: {  	s15 =	sadd.s32 s4, s1;
	s9 =	smul.u32 $0x5000, s23;
	s6 =	sadd.s32 $0x33C00, s6  }
0xe: {  	s26 =	sadd.s32 s8, s25;
	s12 =	sshrl.u32 s25, $0x3;
	s30 =	sadd.s32 s18, s17  }
0xf: {  	s18 =	simm.s32 $0x1;
	s23 =	simm.s32 $0x3;
	s25 =	simm.s32 $0x13900  }
0x10: {  	s4 =	sadd.s32 $0xCC00, s5;
	s5 =	sor.u32 $0x1C05, s24;
	s17 =	sor.u32 $0x300, s30  }
0x11: {  	s11 =	smax.u32 s11, $0x1;
	s14 =	sshrl.u32 s15, $0x3;
	s15 =	simm.s32 $0x5  }
0x12: {  	s24 =	simm.s32 $0x17A80;
	s9 =	sshrl.u32 s9, $0x3;
	s17 =	sshrl.u32 s17, $0x3  }
0x13: {  	s7 =	sadd.s32 s13, s9;
	s9 =	sshrl.u32 s26, $0x3;
	s26 =	simm.s32 $0x4  }
0x14: {  	s9 =	sadd.s32 s10, s9;
	s10 =	sadd.s32 s10, s12;
	s12 =	sor.u32 $0x200, s30  }
0x15: {  	s8 =	sadd.s32 $0x20, s7;
	s10 =	sadd.s32 $0x27000, s10;
	s31 =	sshrl.u32 s12, $0x3  }
0x16: {  	s12 =	sadd.s32 s17, s13;
	s17 =	simm.s32 $0x13880;
	s13 =	sadd.s32 s31, s13  }
.LBB2_1:
0x17: {  	[spmem:s14], [sflag:s5] =	dma.local [hbm:s4], $0x2700  }
0x18: {  	_ =	swait.ge [sflag:s15], $0x2700  }
0x19: {  	[sflag:s15] =	ssyncset.done $0x0  }
0x1a: {  	s30 =	simm.s32 @!p0 $0x5;
	[sflag:s15] =	ssyncadd.s32 $0xFFFFD900  }
0x1b: {  	[spmem:s16], [sflag:s5] =	dma.local @!p0 [hbm:s6], $0x100  }
0x1c: {  	_ =	swait.ge @!p0 [sflag:s30], $0x100  }
0x1d: {  	[sflag:s30] =	ssyncset.done @!p0 $0x0  }
0x1e: {  	[sflag:s30] =	ssyncadd.s32 @!p0 $0xFFFFFF00  }
0x1f: {  	[bflag:$0x0] =	sbarrier.arrive $0xFFFF  }
0x20: {  	[tilespmem:s17], [sflag:$0x1] =	stream.linear.gather [hbm4b:s7+s2], $0x100, $0x38;
	[tilespmem:$0x1BA80] =	vst v63  }
0x21: {  	_ =	swait.ge [sflag:s18], $0x100  }
0x22: {  	[sflag:s18] =	ssyncset.done $0x0  }
0x23: {  	[sflag:s18] =	ssyncadd.s32 $0xFFFFFF00  }
0x24: {  	[tilespmem:s20], [sflag:$0x2] =	stream.indirect.gather [hbm4b:s3+s19], $0x80, s17, s19, $0xb8;
	[tilespmem:$0x1BA80] =	vst v63  }
0x25: {  	_ = 	snop  }
0x26: {  	[tilespmem:s21], [sflag:$0x3] =	stream.linear.gather [hbm4b:s8+s2], $0x100, $0x38;
	[tilespmem:$0x1BA80] =	vst v63  }
0x27: {  	_ =	swait.ge [sflag:s22], $0x3E80  }
0x28: {  	[sflag:s22] =	ssyncset.done $0x0  }
0x29: {  	[sflag:s22] =	ssyncadd.s32 $0xFFFFC180  }
0x2a: {  	_ =	swait.ge [sflag:s23], $0x100  }
0x2b: {  	[sflag:s23] =	ssyncset.done $0x0  }
0x2c: {  	[sflag:s23] =	ssyncadd.s32 $0xFFFFFF00  }
0x2d: {  	[tilespmem:s24], [sflag:$0x4] =	stream.indirect.gather [hbm4b:s3+s19], $0x80, s21, s19, $0xb8;
	[tilespmem:$0x1BA80] =	vst v63  }
0x2e: {  	_ = 	snop  }
0x2f: {  	[spmem:s1] =	stream.indirect.scatter.add.f32 [tilespmem:s20], [sflag:$0x5], $0x80, s25, s19, $0xb8;
	[tilespmem:$0x1BA80] =	vst v63  }
0x30: {  	_ =	swait.ge [sflag:s15], $0x3E80  }
0x31: {  	[sflag:s15] =	ssyncset.done $0x0  }
0x32: {  	s30 =	sadd.s32 $0x0, s13;
	[sflag:s15] =	ssyncadd.s32 $0xFFFFC180  }
0x33: {  	[tilespmem:s17], [sflag:$0x1] =	stream.linear.gather [hbm4b:s30+s2], $0x100, $0x38;
	[tilespmem:$0x1BA80] =	vst v63  }
0x34: {  	_ =	swait.ge [sflag:s26], $0x3E80  }
0x35: {  	[sflag:s26] =	ssyncset.done $0x0  }
0x36: {  	[sflag:s26] =	ssyncadd.s32 $0xFFFFC180  }
0x37: {  	_ =	swait.ge [sflag:s18], $0x100  }
0x38: {  	[sflag:s18] =	ssyncset.done $0x0  }
0x39: {  	[sflag:s18] =	ssyncadd.s32 $0xFFFFFF00  }
0x3a: {  	[tilespmem:s20], [sflag:$0x2] =	stream.indirect.gather [hbm4b:s3+s19], $0x80, s17, s19, $0xb8;
	[tilespmem:$0x1BA80] =	vst v63  }
0x3b: {  	_ = 	snop  }
0x3c: {  	[spmem:s1] =	stream.indirect.scatter.add.f32 [tilespmem:s24], [sflag:$0x5], $0x80, s28, s19, $0xb8;
	[tilespmem:$0x1BA80] =	vst v63  }
0x3d: {  	_ =	swait.ge [sflag:s15], $0x3E80  }
0x3e: {  	[sflag:s15] =	ssyncset.done $0x0  }
0x3f: {  	s31 =	sadd.s32 $0x0, s12;
	s30 =	simm.s32 $0x40;
	[sflag:s15] =	ssyncadd.s32 $0xFFFFC180  }
.LBB2_2:
0x40: {  	[tilespmem:s21], [sflag:$0x3] =	stream.linear.gather [hbm4b:s31+s2], $0x100, $0x38;
	[tilespmem:$0x1BA80] =	vst v63  }
0x41: {  	s31 =	smov.u32 s30  }
0x42: {  	p1 =	sne.s32 s30, $0x980;
	s30 =	sadd.s32 $0x40, s30;
	_ =	swait.ge [sflag:s22], $0x3E80  }
0x43: {  	[sflag:s22] =	ssyncset.done $0x0  }
0x44: {  	[sflag:s22] =	ssyncadd.s32 $0xFFFFC180  }
0x45: {  	_ =	swait.ge [sflag:s23], $0x100  }
0x46: {  	[sflag:s23] =	ssyncset.done $0x0  }
0x47: {  	[sflag:s23] =	ssyncadd.s32 $0xFFFFFF00  }
0x48: {  	[tilespmem:s24], [sflag:$0x4] =	stream.indirect.gather [hbm4b:s3+s19], $0x80, s21, s19, $0xb8;
	[tilespmem:$0x1BA80] =	vst v63  }
0x49: {  	_ = 	snop  }
0x4a: {  	[spmem:s1] =	stream.indirect.scatter.add.f32 [tilespmem:s20], [sflag:$0x5], $0x80, s25, s19, $0xb8;
	[tilespmem:$0x1BA80] =	vst v63  }
0x4b: {  	_ =	swait.ge [sflag:s15], $0x3E80  }
0x4c: {  	[sflag:s15] =	ssyncset.done $0x0  }
0x4d: {  	s0 =	sadd.s32 s31, s13;
	[sflag:s15] =	ssyncadd.s32 $0xFFFFC180  }
0x4e: {  	[tilespmem:s17], [sflag:$0x1] =	stream.linear.gather [hbm4b:s0+s2], $0x100, $0x38;
	[tilespmem:$0x1BA80] =	vst v63  }
0x4f: {  	_ =	swait.ge [sflag:s26], $0x3E80  }
0x50: {  	[sflag:s26] =	ssyncset.done $0x0  }
0x51: {  	[sflag:s26] =	ssyncadd.s32 $0xFFFFC180  }
0x52: {  	_ =	swait.ge [sflag:s18], $0x100  }
0x53: {  	[sflag:s18] =	ssyncset.done $0x0  }
0x54: {  	[sflag:s18] =	ssyncadd.s32 $0xFFFFFF00  }
0x55: {  	[tilespmem:s20], [sflag:$0x2] =	stream.indirect.gather [hbm4b:s3+s19], $0x80, s17, s19, $0xb8;
	[tilespmem:$0x1BA80] =	vst v63  }
.Ltmp0:
0x56: {  	(pc) =	sbr.rel @p1 .LBB2_2-.Ltmp0, $4  }
0x57: {  	[spmem:s1] =	stream.indirect.scatter.add.f32 [tilespmem:s24], [sflag:$0x5], $0x80, s28, s19, $0xb8;
	[tilespmem:$0x1BA80] =	vst v63  }
0x58: {  	_ =	swait.ge [sflag:s15], $0x3E80  }
0x59: {  	[sflag:s15] =	ssyncset.done $0x0  }
0x5a: {  	s31 =	sadd.s32 s31, s12;
	[sflag:s15] =	ssyncadd.s32 $0xFFFFC180  }
0x5b: {  	[tilespmem:s21], [sflag:$0x3] =	stream.linear.gather [hbm4b:s31+s2], $0x100, $0x38;
	[tilespmem:$0x1BA80] =	vst v63  }
0x5c: {  	_ =	swait.ge [sflag:s22], $0x3E80  }
0x5d: {  	[sflag:s22] =	ssyncset.done $0x0  }
0x5e: {  	[sflag:s22] =	ssyncadd.s32 $0xFFFFC180  }
0x5f: {  	_ =	swait.ge [sflag:s23], $0x100  }
0x60: {  	[sflag:s23] =	ssyncset.done $0x0  }
0x61: {  	[sflag:s23] =	ssyncadd.s32 $0xFFFFFF00  }
0x62: {  	[tilespmem:s24], [sflag:$0x4] =	stream.indirect.gather [hbm4b:s3+s19], $0x80, s21, s19, $0xb8;
	[tilespmem:$0x1BA80] =	vst v63  }
0x63: {  	_ = 	snop  }
0x64: {  	[spmem:s1] =	stream.indirect.scatter.add.f32 [tilespmem:s20], [sflag:$0x5], $0x80, s25, s19, $0xb8;
	[tilespmem:$0x1BA80] =	vst v63  }
0x65: {  	_ =	swait.ge [sflag:s15], $0x3E80  }
0x66: {  	[sflag:s15] =	ssyncset.done $0x0  }
0x67: {  	[sflag:s15] =	ssyncadd.s32 $0xFFFFC180  }
0x68: {  	_ =	swait.ge [sflag:s26], $0x3E80  }
0x69: {  	[sflag:s26] =	ssyncset.done $0x0  }
0x6a: {  	[sflag:s26] =	ssyncadd.s32 $0xFFFFC180  }
0x6b: {  	[spmem:s1] =	stream.indirect.scatter.add.f32 [tilespmem:s24], [sflag:$0x5], $0x80, s28, s19, $0xb8;
	[tilespmem:$0x1BA80] =	vst v63  }
0x6c: {  	_ =	swait.ge [sflag:s15], $0x3E80  }
0x6d: {  	[sflag:s15] =	ssyncset.done $0x0  }
0x6e: {  	[sflag:s15] =	ssyncadd.s32 $0xFFFFC180  }
0x6f: {  	[bflag:$0x0] =	sbarrier.arrive $0xFFFF  }
0x70: {  	[hbm:s9], [sflag:s5] =	dma.local [spmem:s14], $0x2700  }
0x71: {  	s29 =	sadd.s32 $0x1, s29;
	_ =	swait.ge [sflag:s15], $0x2700  }
0x72: {  	p1 =	sne.s32 s29, s11;
	[sflag:s15] =	ssyncset.done $0x0  }
.Ltmp1:
0x73: {  	s0 =	simm.s32 @!p0 $0x5;
	[sflag:s15] =	ssyncadd.s32 $0xFFFFD900;
	(pc) =	sbr.rel @p1 .LBB2_1-.Ltmp1, $4  }
0x74: {  	[hbm:s10], [sflag:s5] =	dma.local @!p0 [spmem:s16], $0x100  }
0x75: {  	_ =	swait.ge @!p0 [sflag:s0], $0x100  }
0x76: {  	[sflag:s0] =	ssyncset.done @!p0 $0x0  }
0x77: {  	[sflag:s0] =	ssyncadd.s32 @!p0 $0xFFFFFF00  }
0x78: {  	_ =	sfence.sel $0x180000  }
0x79: {  	[bflag:$0x0] =	sbarrier.arrive $0xFFFF  }
0x7a: {  	_ =	strace $0x9000004D  }
0x7b: {  	[bflag:$0x2] =	sbarrier.arrive $0xFFFF  }
0x7c: {  	s0 =	rddreg [dreg:$0x2]  }
0x7d: {  	s0 =	sadd.s32 @!p0 $0x100000, s0  }
0x7e: {  	[sflag:s0] =	ssyncadd.tile.s32 @!p0 $0x1;
	_ =	shalt  }
.Lfunc_end2:
_tile_overlayer_lowered:
.L_overlay_start_2:
0x7f: {  	(tag) =	ssettag $0x2  }
0x80: {  	s0 =	rddreg [dreg:$0x0];
	s2 =	stileid.u32  }
0x81: {  	s1 =	rddreg [dreg:$0x1];
	p0 =	sne.s32 s2, $0x0  }
0x82: {  	s3 =	rddreg [dreg:$0x2];
	[bflag:$0x3] =	sbarrier.arrive $0xFFFF;
	s2 =	simm.s32 @!p0 $0x1C05  }
0x83: {  	[timem:s3], [sflag:s2] =	dma.local @!p0 [hbm:s0], s1  }
0x84: {  	s0 =	simm.s32 @!p0 $0x5  }
0x85: {  	_ =	swait.ge @!p0 [sflag:s0], s1  }
0x86: {  	s1 =	ssub.s32 @!p0 $0x0, s1;
	[sflag:s0] =	ssyncset.done @!p0 $0x0  }
0x87: {  	[sflag:s0] =	ssyncadd.s32 @!p0 s1  }
0x88: {  	[bflag:$0x3] =	sbarrier.arrive $0xFFFF  }
0x89: {  	_ =	shalt  }

// kernel: kernel.18.cloned.1.call-start
scs
__scs_entry_jumppad:
0x0: {  	(pc) =	sbr.rel $0x88, $3  }
0x1: {  	(tag) =	ssettag $0x0;
	lr =	simm.s32 $0x1  }
0x2: {  	[smem:$0x3F98] =	sst lr;
	_ =	strace $0xD0000000  }
0x3: {  	_ = 	snop  }
0x4: {  	_ = 	snop  }
0x5: {  	_ = 	snop  }
0x6: {  	_ = 	snop  }
0x7: {  	_ = 	snop  }
__scs_overlays_trampoline_lowered:
0x8: {  	[smem:$0x3FA7] =	sst s0  }
0x9: {  	[smem:$0x3FA8] =	sst s1  }
0xa: {  	[smem:$0x3FA9] =	sst s2  }
0xb: {  	[smem:$0x3FAA] =	sst s3  }
0xc: {  	[smem:$0x3FAB] =	sst s4  }
0xd: {  	[smem:$0x3FAC] =	sst s5  }
0xe: {  	[smem:$0x3FAD] =	sst s6  }
0xf: {  	[smem:$0x3FAE] =	sst s7  }
0x10: {  	[smem:$0x3FAF] =	sst s8  }
0x11: {  	[smem:$0x3FB0] =	sst s9;
	s0 =	simm.s32 @!p0 $0x0  }
0x12: {  	s1 =	sld [smem:$0x3F96];
	s0 =	simm.s32 @p0 $0x1  }
0x13: {  	[smem:$0x3FB1] =	sst s0;
	s0 =	simm.s32 @!p1 $0x0  }
0x14: {  	s2 =	sld [smem:$0x3F95];
	s0 =	simm.s32 @p1 $0x1  }
0x15: {  	[smem:$0x3FB2] =	sst s0;
	s0 =	simm.s32 @!p2 $0x0  }
0x16: {  	s3 =	sld [smem:$0x3FDB];
	s0 =	simm.s32 @p2 $0x1  }
0x17: {  	s4 =	simm.s32 $0x1BF5;
	[smem:$0x3FB4] =	sst s0  }
0x18: {  	s0 =	sld [smem:$0x3F97];
	_ =	swait.ge [sflag:s4], $0x0  }
0x19: {  	s7 =	sld [smem:$0x3F98]  }
0x1a: {  	s8 =	sadd.s32 $0xFFFFE003, lr  }
0x1b: {  	s9 =	sadd.s32 $0xFFFFFEF7, lr;
	s5 =	simm.s32 $0xFFFFFFFF;
	p2 =	slt.u32 s8, $0xFFFFF086  }
0x1c: {  	p1 =	slt.u32 s9, $0xF7A;
	s5 =	simm.s32 @!p2 $0x0  }
0x1d: {  	s5 =	simm.s32 @p1 $0x1;
	p0 =	seq.s32 s7, s2  }
0x1e: {  	s7 =	smul.u32 @!p0 $0xF7A, s2;
	p2 =	seq.s32 @!p0 s5, $0x0  }
0x1f: {  	s9 =	smul.u32 $0xF7A, s1;
	s8 =	simm.s32 @!p0 $0x1BF5;
	p2 =	por !p2, p0  }
0x20: {  	[sflag:s8] =	ssyncset.s32 @!p0 $0xFFFFF086;
	s6 =	sadd.s32 @!p0 s3, s7;
	s7 =	simm.s32 @!p0 $0x108  }
0x21: {  	s3 =	sadd.s32 s3, s9;
	s6 =	sadd.s32 @!p0 $0x88, s6;
	s7 =	simm.s32 @p2 $0x1082  }
0x22: {  	[simem:s7], [sflag:s8] =	dma.local @!p0 [hbm:s6], $0xF7A  }
0x23: {  	s9 =	sor.u32 $0xD0000000, s2;
	s6 =	simm.s32 $0x108;
	_ =	swait.ge @!p0 [sflag:s8], $0x0  }
0x24: {  	s3 =	sadd.s32 $0x88, s3;
	s6 =	simm.s32 @!p1 $0x1082;
	[sflag:s4] =	ssyncset.s32 $0xFFFFF086  }
0x25: {  	[simem:s6], [sflag:s4] =	dma.local [hbm:s3], $0xF7A  }
0x26: {  	[smem:$0x3F98] =	sst s1;
	(tag) =	ssettag s2;
	_ =	strace s9  }
0x27: {  	s1 =	sld [smem:$0x3FA8]  }
0x28: {  	s2 =	sld [smem:$0x3FA9]  }
0x29: {  	s4 =	sld [smem:$0x3FAB]  }
0x2a: {  	p0 =	seq.s32 s5, $0x0;
	s5 =	sld [smem:$0x3FAC]  }
0x2b: {  	s6 =	sld [smem:$0x3FAD]  }
0x2c: {  	s7 =	sld [smem:$0x3FAE]  }
0x2d: {  	s3 =	simm.s32 $0x108;
	s8 =	sld [smem:$0x3FAF]  }
0x2e: {  	s3 =	simm.s32 @!p0 $0x1082;
	s9 =	sld [smem:$0x3FB0]  }
0x2f: {  	lr =	sadd.s32 s0, s3;
	s0 =	sld [smem:$0x3FA7]  }
0x30: {  	s3 =	sld [smem:$0x3FAA]  }
0x31: {  	[smem:$0x3FB3] =	sst s10  }
0x32: {  	s10 =	sld [smem:$0x3FB1];
	_ =	sdelay $0x3  }
0x33: {  	p0 =	seq.s32 s10, $0x1;
	s10 =	sld [smem:$0x3FB3];
	_ =	sdelay $0x3  }
0x34: {  	[smem:$0x3FB3] =	sst s10  }
0x35: {  	s10 =	sld [smem:$0x3FB2];
	_ =	sdelay $0x3  }
0x36: {  	p1 =	seq.s32 s10, $0x1;
	s10 =	sld [smem:$0x3FB3];
	_ =	sdelay $0x3  }
0x37: {  	[smem:$0x3FB3] =	sst s10  }
0x38: {  	s10 =	sld [smem:$0x3FB4]  }
0x39: {  	_ = 	snop;
	(pc) =	sbr.ind lr, $3  }
0x3a: {  	_ = 	snop  }
0x3b: {  	_ = 	snop  }
0x3c: {  	p2 =	seq.s32 s10, $0x1;
	s10 =	sld [smem:$0x3FB3]  }
0x3d: {  	_ =	shalt  }
0x3e: {  	_ =	shalt  }
0x3f: {  	_ =	shalt  }
0x40: {  	_ =	shalt  }
0x41: {  	_ =	shalt  }
0x42: {  	_ =	shalt  }
0x43: {  	_ =	shalt  }
0x44: {  	_ =	shalt  }
0x45: {  	_ =	shalt  }
0x46: {  	_ =	shalt  }
0x47: {  	_ =	shalt  }
0x48: {  	_ =	shalt  }
0x49: {  	_ =	shalt  }
0x4a: {  	_ =	shalt  }
0x4b: {  	_ =	shalt  }
0x4c: {  	_ =	shalt  }
0x4d: {  	_ =	shalt  }
0x4e: {  	_ =	shalt  }
0x4f: {  	_ =	shalt  }
0x50: {  	_ =	shalt  }
0x51: {  	_ =	shalt  }
0x52: {  	_ =	shalt  }
0x53: {  	_ =	shalt  }
0x54: {  	_ =	shalt  }
0x55: {  	_ =	shalt  }
0x56: {  	_ =	shalt  }
0x57: {  	_ =	shalt  }
0x58: {  	_ =	shalt  }
0x59: {  	_ =	shalt  }
0x5a: {  	_ =	shalt  }
0x5b: {  	_ =	shalt  }
0x5c: {  	_ =	shalt  }
0x5d: {  	_ =	shalt  }
0x5e: {  	_ =	shalt  }
0x5f: {  	_ =	shalt  }
0x60: {  	_ =	shalt  }
0x61: {  	_ =	shalt  }
0x62: {  	_ =	shalt  }
0x63: {  	_ =	shalt  }
0x64: {  	_ =	shalt  }
0x65: {  	_ =	shalt  }
0x66: {  	_ =	shalt  }
0x67: {  	_ =	shalt  }
0x68: {  	_ =	shalt  }
0x69: {  	_ =	shalt  }
0x6a: {  	_ =	shalt  }
0x6b: {  	_ =	shalt  }
0x6c: {  	_ =	shalt  }
0x6d: {  	_ =	shalt  }
0x6e: {  	_ =	shalt  }
0x6f: {  	_ =	shalt  }
0x70: {  	_ =	shalt  }
0x71: {  	_ =	shalt  }
0x72: {  	_ =	shalt  }
0x73: {  	_ =	shalt  }
0x74: {  	_ =	shalt  }
0x75: {  	_ =	shalt  }
0x76: {  	_ =	shalt  }
0x77: {  	_ =	shalt  }
0x78: {  	_ =	shalt  }
0x79: {  	_ =	shalt  }
0x7a: {  	_ =	shalt  }
0x7b: {  	_ =	shalt  }
0x7c: {  	_ =	shalt  }
0x7d: {  	_ =	shalt  }
0x7e: {  	_ =	shalt  }
0x7f: {  	_ =	shalt  }
0x80: {  	_ =	shalt  }
0x81: {  	_ =	shalt  }
0x82: {  	_ =	shalt  }
0x83: {  	_ =	shalt  }
0x84: {  	_ =	shalt  }
0x85: {  	_ =	shalt  }
0x86: {  	_ =	shalt  }
0x87: {  	_ =	shalt  }
.Lfunc_end0:
.L_simem_size_0:
called_computation.3_lowered:
.L_overlay_start_0:
0x88: {  	s2 =	sld [smem:$0x3FD9]  }
0x89: {  	s3 =	sld [smem:$0x3FFE];
	_ =	sdelay $0x1  }
0x8a: {  	s1 =	srdreg.scid  }
0x8b: {  	s0 =	sand.u32 $0x1, s1  }
0x8c: {  	s17 =	sshll.u32 s0, $0xA;
	s2 =	sadd.s32 s3, s2  }
0x8d: {  	s2 =	sadd.s32 s2, s17  }
0x8e: {  	[smem:$0x3FBF] =	sst s2  }
0x8f: {  	_ = 	snop  }
0x90: {  	s2 =	sld [smem:$0x3FC7];
	(tm) =	ssettm $0x1  }
0x91: {  	s18 =	sld [smem:$0x3FFB];
	_ =	sdelay $0x3  }
0x92: {  	_ =	strace s18  }
0x93: {  	s3 =	sld [smem:$0x3FFC];
	_ =	sdelay $0x3  }
0x94: {  	_ =	strace s3  }
0x95: {  	s3 =	sld [smem:$0x3FFD];
	_ =	sdelay $0x3  }
0x96: {  	_ =	strace s3  }
0x97: {  	_ =	strace $0x8FFFFFFF  }
0x98: {  	s19 =	sld [smem:$0x3FDB];
	_ =	sdelay $0x1  }
0x99: {  	s4 =	simm.s32 $_scs_section_size  }
0x9a: {  	s5 =	simm.s32 $_size__tile_overlayer_lowered;
	s6 =	simm.s32 $_tile_overlayer_lowered  }
0x9b: {  	s22 =	simm.s32 $0x1BFF;
	s21 =	sshll.u32 s6, $0x1;
	s3 =	sadd.s32 s4, s19  }
0x9c: {  	s7 =	simm.s32 $0x0;
	s20 =	sshll.u32 s5, $0x1;
	s5 =	sadd.s32 s21, s3  }
0x9d: {  	[timem:s7], [sflag:s22] =	dma.local [hbm:s5], s20  }
0x9e: {  	_ =	swait.ge [sflag:s22], s20  }
0x9f: {  	s4 =	ssub.s32 $0x0, s20;
	[sflag:s22] =	ssyncset.done $0x0  }
0xa0: {  	[sflag:s22] =	ssyncadd.s32 s4;
	_ =	sdelay $0x1  }
0xa1: {  	s23 =	simm.s32 $0x1B8B  }
0xa2: {  	_ =	swait.ge [sflag:s23], $0x1  }
0xa3: {  	[sflag:s23] =	ssyncset.done $0x0  }
0xa4: {  	s25 =	simm.s32 $0x1B8E;
	s24 =	sld [smem:$0x3FFE];
	[sflag:s23] =	ssyncadd.s32 $0xFFFFFFFF  }
0xa5: {  	s26 =	simm.s32 $execute0_lowered;
	[smem:$0x3FD2] =	sst s25  }
0xa6: {  	s5 =	sshll.u32 s26, $0x1;
	_ =	strace $0x8000004F;
	[dreg:$0x1] =	wrdreg $0xFFFFFFFF  }
0xa7: {  	s28 =	simm.s32 $_size_execute0_lowered;
	s3 =	sadd.s32 s3, s5;
	[dreg:$0x0] =	wrdreg $0x0  }
0xa8: {  	s5 =	sshll.u32 s28, $0x1;
	[dreg:$0x2] =	wrdreg s3  }
0xa9: {  	[dreg:$0x3] =	wrdreg s5  }
0xaa: {  	[dreg:$0x4] =	wrdreg $0xC0  }
0xab: {  	_ =	task [dreg:s7], $0x5FFFF  }
0xac: {  	[dreg:$0x1] =	wrdreg $0xFFFFFFFF  }
0xad: {  	[dreg:$0x0] =	wrdreg $0x60  }
0xae: {  	[dreg:$0x2] =	wrdreg s24  }
0xaf: {  	[dreg:$0x3] =	wrdreg s2  }
0xb0: {  	[dreg:$0x4] =	wrdreg $0x9  }
0xb1: {  	_ =	task.clear_ibuf [dreg:s7], $0x5FFFF;
	_ =	strace $0x9000004F  }
0xb2: {  	s29 =	simm.s32 $0x9;
	_ =	strace $0x80000051  }
0xb3: {  	_ =	swait.ge [sflag:s29], $0x1  }
0xb4: {  	[sflag:s29] =	ssyncadd.s32 $0xFFFFFFFF  }
0xb5: {  	_ =	strace $0x90000051  }
0xb6: {  	_ =	sfence  }
0xb7: {  	s30 =	sld [smem:$0x0];
	_ =	sdelay $0x2  }
0xb8: {  	s31 =	sshll.u32 s1, $0xD;
	s1 =	sshrl.u32 s1, $0x2  }
0xb9: {  	s3 =	sand.u32 $0x4000, s31;
	s1 =	sadd.s32 s1, s30  }
0xba: {  	s0 =	sor.u32 s3, s0;
	s1 =	sshll.u32 s1, $0x11  }
0xbb: {  	s0 =	sor.u32 s1, s0  }
0xbc: {  	s0 =	sadd.s32 $0x8F2B, s0  }
0xbd: {  	[sflag:s0] =	ssyncadd.remote.s32 $0x1  }
0xbe: {  	_ =	sfence.sel $0xFFFF  }
0xbf: {  	[dreg:$0x0] =	wrdreg $0xFFFFFFFF;
	(pc) =	sbr.abs _section_cstart, $3  }
0xc0: {  	[dreg:$0x1] =	wrdreg $0xFFFFFFFF  }
0xc1: {  	_ =	task.clear_ibuf [dreg:s7], $0x2FFFF;
	_ =	strace $0x9FFFFFFF  }
0xc2: {  	(tm) =	ssettm $0x7FFFFFFF  }
0xc3: {  	_ =	shalt  }
tec
execute0_lowered:
.L_overlay_start_1:
0x0: {  	(tag) =	ssettag $0x1  }
0x1: {  	s9 =	rddreg [dreg:$0x0]  }
0x2: {  	s1 =	rddreg [dreg:$0x1]  }
0x3: {  	s0 =	rddreg [dreg:$0x2];
	s2 =	simm.s32 $0x0  }
0x4: {  	s3 =	srdreg.scid;
	s11 =	simm.s32 $0x2;
	s12 =	simm.s32 $0x68  }
0x5: {  	s13 =	simm.s32 $0x80;
	s14 =	simm.s32 $0x1;
	s15 =	simm.s32 $0x3480  }
0x6: {  	s16 =	simm.s32 $0x6880;
	s18 =	simm.s32 $0x0;
	[smem:$0x7FF] =	sst s2  }
0x7: {  	s4 =	sadd.s32 $0x2C00, s9;
	s5 =	sand.u32 $0x1, s3;
	s3 =	stileid.u32  }
.Ltmp0:
0x8: {  	_ =	strace $0x80000050;
	s6 =	ssub.s32 $0x2, s5;
	(pc) =	sbr.rel .LBB2_1-.Ltmp0, $4  }
0x9: {  	s7 =	sshll.u32 s5, $0x4;
	s5 =	sadd.s32 $0x29E00, s9;
	s8 =	sshrl.u32 s6, $0x1  }
0xa: {  	s17 =	sor.u32 s3, s7;
	s7 =	sadd.s32 $0x4E0, s1;
	s10 =	ssub.s32 s6, s8  }
0xb: {  	s6 =	smul.u32 $0x138, s17;
	s8 =	sadd.s32 $0x29C00, s9;
	s9 =	sadd.s32 $0x50E00, s9  }
0xc: {  	p0 =	sne.s32 s17, $0x0;
	s17 =	simm.s32 $0x10;
	s10 =	smax.u32 s10, $0x1  }
.LBB2_9:
0xd: {  	s18 =	sadd.s32 $0x1, s18  }
0xe: {  	p1 =	sne.s32 s18, s10  }
.Ltmp1:
0xf: {  	_ = 	snop;
	(pc) =	sbr.rel @!p1 .LBB2_10-.Ltmp1, $1  }
0x10: {  	_ =	sdelay $0x3  }
.LBB2_1:
0x11: {  	s19 =	simm.s32 $0x0  }
.LBB2_2:
0x12: {  	s20 =	smul.u32 $0x68, s19;
	_ =	sdelay $0x1  }
0x13: {  	s20 =	sadd.s32 s6, s20  }
0x14: {  	s21 =	sshrl.u32 s20, $0x3  }
0x15: {  	s22 =	simm.s32 $0x0;
	s21 =	sadd.s32 s1, s21  }
0x16: {  	[tilespmem:s22], [sflag:$0x2] =	stream.linear.gather [hbm4b:s21+s22], $0x68, $0x38;
	[tilespmem:$0x9C80] =	vst v63  }
0x17: {  	_ =	swait.ge [sflag:s11], $0x68  }
0x18: {  	[sflag:s11] =	ssyncset.done $0x0  }
0x19: {  	[sflag:s11] =	ssyncadd.s32 $0xFFFFFF98  }
0x1a: {  	[tilespmem:s13], [sflag:$0x1] =	stream.indirect.gather [hbm4b:s4+s12], $0x80, s22, s12, $0xb8;
	[tilespmem:$0x9C80] =	vst v63  }
0x1b: {  	_ =	swait.ge [sflag:s14], $0x3400  }
0x1c: {  	s20 =	sshll.u32 s20, $0x4;
	[sflag:s14] =	ssyncset.done $0x0  }
0x1d: {  	s31 =	sadd.s32 s4, s20;
	[sflag:s14] =	ssyncadd.s32 $0xFFFFCC00  }
0x1e: {  	[tilespmem:s15], [sflag:$0x2] =	stream.linear.gather [hbm4b:s31+s22], $0x3400, $0x38;
	[tilespmem:$0x9C80] =	vst v63  }
0x1f: {  	_ =	swait.ge [sflag:s11], $0x3400  }
0x20: {  	[sflag:s11] =	ssyncset.done $0x0  }
0x21: {  	s21 =	simm.s32 $0x0;
	[sflag:s11] =	ssyncadd.s32 $0xFFFFCC00  }
0x22: {  	v0 =	vld [tilespmem:s21+$0x80]  }
0x23: {  	v1 =	vld [tilespmem:s21+$0x3480]  }
0x24: {  	v2 =	vld [tilespmem:s21+$0x90]  }
0x25: {  	v3 =	vld [tilespmem:s21+$0x3490]  }
0x26: {  	v4 =	vld [tilespmem:s21+$0xA0]  }
0x27: {  	v5 =	vld [tilespmem:s21+$0x34A0]  }
0x28: {  	v6 =	vld [tilespmem:s21+$0x34B0];
	v0 =	vmul.f32 v1, v0  }
0x29: {  	v1 =	vld [tilespmem:s21+$0xB0]  }
0x2a: {  	v7 =	vld [tilespmem:s21+$0xC0];
	v2 =	vmul.f32 v3, v2;
	v0 =	vadd.f32 $0.0e+00, v0  }
0x2b: {  	v8 =	vld [tilespmem:s21+$0x34C0]  }
0x2c: {  	v9 =	vld [tilespmem:s21+$0xD0];
	v0 =	vadd.f32 v2, v0;
	v2 =	vmul.f32 v5, v4  }
0x2d: {  	v10 =	vld [tilespmem:s21+$0x34D0]  }
0x2e: {  	v3 =	vld [tilespmem:s21+$0x34E0];
	v1 =	vmul.f32 v6, v1;
	v2 =	vadd.f32 v2, v0  }
0x2f: {  	v0 =	vld [tilespmem:s21+$0xE0]  }
0x30: {  	v4 =	vld [tilespmem:s21+$0x34F0];
	v6 =	vmul.f32 v8, v7;
	v5 =	vadd.f32 v1, v2  }
0x31: {  	s22 =	simm.s32 $0x80;
	v1 =	vld [tilespmem:s21+$0xF0]  }
0x32: {  	s23 =	simm.s32 $0x400;
	v2 =	vld [tilespmem:s22+$0x80];
	v5 =	vadd.f32 v6, v5;
	v6 =	vmul.f32 v10, v9  }
.LBB2_3:
0x33: {  	p1 =	sne.s32 s23, $0xCE00;
	v7 =	vld [tilespmem:s22+$0x3480]  }
0x34: {  	v8 =	vld [tilespmem:s22+$0x90];
	v5 =	vadd.f32 v6, v5;
	v0 =	vmul.f32 v3, v0  }
0x35: {  	v3 =	vld [tilespmem:s22+$0x3490]  }
0x36: {  	v6 =	vld [tilespmem:s22+$0xA0];
	v0 =	vadd.f32 v0, v5;
	v1 =	vmul.f32 v4, v1  }
0x37: {  	v4 =	vld [tilespmem:s22+$0x34A0]  }
0x38: {  	v2 =	vmul.f32 v7, v2;
	v5 =	vld [tilespmem:s22+$0xB0];
	v0 =	vadd.f32 v1, v0  }
0x39: {  	v1 =	vld [tilespmem:s22+$0x34B0]  }
0x3a: {  	v2 =	vadd.f32 $0.0e+00, v2;
	v3 =	vmul.f32 v3, v8;
	v7 =	vld [tilespmem:s22+$0xC0];
	[tilespmem:s21+$0x6880] =	vst v0;
	s21 =	smov.u32 s22  }
0x3b: {  	v8 =	vld [tilespmem:s21+$0x34C0]  }
0x3c: {  	v0 =	vadd.f32 v3, v2;
	v2 =	vmul.f32 v4, v6;
	v6 =	vld [tilespmem:s21+$0xD0]  }
0x3d: {  	v9 =	vld [tilespmem:s21+$0x34D0]  }
.Ltmp2:
0x3e: {  	v2 =	vadd.f32 v2, v0;
	v1 =	vmul.f32 v1, v5;
	v0 =	vld [tilespmem:s21+$0xE0];
	(pc) =	sbr.rel @p1 .LBB2_3-.Ltmp2, $4  }
0x3f: {  	v3 =	vld [tilespmem:s21+$0x34E0]  }
0x40: {  	v5 =	vadd.f32 v1, v2;
	v7 =	vmul.f32 v8, v7;
	v1 =	vld [tilespmem:s21+$0xF0]  }
0x41: {  	s22 =	sshra.s32 s23, $0x2;
	v4 =	vld [tilespmem:s21+$0x34F0]  }
0x42: {  	s23 =	sadd.s32 $0x200, s23;
	v2 =	vld [tilespmem:s22+$0x80];
	v5 =	vadd.f32 v7, v5;
	v6 =	vmul.f32 v9, v6  }
0x43: {  	v7 =	vld [tilespmem:s22+$0x3480]  }
0x44: {  	v8 =	vld [tilespmem:s22+$0x90];
	v5 =	vadd.f32 v6, v5;
	v0 =	vmul.f32 v3, v0  }
0x45: {  	v48 =	vld [tilespmem:s22+$0x3490]  }
0x46: {  	v49 =	vld [tilespmem:s22+$0xA0];
	v0 =	vadd.f32 v0, v5;
	v1 =	vmul.f32 v4, v1  }
0x47: {  	v50 =	vld [tilespmem:s22+$0x34A0]  }
0x48: {  	v51 =	vld [tilespmem:s22+$0xB0];
	v2 =	vmul.f32 v7, v2;
	v0 =	vadd.f32 v1, v0  }
0x49: {  	v52 =	vld [tilespmem:s22+$0x34B0]  }
0x4a: {  	v53 =	vld [tilespmem:s22+$0xC0];
	v3 =	vmul.f32 v48, v8;
	v2 =	vadd.f32 $0.0e+00, v2;
	[tilespmem:s21+$0x6880] =	vst v0  }
0x4b: {  	v0 =	vld [tilespmem:s22+$0x34C0]  }
0x4c: {  	v54 =	vmul.f32 v50, v49;
	v55 =	vld [tilespmem:s22+$0xD0];
	v2 =	vadd.f32 v3, v2  }
0x4d: {  	v56 =	vld [tilespmem:s22+$0x34D0]  }
0x4e: {  	v1 =	vmul.f32 v52, v51;
	v57 =	vld [tilespmem:s22+$0xE0];
	v2 =	vadd.f32 v54, v2  }
0x4f: {  	v58 =	vld [tilespmem:s22+$0x34E0]  }
0x50: {  	v59 =	vld [tilespmem:s22+$0xF0];
	v1 =	vadd.f32 v1, v2;
	v0 =	vmul.f32 v0, v53  }
0x51: {  	v60 =	vld [tilespmem:s22+$0x34F0]  }
0x52: {  	v61 =	vmul.f32 v56, v55;
	v0 =	vadd.f32 v0, v1;
	_ =	sdelay $0x1  }
0x53: {  	v62 =	vmul.f32 v58, v57;
	v0 =	vadd.f32 v61, v0;
	_ =	sdelay $0x1  }
0x54: {  	v63 =	vmul.f32 v60, v59;
	v0 =	vadd.f32 v62, v0;
	_ =	sdelay $0x1  }
0x55: {  	s19 =	sadd.s32 $0x1, s19;
	v0 =	vadd.f32 v63, v0  }
0x56: {  	p1 =	sne.s32 s19, $0x3  }
.Ltmp3:
0x57: {  	s20 =	sadd.s32 s5, s20;
	[tilespmem:s22+$0x6880] =	vst v0;
	(pc) =	sbr.rel @p1 .LBB2_2-.Ltmp3, $4  }
0x58: {  	[hbm4b:s20+s2] =	stream.linear.scatter [tilespmem:s16], [sflag:$0x2], $0x3400, $0x38;
	[tilespmem:$0x9C80] =	vst v63  }
0x59: {  	_ =	swait.ge [sflag:s11], $0x3400  }
0x5a: {  	[sflag:s11] =	ssyncset.done $0x0  }
0x5b: {  	[sflag:s11] =	ssyncadd.s32 $0xFFFFCC00  }
.Ltmp4:
0x5c: {  	(pc) =	sbr.rel @p0 .LBB2_9-.Ltmp4, $1  }
0x5d: {  	_ =	sdelay $0x3  }
0x5e: {  	s19 =	simm.s32 $0x0  }
0x5f: {  	[tilespmem:s19], [sflag:$0x2] =	stream.linear.gather [hbm4b:s7+s19], $0x10, $0x38;
	[tilespmem:$0x9C80] =	vst v63  }
0x60: {  	_ =	swait.ge [sflag:s11], $0x10  }
0x61: {  	[sflag:s11] =	ssyncset.done $0x0  }
0x62: {  	[sflag:s11] =	ssyncadd.s32 $0xFFFFFFF0  }
0x63: {  	[tilespmem:s13], [sflag:$0x1] =	stream.indirect.gather [hbm4b:s4+s17], $0x80, s19, s17, $0xb8;
	[tilespmem:$0x9C80] =	vst v63  }
0x64: {  	_ =	swait.ge [sflag:s14], $0x800  }
0x65: {  	[sflag:s14] =	ssyncset.done $0x0  }
0x66: {  	[sflag:s14] =	ssyncadd.s32 $0xFFFFF800  }
0x67: {  	[tilespmem:s15], [sflag:$0x2] =	stream.linear.gather [hbm4b:s8+s19], $0x800, $0x38;
	[tilespmem:$0x9C80] =	vst v63  }
0x68: {  	_ =	swait.ge [sflag:s11], $0x800  }
0x69: {  	[sflag:s11] =	ssyncset.done $0x0  }
0x6a: {  	s19 =	simm.s32 $0x0;
	[sflag:s11] =	ssyncadd.s32 $0xFFFFF800  }
0x6b: {  	v0 =	vld [tilespmem:s19+$0x80]  }
0x6c: {  	v1 =	vld [tilespmem:s19+$0x3480]  }
0x6d: {  	v2 =	vld [tilespmem:s19+$0x90]  }
0x6e: {  	v3 =	vld [tilespmem:s19+$0x3490]  }
0x6f: {  	v4 =	vld [tilespmem:s19+$0xA0]  }
0x70: {  	v5 =	vld [tilespmem:s19+$0x34A0]  }
0x71: {  	v6 =	vld [tilespmem:s19+$0x34B0];
	v0 =	vmul.f32 v1, v0  }
0x72: {  	v1 =	vld [tilespmem:s19+$0xB0]  }
0x73: {  	v7 =	vld [tilespmem:s19+$0xC0];
	v2 =	vmul.f32 v3, v2;
	v0 =	vadd.f32 $0.0e+00, v0  }
0x74: {  	v8 =	vld [tilespmem:s19+$0x34C0]  }
0x75: {  	v9 =	vld [tilespmem:s19+$0xD0];
	v0 =	vadd.f32 v2, v0;
	v2 =	vmul.f32 v5, v4  }
0x76: {  	v10 =	vld [tilespmem:s19+$0x34D0]  }
0x77: {  	v3 =	vld [tilespmem:s19+$0x34E0];
	v1 =	vmul.f32 v6, v1;
	v2 =	vadd.f32 v2, v0  }
0x78: {  	v0 =	vld [tilespmem:s19+$0xE0]  }
0x79: {  	v4 =	vld [tilespmem:s19+$0x34F0];
	v6 =	vmul.f32 v8, v7;
	v5 =	vadd.f32 v1, v2  }
0x7a: {  	s20 =	simm.s32 $0x80;
	v1 =	vld [tilespmem:s19+$0xF0]  }
0x7b: {  	s21 =	simm.s32 $0x400;
	v2 =	vld [tilespmem:s20+$0x80];
	v5 =	vadd.f32 v6, v5;
	v6 =	vmul.f32 v10, v9  }
.LBB2_7:
0x7c: {  	p1 =	sne.s32 s21, $0x1E00;
	v7 =	vld [tilespmem:s20+$0x3480]  }
0x7d: {  	v8 =	vld [tilespmem:s20+$0x90];
	v5 =	vadd.f32 v6, v5;
	v0 =	vmul.f32 v3, v0  }
0x7e: {  	v3 =	vld [tilespmem:s20+$0x3490]  }
0x7f: {  	v6 =	vld [tilespmem:s20+$0xA0];
	v0 =	vadd.f32 v0, v5;
	v1 =	vmul.f32 v4, v1  }
0x80: {  	v4 =	vld [tilespmem:s20+$0x34A0]  }
0x81: {  	v2 =	vmul.f32 v7, v2;
	v5 =	vld [tilespmem:s20+$0xB0];
	v0 =	vadd.f32 v1, v0  }
0x82: {  	v1 =	vld [tilespmem:s20+$0x34B0]  }
0x83: {  	v2 =	vadd.f32 $0.0e+00, v2;
	v3 =	vmul.f32 v3, v8;
	v7 =	vld [tilespmem:s20+$0xC0];
	[tilespmem:s19+$0x6880] =	vst v0;
	s19 =	smov.u32 s20  }
0x84: {  	v8 =	vld [tilespmem:s19+$0x34C0]  }
0x85: {  	v0 =	vadd.f32 v3, v2;
	v2 =	vmul.f32 v4, v6;
	v6 =	vld [tilespmem:s19+$0xD0]  }
0x86: {  	v9 =	vld [tilespmem:s19+$0x34D0]  }
.Ltmp5:
0x87: {  	v2 =	vadd.f32 v2, v0;
	v1 =	vmul.f32 v1, v5;
	v0 =	vld [tilespmem:s19+$0xE0];
	(pc) =	sbr.rel @p1 .LBB2_7-.Ltmp5, $4  }
0x88: {  	v3 =	vld [tilespmem:s19+$0x34E0]  }
0x89: {  	v5 =	vadd.f32 v1, v2;
	v7 =	vmul.f32 v8, v7;
	v1 =	vld [tilespmem:s19+$0xF0]  }
0x8a: {  	s20 =	sshra.s32 s21, $0x2;
	v4 =	vld [tilespmem:s19+$0x34F0]  }
0x8b: {  	s21 =	sadd.s32 $0x200, s21;
	v2 =	vld [tilespmem:s20+$0x80];
	v5 =	vadd.f32 v7, v5;
	v6 =	vmul.f32 v9, v6  }
0x8c: {  	v7 =	vld [tilespmem:s20+$0x3480]  }
0x8d: {  	v8 =	vld [tilespmem:s20+$0x90];
	v5 =	vadd.f32 v6, v5;
	v0 =	vmul.f32 v3, v0  }
0x8e: {  	v48 =	vld [tilespmem:s20+$0x3490]  }
0x8f: {  	v49 =	vld [tilespmem:s20+$0xA0];
	v0 =	vadd.f32 v0, v5;
	v1 =	vmul.f32 v4, v1  }
0x90: {  	v50 =	vld [tilespmem:s20+$0x34A0]  }
0x91: {  	v51 =	vld [tilespmem:s20+$0xB0];
	v2 =	vmul.f32 v7, v2;
	v0 =	vadd.f32 v1, v0  }
0x92: {  	v52 =	vld [tilespmem:s20+$0x34B0]  }
0x93: {  	v53 =	vld [tilespmem:s20+$0xC0];
	v3 =	vmul.f32 v48, v8;
	v2 =	vadd.f32 $0.0e+00, v2;
	[tilespmem:s19+$0x6880] =	vst v0  }
0x94: {  	v0 =	vld [tilespmem:s20+$0x34C0]  }
0x95: {  	v54 =	vmul.f32 v50, v49;
	v55 =	vld [tilespmem:s20+$0xD0];
	v2 =	vadd.f32 v3, v2  }
0x96: {  	v56 =	vld [tilespmem:s20+$0x34D0]  }
0x97: {  	v1 =	vmul.f32 v52, v51;
	v57 =	vld [tilespmem:s20+$0xE0];
	v2 =	vadd.f32 v54, v2  }
0x98: {  	v58 =	vld [tilespmem:s20+$0x34E0]  }
0x99: {  	v59 =	vld [tilespmem:s20+$0xF0];
	v1 =	vadd.f32 v1, v2;
	v0 =	vmul.f32 v0, v53  }
0x9a: {  	v60 =	vld [tilespmem:s20+$0x34F0]  }
0x9b: {  	v61 =	vmul.f32 v56, v55;
	v0 =	vadd.f32 v0, v1;
	_ =	sdelay $0x1  }
0x9c: {  	v62 =	vmul.f32 v58, v57;
	v0 =	vadd.f32 v61, v0;
	_ =	sdelay $0x1  }
0x9d: {  	v63 =	vmul.f32 v60, v59;
	v0 =	vadd.f32 v62, v0;
	_ =	sdelay $0x1  }
0x9e: {  	v0 =	vadd.f32 v63, v0;
	_ =	sdelay $0x1  }
.Ltmp6:
0x9f: {  	[tilespmem:s20+$0x6880] =	vst v0;
	(pc) =	sbr.rel .LBB2_9-.Ltmp6, $4  }
0xa0: {  	[hbm4b:s9+s2] =	stream.linear.scatter [tilespmem:s16], [sflag:$0x2], $0x800, $0x38;
	[tilespmem:$0x9C80] =	vst v63  }
0xa1: {  	_ =	swait.ge [sflag:s11], $0x800  }
0xa2: {  	[sflag:s11] =	ssyncset.done $0x0  }
0xa3: {  	[sflag:s11] =	ssyncadd.s32 $0xFFFFF800  }
.LBB2_10:
0xa4: {  	_ =	sfence.sel $0x180000  }
0xa5: {  	[bflag:$0x0] =	sbarrier.arrive $0xFFFF  }
0xa6: {  	p0 =	sne.s32 s3, $0x0;
	_ =	strace $0x90000050  }
0xa7: {  	s0 =	sadd.s32 @!p0 $0x100000, s0;
	[bflag:$0x2] =	sbarrier.arrive $0xFFFF  }
0xa8: {  	[sflag:s0] =	ssyncadd.tile.s32 @!p0 $0x1;
	_ =	shalt  }
.Lfunc_end2:
_tile_overlayer_lowered:
.L_overlay_start_2:
0xa9: {  	(tag) =	ssettag $0x2  }
0xaa: {  	s0 =	rddreg [dreg:$0x0];
	s2 =	stileid.u32  }
0xab: {  	s1 =	rddreg [dreg:$0x1];
	p0 =	sne.s32 s2, $0x0  }
0xac: {  	s3 =	rddreg [dreg:$0x2];
	[bflag:$0x3] =	sbarrier.arrive $0xFFFF;
	s2 =	simm.s32 @!p0 $0x1C02  }
0xad: {  	[timem:s3], [sflag:s2] =	dma.local @!p0 [hbm:s0], s1  }
0xae: {  	s0 =	simm.s32 @!p0 $0x2  }
0xaf: {  	_ =	swait.ge @!p0 [sflag:s0], s1  }
0xb0: {  	s1 =	ssub.s32 @!p0 $0x0, s1;
	[sflag:s0] =	ssyncset.done @!p0 $0x0  }
0xb1: {  	[sflag:s0] =	ssyncadd.s32 @!p0 s1  }
0xb2: {  	[bflag:$0x3] =	sbarrier.arrive $0xFFFF  }
0xb3: {  	_ =	shalt  }

// kernel: kernel.9.cloned.1.call-start
scs
__scs_entry_jumppad:
0x0: {  	(pc) =	sbr.rel $0x88, $3  }
0x1: {  	(tag) =	ssettag $0x0;
	lr =	simm.s32 $0x1  }
0x2: {  	[smem:$0x3F98] =	sst lr;
	_ =	strace $0xD0000000  }
0x3: {  	_ = 	snop  }
0x4: {  	_ = 	snop  }
0x5: {  	_ = 	snop  }
0x6: {  	_ = 	snop  }
0x7: {  	_ = 	snop  }
__scs_overlays_trampoline_lowered:
0x8: {  	[smem:$0x3FA7] =	sst s0  }
0x9: {  	[smem:$0x3FA8] =	sst s1  }
0xa: {  	[smem:$0x3FA9] =	sst s2  }
0xb: {  	[smem:$0x3FAA] =	sst s3  }
0xc: {  	[smem:$0x3FAB] =	sst s4  }
0xd: {  	[smem:$0x3FAC] =	sst s5  }
0xe: {  	[smem:$0x3FAD] =	sst s6  }
0xf: {  	[smem:$0x3FAE] =	sst s7  }
0x10: {  	[smem:$0x3FAF] =	sst s8  }
0x11: {  	[smem:$0x3FB0] =	sst s9;
	s0 =	simm.s32 @!p0 $0x0  }
0x12: {  	s1 =	sld [smem:$0x3F96];
	s0 =	simm.s32 @p0 $0x1  }
0x13: {  	[smem:$0x3FB1] =	sst s0;
	s0 =	simm.s32 @!p1 $0x0  }
0x14: {  	s2 =	sld [smem:$0x3F95];
	s0 =	simm.s32 @p1 $0x1  }
0x15: {  	[smem:$0x3FB2] =	sst s0;
	s0 =	simm.s32 @!p2 $0x0  }
0x16: {  	s3 =	sld [smem:$0x3FDB];
	s0 =	simm.s32 @p2 $0x1  }
0x17: {  	s4 =	simm.s32 $0x1BF5;
	[smem:$0x3FB4] =	sst s0  }
0x18: {  	s0 =	sld [smem:$0x3F97];
	_ =	swait.ge [sflag:s4], $0x0  }
0x19: {  	s7 =	sld [smem:$0x3F98]  }
0x1a: {  	s8 =	sadd.s32 $0xFFFFE003, lr  }
0x1b: {  	s9 =	sadd.s32 $0xFFFFFEF7, lr;
	s5 =	simm.s32 $0xFFFFFFFF;
	p2 =	slt.u32 s8, $0xFFFFF086  }
0x1c: {  	p1 =	slt.u32 s9, $0xF7A;
	s5 =	simm.s32 @!p2 $0x0  }
0x1d: {  	s5 =	simm.s32 @p1 $0x1;
	p0 =	seq.s32 s7, s2  }
0x1e: {  	s7 =	smul.u32 @!p0 $0xF7A, s2;
	p2 =	seq.s32 @!p0 s5, $0x0  }
0x1f: {  	s9 =	smul.u32 $0xF7A, s1;
	s8 =	simm.s32 @!p0 $0x1BF5;
	p2 =	por !p2, p0  }
0x20: {  	[sflag:s8] =	ssyncset.s32 @!p0 $0xFFFFF086;
	s6 =	sadd.s32 @!p0 s3, s7;
	s7 =	simm.s32 @!p0 $0x108  }
0x21: {  	s3 =	sadd.s32 s3, s9;
	s6 =	sadd.s32 @!p0 $0x88, s6;
	s7 =	simm.s32 @p2 $0x1082  }
0x22: {  	[simem:s7], [sflag:s8] =	dma.local @!p0 [hbm:s6], $0xF7A  }
0x23: {  	s9 =	sor.u32 $0xD0000000, s2;
	s6 =	simm.s32 $0x108;
	_ =	swait.ge @!p0 [sflag:s8], $0x0  }
0x24: {  	s3 =	sadd.s32 $0x88, s3;
	s6 =	simm.s32 @!p1 $0x1082;
	[sflag:s4] =	ssyncset.s32 $0xFFFFF086  }
0x25: {  	[simem:s6], [sflag:s4] =	dma.local [hbm:s3], $0xF7A  }
0x26: {  	[smem:$0x3F98] =	sst s1;
	(tag) =	ssettag s2;
	_ =	strace s9  }
0x27: {  	s1 =	sld [smem:$0x3FA8]  }
0x28: {  	s2 =	sld [smem:$0x3FA9]  }
0x29: {  	s4 =	sld [smem:$0x3FAB]  }
0x2a: {  	p0 =	seq.s32 s5, $0x0;
	s5 =	sld [smem:$0x3FAC]  }
0x2b: {  	s6 =	sld [smem:$0x3FAD]  }
0x2c: {  	s7 =	sld [smem:$0x3FAE]  }
0x2d: {  	s3 =	simm.s32 $0x108;
	s8 =	sld [smem:$0x3FAF]  }
0x2e: {  	s3 =	simm.s32 @!p0 $0x1082;
	s9 =	sld [smem:$0x3FB0]  }
0x2f: {  	lr =	sadd.s32 s0, s3;
	s0 =	sld [smem:$0x3FA7]  }
0x30: {  	s3 =	sld [smem:$0x3FAA]  }
0x31: {  	[smem:$0x3FB3] =	sst s10  }
0x32: {  	s10 =	sld [smem:$0x3FB1];
	_ =	sdelay $0x3  }
0x33: {  	p0 =	seq.s32 s10, $0x1;
	s10 =	sld [smem:$0x3FB3];
	_ =	sdelay $0x3  }
0x34: {  	[smem:$0x3FB3] =	sst s10  }
0x35: {  	s10 =	sld [smem:$0x3FB2];
	_ =	sdelay $0x3  }
0x36: {  	p1 =	seq.s32 s10, $0x1;
	s10 =	sld [smem:$0x3FB3];
	_ =	sdelay $0x3  }
0x37: {  	[smem:$0x3FB3] =	sst s10  }
0x38: {  	s10 =	sld [smem:$0x3FB4]  }
0x39: {  	_ = 	snop;
	(pc) =	sbr.ind lr, $3  }
0x3a: {  	_ = 	snop  }
0x3b: {  	_ = 	snop  }
0x3c: {  	p2 =	seq.s32 s10, $0x1;
	s10 =	sld [smem:$0x3FB3]  }
0x3d: {  	_ =	shalt  }
0x3e: {  	_ =	shalt  }
0x3f: {  	_ =	shalt  }
0x40: {  	_ =	shalt  }
0x41: {  	_ =	shalt  }
0x42: {  	_ =	shalt  }
0x43: {  	_ =	shalt  }
0x44: {  	_ =	shalt  }
0x45: {  	_ =	shalt  }
0x46: {  	_ =	shalt  }
0x47: {  	_ =	shalt  }
0x48: {  	_ =	shalt  }
0x49: {  	_ =	shalt  }
0x4a: {  	_ =	shalt  }
0x4b: {  	_ =	shalt  }
0x4c: {  	_ =	shalt  }
0x4d: {  	_ =	shalt  }
0x4e: {  	_ =	shalt  }
0x4f: {  	_ =	shalt  }
0x50: {  	_ =	shalt  }
0x51: {  	_ =	shalt  }
0x52: {  	_ =	shalt  }
0x53: {  	_ =	shalt  }
0x54: {  	_ =	shalt  }
0x55: {  	_ =	shalt  }
0x56: {  	_ =	shalt  }
0x57: {  	_ =	shalt  }
0x58: {  	_ =	shalt  }
0x59: {  	_ =	shalt  }
0x5a: {  	_ =	shalt  }
0x5b: {  	_ =	shalt  }
0x5c: {  	_ =	shalt  }
0x5d: {  	_ =	shalt  }
0x5e: {  	_ =	shalt  }
0x5f: {  	_ =	shalt  }
0x60: {  	_ =	shalt  }
0x61: {  	_ =	shalt  }
0x62: {  	_ =	shalt  }
0x63: {  	_ =	shalt  }
0x64: {  	_ =	shalt  }
0x65: {  	_ =	shalt  }
0x66: {  	_ =	shalt  }
0x67: {  	_ =	shalt  }
0x68: {  	_ =	shalt  }
0x69: {  	_ =	shalt  }
0x6a: {  	_ =	shalt  }
0x6b: {  	_ =	shalt  }
0x6c: {  	_ =	shalt  }
0x6d: {  	_ =	shalt  }
0x6e: {  	_ =	shalt  }
0x6f: {  	_ =	shalt  }
0x70: {  	_ =	shalt  }
0x71: {  	_ =	shalt  }
0x72: {  	_ =	shalt  }
0x73: {  	_ =	shalt  }
0x74: {  	_ =	shalt  }
0x75: {  	_ =	shalt  }
0x76: {  	_ =	shalt  }
0x77: {  	_ =	shalt  }
0x78: {  	_ =	shalt  }
0x79: {  	_ =	shalt  }
0x7a: {  	_ =	shalt  }
0x7b: {  	_ =	shalt  }
0x7c: {  	_ =	shalt  }
0x7d: {  	_ =	shalt  }
0x7e: {  	_ =	shalt  }
0x7f: {  	_ =	shalt  }
0x80: {  	_ =	shalt  }
0x81: {  	_ =	shalt  }
0x82: {  	_ =	shalt  }
0x83: {  	_ =	shalt  }
0x84: {  	_ =	shalt  }
0x85: {  	_ =	shalt  }
0x86: {  	_ =	shalt  }
0x87: {  	_ =	shalt  }
.Lfunc_end0:
.L_simem_size_0:
called_computation_lowered:
.L_overlay_start_0:
0x88: {  	s2 =	sld [smem:$0x3FD9]  }
0x89: {  	s3 =	sld [smem:$0x3FFE];
	_ =	sdelay $0x1  }
0x8a: {  	s1 =	srdreg.scid  }
0x8b: {  	s0 =	sand.u32 $0x1, s1  }
0x8c: {  	s16 =	sshll.u32 s0, $0xA;
	s2 =	sadd.s32 s3, s2  }
0x8d: {  	s2 =	sadd.s32 s2, s16  }
0x8e: {  	[smem:$0x3FBF] =	sst s2  }
0x8f: {  	_ = 	snop  }
0x90: {  	(tm) =	ssettm $0x1  }
0x91: {  	s17 =	sld [smem:$0x3FFB];
	_ =	sdelay $0x3  }
0x92: {  	_ =	strace s17  }
0x93: {  	s2 =	sld [smem:$0x3FFC];
	_ =	sdelay $0x3  }
0x94: {  	_ =	strace s2  }
0x95: {  	s2 =	sld [smem:$0x3FFD];
	_ =	sdelay $0x3  }
0x96: {  	_ =	strace s2  }
0x97: {  	_ =	strace $0x8FFFFFFF  }
0x98: {  	s18 =	sld [smem:$0x3FDB];
	_ =	sdelay $0x1  }
0x99: {  	s19 =	simm.s32 $_scs_section_size  }
0x9a: {  	s4 =	simm.s32 $_size__tile_overlayer_lowered;
	s5 =	simm.s32 $_tile_overlayer_lowered  }
0x9b: {  	s22 =	simm.s32 $0x1BFF;
	s21 =	sshll.u32 s5, $0x1;
	s2 =	sadd.s32 s19, s18  }
0x9c: {  	s6 =	simm.s32 $0x0;
	s20 =	sshll.u32 s4, $0x1;
	s4 =	sadd.s32 s21, s2  }
0x9d: {  	[timem:s6], [sflag:s22] =	dma.local [hbm:s4], s20  }
0x9e: {  	_ =	swait.ge [sflag:s22], s20  }
0x9f: {  	s3 =	ssub.s32 $0x0, s20;
	[sflag:s22] =	ssyncset.done $0x0  }
0xa0: {  	[sflag:s22] =	ssyncadd.s32 s3;
	_ =	sdelay $0x1  }
0xa1: {  	s23 =	simm.s32 $0x1B8B  }
0xa2: {  	_ =	swait.ge [sflag:s23], $0x1  }
0xa3: {  	[sflag:s23] =	ssyncset.done $0x0  }
0xa4: {  	s25 =	simm.s32 $0x1B8E;
	s24 =	sld [smem:$0x3FFE];
	[sflag:s23] =	ssyncadd.s32 $0xFFFFFFFF  }
0xa5: {  	s26 =	simm.s32 $execute0_lowered;
	[smem:$0x3FD2] =	sst s25  }
0xa6: {  	s4 =	sshll.u32 s26, $0x1;
	_ =	strace $0x80000046;
	[dreg:$0x1] =	wrdreg $0xFFFFFFFF  }
0xa7: {  	s28 =	simm.s32 $_size_execute0_lowered;
	s2 =	sadd.s32 s2, s4;
	[dreg:$0x0] =	wrdreg $0x0  }
0xa8: {  	s4 =	sshll.u32 s28, $0x1;
	[dreg:$0x2] =	wrdreg s2  }
0xa9: {  	[dreg:$0x3] =	wrdreg s4  }
0xaa: {  	[dreg:$0x4] =	wrdreg $0xC0  }
0xab: {  	_ =	task [dreg:s6], $0x5FFFF  }
0xac: {  	[dreg:$0x1] =	wrdreg $0xFFFFFFFF  }
0xad: {  	[dreg:$0x0] =	wrdreg $0x60  }
0xae: {  	[dreg:$0x2] =	wrdreg s24  }
0xaf: {  	[dreg:$0x3] =	wrdreg $0x0  }
0xb0: {  	[dreg:$0x4] =	wrdreg $0x9  }
0xb1: {  	_ =	task.clear_ibuf [dreg:s6], $0x5FFFF;
	_ =	strace $0x90000046  }
0xb2: {  	s29 =	simm.s32 $0x9;
	_ =	strace $0x80000048  }
0xb3: {  	_ =	swait.ge [sflag:s29], $0x1  }
0xb4: {  	[sflag:s29] =	ssyncadd.s32 $0xFFFFFFFF  }
0xb5: {  	_ =	strace $0x90000048  }
0xb6: {  	_ =	sfence  }
0xb7: {  	s30 =	sld [smem:$0x0];
	_ =	sdelay $0x2  }
0xb8: {  	s31 =	sshll.u32 s1, $0xD;
	s1 =	sshrl.u32 s1, $0x2  }
0xb9: {  	s3 =	sand.u32 $0x4000, s31;
	s1 =	sadd.s32 s1, s30  }
0xba: {  	s0 =	sor.u32 s3, s0;
	s1 =	sshll.u32 s1, $0x11  }
0xbb: {  	s0 =	sor.u32 s1, s0  }
0xbc: {  	s0 =	sadd.s32 $0x8F2B, s0  }
0xbd: {  	[sflag:s0] =	ssyncadd.remote.s32 $0x1  }
0xbe: {  	_ =	sfence.sel $0xFFFF  }
0xbf: {  	[dreg:$0x0] =	wrdreg $0xFFFFFFFF;
	(pc) =	sbr.abs _section_cstart, $3  }
0xc0: {  	[dreg:$0x1] =	wrdreg $0xFFFFFFFF  }
0xc1: {  	_ =	task.clear_ibuf [dreg:s6], $0x2FFFF;
	_ =	strace $0x9FFFFFFF  }
0xc2: {  	(tm) =	ssettm $0x7FFFFFFF  }
0xc3: {  	_ =	shalt  }
tec
execute0_lowered:
.L_overlay_start_1:
0x0: {  	(tag) =	ssettag $0x1  }
0x1: {  	s7 =	rddreg [dreg:$0x0]  }
0x2: {  	s1 =	rddreg [dreg:$0x1]  }
0x3: {  	s0 =	rddreg [dreg:$0x2];
	s2 =	simm.s32 $0x0;
	s13 =	stileid.u32  }
0x4: {  	s5 =	srdreg.scid;
	s17 =	simm.s32 $0x1;
	s18 =	simm.s32 $0x13900  }
0x5: {  	s19 =	simm.s32 $0x7D;
	s20 =	simm.s32 $0x13980;
	s21 =	simm.s32 $0x2  }
0x6: {  	s22 =	simm.s32 $0x0;
	[smem:$0x7FF] =	sst s2;
	s8 =	smul.u32 $0x13800, s13  }
0x7: {  	s3 =	sadd.s32 $0x2C00, s7;
	s9 =	sand.u32 $0x1, s5;
	s28 =	smul.u32 $0x4E000, s13  }
0x8: {  	s10 =	sadd.s32 $0x33E00, s7;
	s29 =	sshll.u32 s13, $0x6;
	s15 =	sadd.s32 $0x138000, s1  }
0x9: {  	p0 =	sne.s32 s13, $0x0;
	_ =	strace $0x80000047;
	s5 =	ssub.s32 $0x2, s9  }
0xa: {  	s11 =	sshll.u32 s9, $0x4;
	s9 =	smul.u32 $0x138800, s9;
	s15 =	sshrl.u32 @!p0 s15, $0x3  }
0xb: {  	s4 =	sshrl.u32 s8, $0x3;
	s12 =	sshrl.u32 s5, $0x1;
	s11 =	sor.u32 s13, s11  }
0xc: {  	s6 =	sadd.s32 s4, s7;
	s4 =	sshrl.u32 s28, $0x2;
	s12 =	ssub.s32 s5, s12  }
0xd: {  	s7 =	sadd.s32 $0x33C00, s7;
	s16 =	sadd.s32 s8, s9;
	s9 =	sshrl.u32 s9, $0x3  }
0xe: {  	s14 =	sadd.s32 s4, s1;
	s4 =	smul.u32 $0x2800, s11;
	s5 =	sadd.s32 $0xCC00, s6  }
0xf: {  	s6 =	sor.u32 $0x1C03, s29;
	s30 =	sshrl.u32 s16, $0x3;
	s31 =	sadd.s32 s10, s9  }
0x10: {  	s16 =	simm.s32 $0x13880;
	s9 =	sadd.s32 s10, s30;
	s11 =	sshrl.u32 s4, $0x3  }
0x11: {  	s10 =	sadd.s32 $0x27000, s31;
	s13 =	sshrl.u32 s14, $0x3;
	s8 =	sadd.s32 s3, s11  }
0x12: {  	v0 =	vimm.f32 $1.000000000e+00;
	s14 =	simm.s32 $0x3;
	s11 =	smax.u32 s12, $0x1;
	s12 =	sadd.s32 $0x4F0, s8  }
.LBB2_1:
0x13: {  	[spmem:s13], [sflag:s6] =	dma.local [hbm:s5], $0x2700  }
0x14: {  	_ =	swait.ge [sflag:s14], $0x2700  }
0x15: {  	[sflag:s14] =	ssyncset.done $0x0  }
0x16: {  	s23 =	simm.s32 @!p0 $0x3;
	[sflag:s14] =	ssyncadd.s32 $0xFFFFD900  }
0x17: {  	[spmem:s15], [sflag:s6] =	dma.local @!p0 [hbm:s7], $0x100  }
0x18: {  	_ =	swait.ge @!p0 [sflag:s23], $0x100  }
0x19: {  	[sflag:s23] =	ssyncset.done @!p0 $0x0  }
0x1a: {  	s24 =	simm.s32 $0x200;
	[sflag:s23] =	ssyncadd.s32 @!p0 $0xFFFFFF00;
	s23 =	simm.s32 $0x0  }
.LBB2_2:
0x1b: {  	p1 =	sne.s32 s24, $0xF800;
	[tilespmem:s23+$0x139F0] =	vst v0  }
0x1c: {  	[tilespmem:s23+$0x13980] =	vst v0  }
0x1d: {  	[tilespmem:s23+$0x13990] =	vst v0  }
.Ltmp0:
0x1e: {  	[tilespmem:s23+$0x139A0] =	vst v0;
	(pc) =	sbr.rel @p1 .LBB2_2-.Ltmp0, $4  }
0x1f: {  	[tilespmem:s23+$0x139B0] =	vst v0  }
0x20: {  	[tilespmem:s23+$0x139C0] =	vst v0  }
0x21: {  	[tilespmem:s23+$0x139D0] =	vst v0  }
0x22: {  	[tilespmem:s23+$0x139E0] =	vst v0;
	s23 =	sshra.s32 s24, $0x2;
	s24 =	sadd.s32 $0x200, s24  }
0x23: {  	[tilespmem:s23+$0x139F0] =	vst v0  }
0x24: {  	[tilespmem:s23+$0x13980] =	vst v0  }
0x25: {  	[tilespmem:s23+$0x13990] =	vst v0  }
0x26: {  	[tilespmem:s23+$0x139A0] =	vst v0  }
0x27: {  	[tilespmem:s23+$0x139B0] =	vst v0  }
0x28: {  	[tilespmem:s23+$0x139C0] =	vst v0  }
0x29: {  	[tilespmem:s23+$0x139D0] =	vst v0  }
0x2a: {  	[tilespmem:s23+$0x139E0] =	vst v0;
	s28 =	simm.s32 $0x0  }
0x2b: {  	[bflag:$0x0] =	sbarrier.arrive $0xFFFF;
	s24 =	sand.u32 $0x3C00, s28  }
0x2c: {  	[tilespmem:s16], [sflag:$0x1] =	stream.linear.gather [hbm4b:s8+s2], $0x80, $0x38;
	[tilespmem:$0x17980] =	vst v63  }
0x2d: {  	s23 =	sand.u32 $0x300, s28;
	s24 =	sadd.s32 s4, s24  }
0x2e: {  	s23 =	sor.u32 s24, s23  }
0x2f: {  	_ =	swait.ge [sflag:s17], $0x80;
	s23 =	sor.u32 $0x80, s23  }
0x30: {  	[sflag:s17] =	ssyncset.done $0x0;
	s23 =	sshrl.u32 s23, $0x3  }
0x31: {  	[sflag:s17] =	ssyncadd.s32 $0xFFFFFF80;
	s23 =	sadd.s32 s3, s23  }
0x32: {  	[tilespmem:s18], [sflag:$0x2] =	stream.linear.gather [hbm4b:s23+s2], $0x80, $0x38;
	[tilespmem:$0x17980] =	vst v63  }
0x33: {  	_ = 	snop  }
0x34: {  	[spmem:s1] =	stream.indirect.scatter.add.f32 [tilespmem:s20], [sflag:$0x3], $0x80, s16, s19, $0xb8;
	[tilespmem:$0x17980] =	vst v63  }
0x35: {  	s29 =	simm.s32 $0x100;
	_ =	swait.ge [sflag:s14], $0x3E80  }
0x36: {  	s30 =	sand.u32 $0x7C00, s29;
	[sflag:s14] =	ssyncset.done $0x0  }
0x37: {  	s24 =	sadd.s32 s4, s30;
	s23 =	sand.u32 $0x300, s29;
	[sflag:s14] =	ssyncadd.s32 $0xFFFFC180  }
0x38: {  	s23 =	sor.u32 s23, s24;
	_ =	swait.ge [sflag:s21], $0x80  }
0x39: {  	s23 =	sshrl.u32 s23, $0x3;
	[sflag:s21] =	ssyncset.done $0x0  }
0x3a: {  	s23 =	sadd.s32 s3, s23;
	[sflag:s21] =	ssyncadd.s32 $0xFFFFFF80  }
0x3b: {  	[tilespmem:s16], [sflag:$0x1] =	stream.linear.gather [hbm4b:s23+s2], $0x80, $0x38;
	[tilespmem:$0x17980] =	vst v63  }
0x3c: {  	s31 =	simm.s32 $0x100  }
0x3d: {  	[spmem:s1] =	stream.indirect.scatter.add.f32 [tilespmem:s20], [sflag:$0x3], $0x80, s18, s19, $0xb8;
	[tilespmem:$0x17980] =	vst v63  }
0x3e: {  	s25 =	simm.s32 $0x300;
	s26 =	sand.u32 $0x3C00, s31;
	_ =	swait.ge [sflag:s14], $0x3E80  }
0x3f: {  	s24 =	sand.u32 $0x300, s31;
	s23 =	simm.s32 $0x200;
	[sflag:s14] =	ssyncset.done $0x0  }
.LBB2_4:
0x40: {  	s26 =	sadd.s32 s4, s26  }
0x41: {  	[sflag:s14] =	ssyncadd.s32 $0xFFFFC180;
	s28 =	smov.u32 s25;
	s29 =	sadd.s32 $0x100, s25  }
0x42: {  	p1 =	sne.s32 s25, $0x2700;
	s24 =	sor.u32 s26, s24  }
0x43: {  	_ =	swait.ge [sflag:s17], $0x80;
	s24 =	sor.u32 $0x80, s24  }
0x44: {  	[sflag:s17] =	ssyncset.done $0x0;
	s24 =	sshrl.u32 s24, $0x3  }
0x45: {  	[sflag:s17] =	ssyncadd.s32 $0xFFFFFF80;
	s24 =	sadd.s32 s3, s24  }
0x46: {  	[tilespmem:s18], [sflag:$0x2] =	stream.linear.gather [hbm4b:s24+s2], $0x80, $0x38;
	[tilespmem:$0x17980] =	vst v63  }
0x47: {  	_ = 	snop  }
0x48: {  	[spmem:s1] =	stream.indirect.scatter.add.f32 [tilespmem:s20], [sflag:$0x3], $0x80, s16, s19, $0xb8;
	[tilespmem:$0x17980] =	vst v63  }
0x49: {  	_ =	swait.ge [sflag:s14], $0x3E80  }
0x4a: {  	s24 =	sand.u32 $0x7C00, s23;
	[sflag:s14] =	ssyncset.done $0x0  }
0x4b: {  	s23 =	sand.u32 $0x300, s23;
	s24 =	sadd.s32 s4, s24;
	[sflag:s14] =	ssyncadd.s32 $0xFFFFC180  }
0x4c: {  	s24 =	sor.u32 s23, s24;
	s23 =	smov.u32 s28;
	_ =	swait.ge [sflag:s21], $0x80  }
0x4d: {  	s24 =	sshrl.u32 s24, $0x3;
	[sflag:s21] =	ssyncset.done $0x0  }
0x4e: {  	s24 =	sadd.s32 s3, s24;
	[sflag:s21] =	ssyncadd.s32 $0xFFFFFF80  }
0x4f: {  	[tilespmem:s16], [sflag:$0x1] =	stream.linear.gather [hbm4b:s24+s2], $0x80, $0x38;
	[tilespmem:$0x17980] =	vst v63  }
.Ltmp1:
0x50: {  	_ = 	snop;
	(pc) =	sbr.rel @p1 .LBB2_4-.Ltmp1, $4  }
0x51: {  	_ = 	snop  }
0x52: {  	[spmem:s1] =	stream.indirect.scatter.add.f32 [tilespmem:s20], [sflag:$0x3], $0x80, s18, s19, $0xb8;
	[tilespmem:$0x17980] =	vst v63  }
0x53: {  	s25 =	smov.u32 s29;
	s24 =	sadd.s32 $0xFFFFFF00, s23;
	_ =	swait.ge [sflag:s14], $0x3E80  }
0x54: {  	s26 =	sand.u32 $0x3C00, s24;
	s24 =	sand.u32 $0x300, s24;
	[sflag:s14] =	ssyncset.done $0x0  }
0x55: {  	s25 =	sadd.s32 s4, s26  }
0x56: {  	[sflag:s14] =	ssyncadd.s32 $0xFFFFC180;
	s24 =	sor.u32 s25, s24  }
0x57: {  	_ =	swait.ge [sflag:s17], $0x80;
	s24 =	sor.u32 $0x80, s24  }
0x58: {  	[sflag:s17] =	ssyncset.done $0x0;
	s24 =	sshrl.u32 s24, $0x3  }
0x59: {  	[sflag:s17] =	ssyncadd.s32 $0xFFFFFF80;
	s24 =	sadd.s32 s3, s24  }
0x5a: {  	[tilespmem:s18], [sflag:$0x2] =	stream.linear.gather [hbm4b:s24+s2], $0x80, $0x38;
	[tilespmem:$0x17980] =	vst v63  }
0x5b: {  	_ = 	snop  }
0x5c: {  	[spmem:s1] =	stream.indirect.scatter.add.f32 [tilespmem:s20], [sflag:$0x3], $0x80, s16, s19, $0xb8;
	[tilespmem:$0x17980] =	vst v63  }
0x5d: {  	_ =	swait.ge [sflag:s14], $0x3E80  }
0x5e: {  	s30 =	sand.u32 $0x7C00, s23;
	[sflag:s14] =	ssyncset.done $0x0  }
0x5f: {  	s31 =	sand.u32 $0x300, s23;
	s24 =	sadd.s32 s4, s30;
	[sflag:s14] =	ssyncadd.s32 $0xFFFFC180  }
0x60: {  	s23 =	sor.u32 s31, s24;
	_ =	swait.ge [sflag:s21], $0x80  }
0x61: {  	s23 =	sshrl.u32 s23, $0x3;
	[sflag:s21] =	ssyncset.done $0x0  }
0x62: {  	s23 =	sadd.s32 s3, s23;
	[sflag:s21] =	ssyncadd.s32 $0xFFFFFF80  }
0x63: {  	[tilespmem:s16], [sflag:$0x1] =	stream.linear.gather [hbm4b:s23+s2], $0x80, $0x38;
	[tilespmem:$0x17980] =	vst v63  }
0x64: {  	_ = 	snop  }
0x65: {  	[spmem:s1] =	stream.indirect.scatter.add.f32 [tilespmem:s20], [sflag:$0x3], $0x80, s18, s19, $0xb8;
	[tilespmem:$0x17980] =	vst v63  }
0x66: {  	_ =	swait.ge [sflag:s14], $0x3E80  }
0x67: {  	[sflag:s14] =	ssyncset.done $0x0  }
0x68: {  	[sflag:s14] =	ssyncadd.s32 $0xFFFFC180  }
0x69: {  	_ =	swait.ge [sflag:s17], $0x80  }
0x6a: {  	[sflag:s17] =	ssyncset.done $0x0  }
0x6b: {  	[sflag:s17] =	ssyncadd.s32 $0xFFFFFF80  }
0x6c: {  	[tilespmem:s18], [sflag:$0x2] =	stream.linear.gather [hbm4b:s12+s2], $0x80, $0x38;
	[tilespmem:$0x17980] =	vst v63  }
0x6d: {  	_ = 	snop  }
0x6e: {  	[spmem:s1] =	stream.indirect.scatter.add.f32 [tilespmem:s20], [sflag:$0x3], $0x80, s16, s19, $0xb8;
	[tilespmem:$0x17980] =	vst v63  }
0x6f: {  	_ =	swait.ge [sflag:s14], $0x3E80  }
0x70: {  	[sflag:s14] =	ssyncset.done $0x0  }
0x71: {  	[sflag:s14] =	ssyncadd.s32 $0xFFFFC180  }
0x72: {  	_ =	swait.ge [sflag:s21], $0x80  }
0x73: {  	[sflag:s21] =	ssyncset.done $0x0  }
0x74: {  	[sflag:s21] =	ssyncadd.s32 $0xFFFFFF80  }
0x75: {  	[spmem:s1] =	stream.indirect.scatter.add.f32 [tilespmem:s20], [sflag:$0x3], $0x80, s18, s19, $0xb8;
	[tilespmem:$0x17980] =	vst v63  }
0x76: {  	_ =	swait.ge [sflag:s14], $0x3E80  }
0x77: {  	[sflag:s14] =	ssyncset.done $0x0  }
0x78: {  	[sflag:s14] =	ssyncadd.s32 $0xFFFFC180  }
0x79: {  	[bflag:$0x0] =	sbarrier.arrive $0xFFFF  }
0x7a: {  	[hbm:s9], [sflag:s6] =	dma.local [spmem:s13], $0x2700  }
0x7b: {  	s22 =	sadd.s32 $0x1, s22;
	_ =	swait.ge [sflag:s14], $0x2700  }
0x7c: {  	p1 =	sne.s32 s22, s11;
	[sflag:s14] =	ssyncset.done $0x0  }
.Ltmp2:
0x7d: {  	s23 =	simm.s32 @!p0 $0x3;
	[sflag:s14] =	ssyncadd.s32 $0xFFFFD900;
	(pc) =	sbr.rel @p1 .LBB2_1-.Ltmp2, $4  }
0x7e: {  	[hbm:s10], [sflag:s6] =	dma.local @!p0 [spmem:s15], $0x100  }
0x7f: {  	_ =	swait.ge @!p0 [sflag:s23], $0x100  }
0x80: {  	[sflag:s23] =	ssyncset.done @!p0 $0x0  }
0x81: {  	[sflag:s23] =	ssyncadd.s32 @!p0 $0xFFFFFF00  }
0x82: {  	_ =	sfence.sel $0x180000  }
0x83: {  	[bflag:$0x0] =	sbarrier.arrive $0xFFFF  }
0x84: {  	_ =	strace $0x90000047  }
0x85: {  	s0 =	sadd.s32 @!p0 $0x100000, s0;
	[bflag:$0x2] =	sbarrier.arrive $0xFFFF  }
0x86: {  	[sflag:s0] =	ssyncadd.tile.s32 @!p0 $0x1;
	_ =	shalt  }
.Lfunc_end2:
_tile_overlayer_lowered:
.L_overlay_start_2:
0x87: {  	(tag) =	ssettag $0x2  }
0x88: {  	s0 =	rddreg [dreg:$0x0];
	s2 =	stileid.u32  }
0x89: {  	s1 =	rddreg [dreg:$0x1];
	p0 =	sne.s32 s2, $0x0  }
0x8a: {  	s3 =	rddreg [dreg:$0x2];
	[bflag:$0x3] =	sbarrier.arrive $0xFFFF;
	s2 =	simm.s32 @!p0 $0x1C03  }
0x8b: {  	[timem:s3], [sflag:s2] =	dma.local @!p0 [hbm:s0], s1  }
0x8c: {  	s0 =	simm.s32 @!p0 $0x3  }
0x8d: {  	_ =	swait.ge @!p0 [sflag:s0], s1  }
0x8e: {  	s1 =	ssub.s32 @!p0 $0x0, s1;
	[sflag:s0] =	ssyncset.done @!p0 $0x0  }
0x8f: {  	[sflag:s0] =	ssyncadd.s32 @!p0 s1  }
0x90: {  	[bflag:$0x3] =	sbarrier.arrive $0xFFFF  }
0x91: {  	_ =	shalt  }

</sc_bundles>
